<compile_context>
chip_gen: v7x
topology: tpu7x:2x2x1
jax: 0.10.2.dev20260603
libtpu: 0.0.44.dev20260713+nightly
codegen_flags: <defaults>
</compile_context>

<pallas_src>
import dataclasses
import functools

import jax
import jax.numpy as jnp
from jax import lax
from jax.experimental import pallas as pl
from jax.experimental.pallas import tpu as pltpu
from jax.experimental.pallas import tpu_sc as plsc

_N = 10000
_E = 320000
_D = 128
_DE = 16
_F = 128
_NEG = 0.2

_NTILES = 32
_EPT = _E // _NTILES
_K = 80
_NCH = _EPT // _K
_ZR = 80
_NZCH = _N // _ZR
_SBC = 25
_SBE = _SBC * _K
_NSB = _EPT // _SBE


def _tc_proj(x, Ws, Wd, b2, Wa):
    blk = 1000

    def body(x_ref, ws_ref, wd_ref, b_ref, wa_ref, fc_ref, dfc_ref, at_ref):
        xb = x_ref[...]
        fc_ref[...] = jnp.dot(xb, ws_ref[...], preferred_element_type=jnp.float32)
        dfc_ref[...] = jnp.dot(xb, wd_ref[...], preferred_element_type=jnp.float32) + b_ref[...]
        at_ref[...] = jnp.dot(xb, wa_ref[...], preferred_element_type=jnp.float32)

    return pl.pallas_call(
        body,
        grid=(_N // blk,),
        in_specs=[
            pl.BlockSpec((blk, _D), lambda i: (i, 0)),
            pl.BlockSpec((_D, _F), lambda i: (0, 0)),
            pl.BlockSpec((_D, _F), lambda i: (0, 0)),
            pl.BlockSpec((1, _F), lambda i: (0, 0)),
            pl.BlockSpec((_D, 2), lambda i: (0, 0)),
        ],
        out_specs=[
            pl.BlockSpec((blk, _F), lambda i: (i, 0)),
            pl.BlockSpec((blk, _F), lambda i: (i, 0)),
            pl.BlockSpec((blk, 2), lambda i: (i, 0)),
        ],
        out_shape=[
            jax.ShapeDtypeStruct((_N, _F), jnp.float32),
            jax.ShapeDtypeStruct((_N, _F), jnp.float32),
            jax.ShapeDtypeStruct((_N, 2), jnp.float32),
        ],
    )(x, Ws, Wd, b2, Wa)


def _tc_edge(fe3, wt):
    blk = 3200
    g = blk // 8

    def body(x_ref, w_ref, o_ref):
        xs = x_ref[0]
        xp = jnp.concatenate([xs[k * g:(k + 1) * g, :] for k in range(8)],
                             axis=1)
        o_ref[0] = jnp.dot(xp, w_ref[...], preferred_element_type=jnp.float32)

    return pl.pallas_call(
        body,
        grid=(_E // blk,),
        in_specs=[
            pl.BlockSpec((1, blk, _DE), lambda i: (i, 0, 0)),
            pl.BlockSpec((8 * _DE, 8), lambda i: (0, 0)),
        ],
        out_specs=pl.BlockSpec((1, g, 8), lambda i: (i, 0, 0)),
        out_shape=jax.ShapeDtypeStruct((_E // blk, g, 8), jnp.float32),
    )(fe3, wt)


def _tc_final(partials, dfc):
    blk = 1000

    def body(p0_ref, p1_ref, d_ref, o_ref):
        o_ref[...] = p0_ref[0] + p1_ref[0] + d_ref[...]

    return pl.pallas_call(
        body,
        grid=(_N // blk,),
        in_specs=[
            pl.BlockSpec((1, blk, _F), lambda i: (0, i, 0)),
            pl.BlockSpec((1, blk, _F), lambda i: (1, i, 0)),
            pl.BlockSpec((blk, _F), lambda i: (i, 0)),
        ],
        out_specs=pl.BlockSpec((blk, _F), lambda i: (i, 0)),
        out_shape=jax.ShapeDtypeStruct((_N, _F), jnp.float32),
    )(partials, partials, dfc)


def _sc_aggregate(edge_index, ae, tab, feat_fc):
    mesh = plsc.VectorSubcoreMesh(core_axis_name="c", subcore_axis_name="s")
    cp = pltpu.CompilerParams()
    if "needs_layout_passes" in pltpu.CompilerParams.__dataclass_fields__:
        cp = dataclasses.replace(cp, needs_layout_passes=False)

    @functools.partial(
        pl.kernel,
        out_type=jax.ShapeDtypeStruct((2, _N, _F), jnp.float32),
        mesh=mesh,
        scratch_types=[
            pltpu.VMEM((_SBE,), jnp.int32),
            pltpu.VMEM((_SBE,), jnp.int32),
            pltpu.VMEM((_SBE,), jnp.float32),
            pltpu.VMEM((_K,), jnp.int32),
            pltpu.VMEM((_K,), jnp.int32),
            pltpu.VMEM((_K,), jnp.float32),
            pltpu.VMEM((_K, _F), jnp.float32),
            pltpu.VMEM((_K, _F), jnp.float32),
            pltpu.VMEM((2 * _N,), jnp.float32),
            pltpu.VMEM_SHARED((_N, _F), jnp.float32),
            pltpu.SemaphoreType.DMA,
        ],
        compiler_params=cp,
    )
    def sc_kernel(ei_hbm, ae_hbm, tab_hbm, fc_hbm, out_hbm,
                  sidx_v, didx_v, ae_v, dA_v, dB_v, a_v, rowsA_v, rowsB_v,
                  tab_v, acc_sh, sem_g):
        c = lax.axis_index("c")
        s = lax.axis_index("s")
        gid = c * 16 + s
        tile_base = gid * _EPT

        pltpu.sync_copy(tab_hbm, tab_v)

        @pl.loop(0, _ZR)
        def _(i):
            for r in range(_F // 16):
                rowsA_v[i, pl.ds(r * 16, 16)] = jnp.zeros((16,), jnp.float32)

        @pl.loop(s, _NZCH, step=16)
        def _(g):
            row = pl.multiple_of(g * _ZR, 8)
            pltpu.sync_copy(rowsA_v, acc_sh.at[pl.ds(row, _ZR)])

        plsc.subcore_barrier()

        def fire_gather(j, rows_buf):
            return pltpu.async_copy(
                fc_hbm.at[sidx_v.at[pl.ds(j * _K, _K)]], rows_buf, sem_g)

        def wait_gather():
            pltpu.make_async_copy(
                fc_hbm.at[pl.ds(0, _K)], rowsA_v, sem_g).wait()

        def compute_a(j, d_buf):
            for v in range(_K // 16):
                sl = pl.ds(v * 16, 16)
                gl = pl.ds(j * _K + v * 16, 16)
                d16 = didx_v[gl]
                d_buf[sl] = d16
                e = (plsc.load_gather(tab_v, [sidx_v[gl] * 2])
                     + plsc.load_gather(tab_v, [d16 * 2 + 1])
                     + ae_v[gl])
                a_v[sl] = jnp.maximum(e, 0.0) + _NEG * jnp.minimum(e, 0.0)

        def scale(rows_buf):
            @pl.loop(0, _K, step=4)
            def _(k0):
                for u in range(4):
                    k = k0 + u
                    ak = plsc.load_gather(a_v, [jnp.zeros((16,), jnp.int32) + k])
                    for r in range(_F // 16):
                        sl = pl.ds(r * 16, 16)
                        rows_buf[k, sl] = rows_buf[k, sl] * ak

        def process(j, d_buf, rows_buf):
            compute_a(j, d_buf)
            wait_gather()
            scale(rows_buf)
            pltpu.sync_copy(rows_buf, acc_sh.at[d_buf], add=True)

        @pl.loop(0, _NSB)
        def _(sb):
            ebase = pl.multiple_of(tile_base + sb * _SBE, 8)
            pltpu.sync_copy(ei_hbm.at[pl.ds(ebase, _SBE)], sidx_v)
            pltpu.sync_copy(ei_hbm.at[pl.ds(_E + ebase, _SBE)], didx_v)
            pltpu.sync_copy(ae_hbm.at[pl.ds(ebase, _SBE)], ae_v)
            fire_gather(0, rowsA_v)

            @pl.loop(0, _SBC - 1, step=2)
            def _(j):
                fire_gather(j + 1, rowsB_v)
                process(j, dA_v, rowsA_v)
                fire_gather(j + 2, rowsA_v)
                process(j + 1, dB_v, rowsB_v)

            process(_SBC - 1, dA_v, rowsA_v)

        plsc.subcore_barrier()

        @pl.loop(s, _NZCH, step=16)
        def _(g):
            row = pl.multiple_of(g * _ZR, 8)
            pltpu.sync_copy(acc_sh.at[pl.ds(row, _ZR)],
                            out_hbm.at[c, pl.ds(row, _ZR)])

    return sc_kernel(edge_index, ae, tab, feat_fc)


def kernel(feat_src, edge_index, feat_edge, W_src, W_dst, b_dst,
           W_attn_src, W_attn_dst, W_attn_edge):
    W_attn = jnp.concatenate([W_attn_src, W_attn_dst], axis=1)
    feat_fc, dst_fc, attn2 = _tc_proj(
        feat_src, W_src, W_dst, b_dst.reshape(1, _F), W_attn)
    wt = jnp.kron(jnp.eye(8, dtype=jnp.float32), W_attn_edge)
    ae = _tc_edge(feat_edge.reshape(100, 3200, _DE), wt)
    ae = ae.transpose(0, 2, 1).reshape(_E)
    tab = attn2.reshape(2 * _N)
    partials = _sc_aggregate(edge_index.reshape(2 * _E), ae, tab, feat_fc)
    out = _tc_final(partials, dst_fc)
    return out.reshape(_N, 1, _F)

# --- scband reference (transcript-rebuilt; emitter-appended) ---
"""Pipeline reference for scband-gipaconv-52243982189091 (READ-ONLY COPY).

The authoritative reference and input builder live on the scoring server;
editing this copy changes nothing except your own understanding.
"""

import jax, jax.numpy as jnp
import numpy as np

N = 10000
E = 320000
D = 128
DE = 16
H = 1
F = 128
NEG_SLOPE = 0.2


def setup_inputs(seed: int = 0) -> dict:
    key = jax.random.key(seed)
    ks = jax.random.split(key, 10)
    feat_src = jax.random.normal(ks[0], (N, D), dtype=jnp.float32)
    edge_index = jax.random.randint(ks[1], (2, E), 0, N, dtype=jnp.int32)
    feat_edge = jax.random.normal(ks[2], (E, DE), dtype=jnp.float32)
    gain = float(np.sqrt(2.0))
    # xavier_normal std = gain * sqrt(2/(fan_in+fan_out))
    W_src = jax.random.normal(ks[3], (D, H * F), dtype=jnp.float32) * (gain * np.sqrt(2.0 / (D + H * F)))
    W_dst = jax.random.normal(ks[4], (D, H * F), dtype=jnp.float32) * (gain * np.sqrt(2.0 / (D + H * F)))
    b_dst = jnp.zeros((H * F,), dtype=jnp.float32)
    W_attn_src = jax.random.normal(ks[5], (D, H), dtype=jnp.float32) * (gain * np.sqrt(2.0 / (D + H)))
    W_attn_dst = jax.random.normal(ks[6], (D, H), dtype=jnp.float32) * (gain * np.sqrt(2.0 / (D + H)))
    W_attn_edge = jax.random.normal(ks[7], (DE, H), dtype=jnp.float32) * (gain * np.sqrt(2.0 / (DE + H)))
    return {
        "feat_src": feat_src,
        "edge_index": edge_index,
        "feat_edge": feat_edge,
        "W_src": W_src,
        "W_dst": W_dst,
        "b_dst": b_dst,
        "W_attn_src": W_attn_src,
        "W_attn_dst": W_attn_dst,
        "W_attn_edge": W_attn_edge,
    }


def reference(feat_src, edge_index, feat_edge, W_src, W_dst, b_dst, W_attn_src, W_attn_dst, W_attn_edge):
    # GIPAConv forward (eval mode: attn_drop=0, edge_drop=0, no symmetric norm,
    # residual=True via dst_fc, use_attn_dst=True, edge features used, leaky_relu edge activation)
    n_nodes = feat_src.shape[0]
    src = edge_index[0]
    dst = edge_index[1]

    feat_dst = feat_src  # graph is not a block

    feat_src_fc = (feat_src @ W_src).reshape(n_nodes, H, F)
    feat_dst_fc = (feat_dst @ W_dst + b_dst).reshape(n_nodes, H, F)

    attn_src = (feat_src @ W_attn_src).reshape(n_nodes, H, 1)
    attn_dst = (feat_dst @ W_attn_dst).reshape(n_nodes, H, 1)

    # u_add_v: per-edge attention logits
    e = jnp.take(attn_src, src, axis=0) + jnp.take(attn_dst, dst, axis=0)  # [E, H, 1]
    attn_edge = (feat_edge @ W_attn_edge).reshape(-1, H, 1)
    e = e + attn_edge
    e = jax.nn.leaky_relu(e, negative_slope=NEG_SLOPE)

    a = e  # no edge dropout (eval), no gcn norm adjustments

    # u_mul_e then sum over incoming edges per dst node
    m = jnp.take(feat_src_fc, src, axis=0) * a  # [E, H, F]
    rst = jax.ops.segment_sum(m, dst, num_segments=n_nodes)  # [N, H, F]

    rst = rst + feat_dst_fc  # residual via dst_fc
    return rst

if __name__ == "__main__":
    import jax
    _d = setup_inputs()
    print(jax.jit(kernel)(*tuple(_d.values())))

</pallas_src>

<mosaic_0001>
#map = affine_map<(d0, d1) -> (0)>
#map1 = affine_map<(d0, d1) -> (0, 0)>
#map2 = affine_map<(d0, d1) -> (0, 0, 0)>
module attributes {stable_mosaic.version = 14 : i64} {
  func.func @sc_kernel(%arg0: i32, %arg1: i32, %arg2: memref<640000xi32, #tpu.memory_space<hbm>>, %arg3: memref<320000xf32, #tpu.memory_space<hbm>>, %arg4: memref<20000xf32, #tpu.memory_space<hbm>>, %arg5: memref<10000x128xf32, #tpu.memory_space<hbm>>, %arg6: memref<2x10000x128xf32, #tpu.memory_space<hbm>>, %arg7: memref<2000xi32, #tpu.memory_space<vmem>>, %arg8: memref<2000xi32, #tpu.memory_space<vmem>>, %arg9: memref<2000xf32, #tpu.memory_space<vmem>>, %arg10: memref<80xi32, #tpu.memory_space<vmem>>, %arg11: memref<80xi32, #tpu.memory_space<vmem>>, %arg12: memref<80xf32, #tpu.memory_space<vmem>>, %arg13: memref<80x128xf32, #tpu.memory_space<vmem>>, %arg14: memref<80x128xf32, #tpu.memory_space<vmem>>, %arg15: memref<20000xf32, #tpu.memory_space<vmem>>, %arg16: memref<10000x128xf32, #tpu.memory_space<vmem_shared>>, %arg17: memref<!tpu.dma_semaphore, #tpu.memory_space<semaphore_mem>>) attributes {dimension_semantics = [#tpu.dimension_semantics<core_parallel>, #tpu.dimension_semantics<subcore_parallel>], iteration_bounds = array<i64: 2, 16>, scalar_prefetch = 0 : i64, scratch_operands = 11 : i64, tpu.core_type = #tpu.core_type<sc_vector_subcore>, window_params = [{transform_indices = #map}, {transform_indices = #map}, {transform_indices = #map}, {transform_indices = #map1}, {transform_indices = #map2}]} {
    %mul3A = arith.constant 16 : i32
    %mul3A_0 = arith.muli %arg0, %mul3A : i32
    %add3A = arith.addi %mul3A_0, %arg1 : i32
    %mul3A_1 = arith.constant 10000 : i32
    %mul3A_2 = arith.muli %add3A, %mul3A_1 : i32
    "tpu.region"() ({
      %run_scoped3A = tpu.sem_alloc : memref<!tpu.dma_semaphore, #tpu.memory_space<semaphore_mem>>
      tpu.enqueue_dma source(%arg4 : memref<20000xf32, #tpu.memory_space<hbm>>) target(%arg15 : memref<20000xf32, #tpu.memory_space<vmem>>) target_semaphore(%run_scoped3A : memref<!tpu.dma_semaphore, #tpu.memory_space<semaphore_mem>>)
      tpu.wait_dma2 semaphore(%run_scoped3A : memref<!tpu.dma_semaphore, #tpu.memory_space<semaphore_mem>>) src(%arg4 : memref<20000xf32, #tpu.memory_space<hbm>>) dst(%arg15 : memref<20000xf32, #tpu.memory_space<vmem>>)
      tpu.yield
    }) : () -> ()
    %scan3A = arith.constant 0 : i32
    %scan3A_3 = arith.constant 80 : i32
    %scan3A_4 = arith.addi %scan3A, %scan3A_3 : i32
    %scan3A_5 = arith.constant 1 : i32
    scf.for %scan3A_46 = %scan3A to %scan3A_4 step %scan3A_5  : i32 {
      %mul3A_47 = arith.constant 1 : i32
      %mul3A_48 = arith.muli %scan3A_46, %mul3A_47 : i32
      %add3A_49 = arith.constant 0 : i32
      %add3A_50 = arith.addi %add3A_49, %mul3A_48 : i32
      %broadcast_in_dim3A = arith.constant 0.000000e+00 : f32
      %broadcast_in_dim3A_51 = vector.broadcast %broadcast_in_dim3A : f32 to vector<16xf32>
      %swap3A = arith.index_cast %add3A_50 : i32 to index
      %swap3A_52 = arith.constant 0 : index
      %swap3A_53 = tpu.vector_load %arg13[%swap3A, %swap3A_52] {strides = array<i32>} : memref<80x128xf32, #tpu.memory_space<vmem>>, vector<16xf32>,
      tpu.vector_store %arg13[%swap3A, %swap3A_52], %broadcast_in_dim3A_51 {strides = array<i32>} : memref<80x128xf32, #tpu.memory_space<vmem>>, vector<16xf32>,
      %broadcast_in_dim3A_54 = arith.constant 0.000000e+00 : f32
      %broadcast_in_dim3A_55 = vector.broadcast %broadcast_in_dim3A_54 : f32 to vector<16xf32>
      %swap3A_56 = arith.index_cast %add3A_50 : i32 to index
      %swap3A_57 = arith.constant 16 : index
      %swap3A_58 = tpu.vector_load %arg13[%swap3A_56, %swap3A_57] {strides = array<i32>} : memref<80x128xf32, #tpu.memory_space<vmem>>, vector<16xf32>,
      tpu.vector_store %arg13[%swap3A_56, %swap3A_57], %broadcast_in_dim3A_55 {strides = array<i32>} : memref<80x128xf32, #tpu.memory_space<vmem>>, vector<16xf32>,
      %broadcast_in_dim3A_59 = arith.constant 0.000000e+00 : f32
      %broadcast_in_dim3A_60 = vector.broadcast %broadcast_in_dim3A_59 : f32 to vector<16xf32>
      %swap3A_61 = arith.index_cast %add3A_50 : i32 to index
      %swap3A_62 = arith.constant 32 : index
      %swap3A_63 = tpu.vector_load %arg13[%swap3A_61, %swap3A_62] {strides = array<i32>} : memref<80x128xf32, #tpu.memory_space<vmem>>, vector<16xf32>,
      tpu.vector_store %arg13[%swap3A_61, %swap3A_62], %broadcast_in_dim3A_60 {strides = array<i32>} : memref<80x128xf32, #tpu.memory_space<vmem>>, vector<16xf32>,
      %broadcast_in_dim3A_64 = arith.constant 0.000000e+00 : f32
      %broadcast_in_dim3A_65 = vector.broadcast %broadcast_in_dim3A_64 : f32 to vector<16xf32>
      %swap3A_66 = arith.index_cast %add3A_50 : i32 to index
      %swap3A_67 = arith.constant 48 : index
      %swap3A_68 = tpu.vector_load %arg13[%swap3A_66, %swap3A_67] {strides = array<i32>} : memref<80x128xf32, #tpu.memory_space<vmem>>, vector<16xf32>,
      tpu.vector_store %arg13[%swap3A_66, %swap3A_67], %broadcast_in_dim3A_65 {strides = array<i32>} : memref<80x128xf32, #tpu.memory_space<vmem>>, vector<16xf32>,
      %broadcast_in_dim3A_69 = arith.constant 0.000000e+00 : f32
      %broadcast_in_dim3A_70 = vector.broadcast %broadcast_in_dim3A_69 : f32 to vector<16xf32>
      %swap3A_71 = arith.index_cast %add3A_50 : i32 to index
      %swap3A_72 = arith.constant 64 : index
      %swap3A_73 = tpu.vector_load %arg13[%swap3A_71, %swap3A_72] {strides = array<i32>} : memref<80x128xf32, #tpu.memory_space<vmem>>, vector<16xf32>,
      tpu.vector_store %arg13[%swap3A_71, %swap3A_72], %broadcast_in_dim3A_70 {strides = array<i32>} : memref<80x128xf32, #tpu.memory_space<vmem>>, vector<16xf32>,
      %broadcast_in_dim3A_74 = arith.constant 0.000000e+00 : f32
      %broadcast_in_dim3A_75 = vector.broadcast %broadcast_in_dim3A_74 : f32 to vector<16xf32>
      %swap3A_76 = arith.index_cast %add3A_50 : i32 to index
      %swap3A_77 = arith.constant 80 : index
      %swap3A_78 = tpu.vector_load %arg13[%swap3A_76, %swap3A_77] {strides = array<i32>} : memref<80x128xf32, #tpu.memory_space<vmem>>, vector<16xf32>,
      tpu.vector_store %arg13[%swap3A_76, %swap3A_77], %broadcast_in_dim3A_75 {strides = array<i32>} : memref<80x128xf32, #tpu.memory_space<vmem>>, vector<16xf32>,
      %broadcast_in_dim3A_79 = arith.constant 0.000000e+00 : f32
      %broadcast_in_dim3A_80 = vector.broadcast %broadcast_in_dim3A_79 : f32 to vector<16xf32>
      %swap3A_81 = arith.index_cast %add3A_50 : i32 to index
      %swap3A_82 = arith.constant 96 : index
      %swap3A_83 = tpu.vector_load %arg13[%swap3A_81, %swap3A_82] {strides = array<i32>} : memref<80x128xf32, #tpu.memory_space<vmem>>, vector<16xf32>,
      tpu.vector_store %arg13[%swap3A_81, %swap3A_82], %broadcast_in_dim3A_80 {strides = array<i32>} : memref<80x128xf32, #tpu.memory_space<vmem>>, vector<16xf32>,
      %broadcast_in_dim3A_84 = arith.constant 0.000000e+00 : f32
      %broadcast_in_dim3A_85 = vector.broadcast %broadcast_in_dim3A_84 : f32 to vector<16xf32>
      %swap3A_86 = arith.index_cast %add3A_50 : i32 to index
      %swap3A_87 = arith.constant 112 : index
      %swap3A_88 = tpu.vector_load %arg13[%swap3A_86, %swap3A_87] {strides = array<i32>} : memref<80x128xf32, #tpu.memory_space<vmem>>, vector<16xf32>,
      tpu.vector_store %arg13[%swap3A_86, %swap3A_87], %broadcast_in_dim3A_85 {strides = array<i32>} : memref<80x128xf32, #tpu.memory_space<vmem>>, vector<16xf32>,
    }
    %scan3A_6 = arith.constant 80 : i32
    %sub3A = arith.constant 125 : i32
    %sub3A_7 = arith.subi %sub3A, %arg1 : i32
    %sub3A_8 = arith.constant 16 : i32
    %sub3A_9 = arith.constant 1 : i32
    %sub3A_10 = arith.subi %sub3A_8, %sub3A_9 : i32
    %add3A_11 = arith.addi %sub3A_7, %sub3A_10 : i32
    %div3A = arith.constant 16 : i32
    %div3A_12 = arith.divsi %add3A_11, %div3A : i32
    %while3A = arith.constant 16 : i32
    %while3A_13 = arith.constant 0 : i32
    %while3A_14 = arith.subi %div3A_12, %while3A_13 : i32
    %while3A_15 = arith.addi %while3A_13, %while3A_14 : i32
    %while3A_16 = arith.constant 1 : i32
    %while3A_17 = arith.divsi %while3A_14, %while3A_16 : i32
    %while3A_18 = arith.muli %while3A_17, %while3A_16 : i32
    %while3A_19 = arith.addi %while3A_13, %while3A_18 : i32
    %while3A_20 = arith.constant 1 : i32
    scf.for %while3A_46 = %while3A_13 to %while3A_19 step %while3A_20  : i32 {
      %mul3A_47 = arith.muli %while3A_46, %while3A : i32
      %add3A_48 = arith.addi %arg1, %mul3A_47 : i32
      %mul3A_49 = arith.constant 80 : i32
      %mul3A_50 = arith.muli %add3A_48, %mul3A_49 : i32
      %multiple_of3A = tpu.assume_multiple %mul3A_50, 8 : i32
      "tpu.region"() ({
        %run_scoped3A = tpu.sem_alloc : memref<!tpu.dma_semaphore, #tpu.memory_space<semaphore_mem>>
        %dma_start3A = arith.constant 0 : i32
        %dma_start3A_51 = tpu.memref_slice %arg16[%multiple_of3A, %dma_start3A] : memref<10000x128xf32, #tpu.memory_space<vmem_shared>> -> memref<80x128xf32, #tpu.memory_space<vmem_shared>>
        %dma_start3A_52 = arith.constant 0 : i32
        %dma_start3A_53 = tpu.memref_slice %arg16[%multiple_of3A, %dma_start3A_52] : memref<10000x128xf32, #tpu.memory_space<vmem_shared>> -> memref<80x128xf32, #tpu.memory_space<vmem_shared>>
        tpu.enqueue_dma source(%arg13 : memref<80x128xf32, #tpu.memory_space<vmem>>) target(%dma_start3A_53 : memref<80x128xf32, #tpu.memory_space<vmem_shared>>) target_semaphore(%run_scoped3A : memref<!tpu.dma_semaphore, #tpu.memory_space<semaphore_mem>>)
        %dma_wait3A = arith.constant 0 : i32
        %dma_wait3A_54 = tpu.memref_slice %arg16[%multiple_of3A, %dma_wait3A] : memref<10000x128xf32, #tpu.memory_space<vmem_shared>> -> memref<80x128xf32, #tpu.memory_space<vmem_shared>>
        %dma_wait3A_55 = arith.constant 0 : i32
        %dma_wait3A_56 = tpu.memref_slice %arg16[%multiple_of3A, %dma_wait3A_55] : memref<10000x128xf32, #tpu.memory_space<vmem_shared>> -> memref<80x128xf32, #tpu.memory_space<vmem_shared>>
        tpu.wait_dma2 semaphore(%run_scoped3A : memref<!tpu.dma_semaphore, #tpu.memory_space<semaphore_mem>>) src(%arg13 : memref<80x128xf32, #tpu.memory_space<vmem>>) dst(%dma_wait3A_56 : memref<80x128xf32, #tpu.memory_space<vmem_shared>>)
        tpu.yield
      }) : () -> ()
    }
    %while3A_21 = arith.constant 1 : i32
    scf.for %while3A_46 = %while3A_19 to %while3A_15 step %while3A_21  : i32 {
      %mul3A_47 = arith.muli %while3A_46, %while3A : i32
      %add3A_48 = arith.addi %arg1, %mul3A_47 : i32
      %mul3A_49 = arith.constant 80 : i32
      %mul3A_50 = arith.muli %add3A_48, %mul3A_49 : i32
      %multiple_of3A = tpu.assume_multiple %mul3A_50, 8 : i32
      "tpu.region"() ({
        %run_scoped3A = tpu.sem_alloc : memref<!tpu.dma_semaphore, #tpu.memory_space<semaphore_mem>>
        %dma_start3A = arith.constant 0 : i32
        %dma_start3A_51 = tpu.memref_slice %arg16[%multiple_of3A, %dma_start3A] : memref<10000x128xf32, #tpu.memory_space<vmem_shared>> -> memref<80x128xf32, #tpu.memory_space<vmem_shared>>
        %dma_start3A_52 = arith.constant 0 : i32
        %dma_start3A_53 = tpu.memref_slice %arg16[%multiple_of3A, %dma_start3A_52] : memref<10000x128xf32, #tpu.memory_space<vmem_shared>> -> memref<80x128xf32, #tpu.memory_space<vmem_shared>>
        tpu.enqueue_dma source(%arg13 : memref<80x128xf32, #tpu.memory_space<vmem>>) target(%dma_start3A_53 : memref<80x128xf32, #tpu.memory_space<vmem_shared>>) target_semaphore(%run_scoped3A : memref<!tpu.dma_semaphore, #tpu.memory_space<semaphore_mem>>)
        %dma_wait3A = arith.constant 0 : i32
        %dma_wait3A_54 = tpu.memref_slice %arg16[%multiple_of3A, %dma_wait3A] : memref<10000x128xf32, #tpu.memory_space<vmem_shared>> -> memref<80x128xf32, #tpu.memory_space<vmem_shared>>
        %dma_wait3A_55 = arith.constant 0 : i32
        %dma_wait3A_56 = tpu.memref_slice %arg16[%multiple_of3A, %dma_wait3A_55] : memref<10000x128xf32, #tpu.memory_space<vmem_shared>> -> memref<80x128xf32, #tpu.memory_space<vmem_shared>>
        tpu.wait_dma2 semaphore(%run_scoped3A : memref<!tpu.dma_semaphore, #tpu.memory_space<semaphore_mem>>) src(%arg13 : memref<80x128xf32, #tpu.memory_space<vmem>>) dst(%dma_wait3A_56 : memref<80x128xf32, #tpu.memory_space<vmem_shared>>)
        tpu.yield
      }) : () -> ()
    }
    %barrier3A = arith.constant 0 : index
    tpu.barrier barrier_id(%barrier3A)
    %scan3A_22 = arith.constant 0 : i32
    %scan3A_23 = arith.constant 5 : i32
    %scan3A_24 = arith.addi %scan3A_22, %scan3A_23 : i32
    %scan3A_25 = arith.constant 1 : i32
    scf.for %scan3A_46 = %scan3A_22 to %scan3A_24 step %scan3A_25  : i32 {
      %mul3A_47 = arith.constant 1 : i32
      %mul3A_48 = arith.muli %scan3A_46, %mul3A_47 : i32
      %add3A_49 = arith.constant 0 : i32
      %add3A_50 = arith.addi %add3A_49, %mul3A_48 : i32
      %mul3A_51 = arith.constant 2000 : i32
      %mul3A_52 = arith.muli %add3A_50, %mul3A_51 : i32
      %add3A_53 = arith.addi %mul3A_2, %mul3A_52 : i32
      %multiple_of3A = tpu.assume_multiple %add3A_53, 8 : i32
      "tpu.region"() ({
        %run_scoped3A = tpu.sem_alloc : memref<!tpu.dma_semaphore, #tpu.memory_space<semaphore_mem>>
        %dma_start3A_235 = tpu.memref_slice %arg2[%multiple_of3A] : memref<640000xi32, #tpu.memory_space<hbm>> -> memref<2000xi32, #tpu.memory_space<hbm>>
        %dma_start3A_236 = tpu.memref_slice %arg2[%multiple_of3A] : memref<640000xi32, #tpu.memory_space<hbm>> -> memref<2000xi32, #tpu.memory_space<hbm>>
        tpu.enqueue_dma source(%dma_start3A_236 : memref<2000xi32, #tpu.memory_space<hbm>>) target(%arg7 : memref<2000xi32, #tpu.memory_space<vmem>>) target_semaphore(%run_scoped3A : memref<!tpu.dma_semaphore, #tpu.memory_space<semaphore_mem>>)
        %dma_wait3A_237 = tpu.memref_slice %arg2[%multiple_of3A] : memref<640000xi32, #tpu.memory_space<hbm>> -> memref<2000xi32, #tpu.memory_space<hbm>>
        %dma_wait3A_238 = tpu.memref_slice %arg2[%multiple_of3A] : memref<640000xi32, #tpu.memory_space<hbm>> -> memref<2000xi32, #tpu.memory_space<hbm>>
        tpu.wait_dma2 semaphore(%run_scoped3A : memref<!tpu.dma_semaphore, #tpu.memory_space<semaphore_mem>>) src(%dma_wait3A_238 : memref<2000xi32, #tpu.memory_space<hbm>>) dst(%arg7 : memref<2000xi32, #tpu.memory_space<vmem>>)
        tpu.yield
      }) : () -> ()
      %add3A_54 = arith.constant 320000 : i32
      %add3A_55 = arith.addi %add3A_54, %multiple_of3A : i32
      "tpu.region"() ({
        %run_scoped3A = tpu.sem_alloc : memref<!tpu.dma_semaphore, #tpu.memory_space<semaphore_mem>>
        %dma_start3A_235 = tpu.memref_slice %arg2[%add3A_55] : memref<640000xi32, #tpu.memory_space<hbm>> -> memref<2000xi32, #tpu.memory_space<hbm>>
        %dma_start3A_236 = tpu.memref_slice %arg2[%add3A_55] : memref<640000xi32, #tpu.memory_space<hbm>> -> memref<2000xi32, #tpu.memory_space<hbm>>
        tpu.enqueue_dma source(%dma_start3A_236 : memref<2000xi32, #tpu.memory_space<hbm>>) target(%arg8 : memref<2000xi32, #tpu.memory_space<vmem>>) target_semaphore(%run_scoped3A : memref<!tpu.dma_semaphore, #tpu.memory_space<semaphore_mem>>)
        %dma_wait3A_237 = tpu.memref_slice %arg2[%add3A_55] : memref<640000xi32, #tpu.memory_space<hbm>> -> memref<2000xi32, #tpu.memory_space<hbm>>
        %dma_wait3A_238 = tpu.memref_slice %arg2[%add3A_55] : memref<640000xi32, #tpu.memory_space<hbm>> -> memref<2000xi32, #tpu.memory_space<hbm>>
        tpu.wait_dma2 semaphore(%run_scoped3A : memref<!tpu.dma_semaphore, #tpu.memory_space<semaphore_mem>>) src(%dma_wait3A_238 : memref<2000xi32, #tpu.memory_space<hbm>>) dst(%arg8 : memref<2000xi32, #tpu.memory_space<vmem>>)
        tpu.yield
      }) : () -> ()
      "tpu.region"() ({
        %run_scoped3A = tpu.sem_alloc : memref<!tpu.dma_semaphore, #tpu.memory_space<semaphore_mem>>
        %dma_start3A_235 = tpu.memref_slice %arg3[%multiple_of3A] : memref<320000xf32, #tpu.memory_space<hbm>> -> memref<2000xf32, #tpu.memory_space<hbm>>
        %dma_start3A_236 = tpu.memref_slice %arg3[%multiple_of3A] : memref<320000xf32, #tpu.memory_space<hbm>> -> memref<2000xf32, #tpu.memory_space<hbm>>
        tpu.enqueue_dma source(%dma_start3A_236 : memref<2000xf32, #tpu.memory_space<hbm>>) target(%arg9 : memref<2000xf32, #tpu.memory_space<vmem>>) target_semaphore(%run_scoped3A : memref<!tpu.dma_semaphore, #tpu.memory_space<semaphore_mem>>)
        %dma_wait3A_237 = tpu.memref_slice %arg3[%multiple_of3A] : memref<320000xf32, #tpu.memory_space<hbm>> -> memref<2000xf32, #tpu.memory_space<hbm>>
        %dma_wait3A_238 = tpu.memref_slice %arg3[%multiple_of3A] : memref<320000xf32, #tpu.memory_space<hbm>> -> memref<2000xf32, #tpu.memory_space<hbm>>
        tpu.wait_dma2 semaphore(%run_scoped3A : memref<!tpu.dma_semaphore, #tpu.memory_space<semaphore_mem>>) src(%dma_wait3A_238 : memref<2000xf32, #tpu.memory_space<hbm>>) dst(%arg9 : memref<2000xf32, #tpu.memory_space<vmem>>)
        tpu.yield
      }) : () -> ()
      %dma_start3A = arith.constant 0 : i32
      %dma_start3A_56 = tpu.memref_slice %arg7[%dma_start3A] : memref<2000xi32, #tpu.memory_space<vmem>> -> memref<80xi32, #tpu.memory_space<vmem>>
      %dma_start3A_57 = arith.constant 0 : i32
      %dma_start3A_58 = arith.constant 0 : i32
      %dma_start3A_59 = tpu.memref_slice %arg5[%dma_start3A_57, %dma_start3A_58] : memref<10000x128xf32, #tpu.memory_space<hbm>> -> memref<10000x128xf32, #tpu.memory_space<hbm>>
      tpu.enqueue_indirect_dma source(%dma_start3A_59 : memref<10000x128xf32, #tpu.memory_space<hbm>>) target(%arg13 : memref<80x128xf32, #tpu.memory_space<vmem>>) offsets(%dma_start3A_56 : memref<80xi32, #tpu.memory_space<vmem>>) semaphore(%arg17 : memref<!tpu.dma_semaphore, #tpu.memory_space<semaphore_mem>>)
      %scan3A_60 = arith.constant 0 : i32
      %scan3A_61 = arith.constant 12 : i32
      %scan3A_62 = arith.addi %scan3A_60, %scan3A_61 : i32
      %scan3A_63 = arith.constant 1 : i32
      scf.for %scan3A_235 = %scan3A_60 to %scan3A_62 step %scan3A_63  : i32 {
        %mul3A_236 = arith.constant 2 : i32
        %mul3A_237 = arith.muli %scan3A_235, %mul3A_236 : i32
        %add3A_238 = arith.constant 0 : i32
        %add3A_239 = arith.addi %add3A_238, %mul3A_237 : i32
        %add3A_240 = arith.constant 1 : i32
        %add3A_241 = arith.addi %add3A_239, %add3A_240 : i32
        %mul3A_242 = arith.constant 80 : i32
        %mul3A_243 = arith.muli %add3A_241, %mul3A_242 : i32
        %dma_start3A_244 = tpu.memref_slice %arg7[%mul3A_243] : memref<2000xi32, #tpu.memory_space<vmem>> -> memref<80xi32, #tpu.memory_space<vmem>>
        %dma_start3A_245 = arith.constant 0 : i32
        %dma_start3A_246 = arith.constant 0 : i32
        %dma_start3A_247 = tpu.memref_slice %arg5[%dma_start3A_245, %dma_start3A_246] : memref<10000x128xf32, #tpu.memory_space<hbm>> -> memref<10000x128xf32, #tpu.memory_space<hbm>>
        tpu.enqueue_indirect_dma source(%dma_start3A_247 : memref<10000x128xf32, #tpu.memory_space<hbm>>) target(%arg14 : memref<80x128xf32, #tpu.memory_space<vmem>>) offsets(%dma_start3A_244 : memref<80xi32, #tpu.memory_space<vmem>>) semaphore(%arg17 : memref<!tpu.dma_semaphore, #tpu.memory_space<semaphore_mem>>)
        %mul3A_248 = arith.constant 80 : i32
        %mul3A_249 = arith.muli %add3A_239, %mul3A_248 : i32
        %add3A_250 = arith.constant 0 : i32
        %add3A_251 = arith.addi %mul3A_249, %add3A_250 : i32
        %get3A_252 = arith.index_cast %add3A_251 : i32 to index
        %get3A_253 = tpu.vector_load %arg8[%get3A_252] {strides = array<i32>} : memref<2000xi32, #tpu.memory_space<vmem>>, vector<16xi32>,
        %swap3A_254 = arith.constant 0 : index
        %swap3A_255 = tpu.vector_load %arg10[%swap3A_254] {strides = array<i32>} : memref<80xi32, #tpu.memory_space<vmem>>, vector<16xi32>,
        tpu.vector_store %arg10[%swap3A_254], %get3A_253 {strides = array<i32>} : memref<80xi32, #tpu.memory_space<vmem>>, vector<16xi32>,
        %get3A_256 = arith.index_cast %add3A_251 : i32 to index
        %get3A_257 = tpu.vector_load %arg7[%get3A_256] {strides = array<i32>} : memref<2000xi32, #tpu.memory_space<vmem>>, vector<16xi32>,
        %mul3A_258 = arith.constant 2 : i32
        %mul3A_259 = vector.broadcast %mul3A_258 : i32 to vector<16xi32>
        %mul3A_260 = arith.muli %get3A_257, %mul3A_259 : vector<16xi32>
        %gather3A_261 = tpu.vector_load_idx %arg15[%mul3A_260] : memref<20000xf32, #tpu.memory_space<vmem>>[vector<16xi32>], vector<16xf32>,
        %mul3A_262 = arith.constant 2 : i32
        %mul3A_263 = vector.broadcast %mul3A_262 : i32 to vector<16xi32>
        %mul3A_264 = arith.muli %get3A_253, %mul3A_263 : vector<16xi32>
        %add3A_265 = arith.constant 1 : i32
        %add3A_266 = vector.broadcast %add3A_265 : i32 to vector<16xi32>
        %add3A_267 = arith.addi %mul3A_264, %add3A_266 : vector<16xi32>
        %gather3A_268 = tpu.vector_load_idx %arg15[%add3A_267] : memref<20000xf32, #tpu.memory_space<vmem>>[vector<16xi32>], vector<16xf32>,
        %add3A_269 = arith.addf %gather3A_261, %gather3A_268 : vector<16xf32>
        %get3A_270 = arith.index_cast %add3A_251 : i32 to index
        %get3A_271 = tpu.vector_load %arg9[%get3A_270] {strides = array<i32>} : memref<2000xf32, #tpu.memory_space<vmem>>, vector<16xf32>,
        %add3A_272 = arith.addf %add3A_269, %get3A_271 : vector<16xf32>
        %max3A_273 = arith.constant 0.000000e+00 : f32
        %max3A_274 = vector.broadcast %max3A_273 : f32 to vector<16xf32>
        %max3A_275 = arith.maximumf %add3A_272, %max3A_274 : vector<16xf32>
        %min3A_276 = arith.constant 0.000000e+00 : f32
        %min3A_277 = vector.broadcast %min3A_276 : f32 to vector<16xf32>
        %min3A_278 = arith.minimumf %add3A_272, %min3A_277 : vector<16xf32>
        %mul3A_279 = arith.constant 2.000000e-01 : f32
        %mul3A_280 = vector.broadcast %mul3A_279 : f32 to vector<16xf32>
        %mul3A_281 = arith.mulf %mul3A_280, %min3A_278 : vector<16xf32>
        %add3A_282 = arith.addf %max3A_275, %mul3A_281 : vector<16xf32>
        %swap3A_283 = arith.constant 0 : index
        %swap3A_284 = tpu.vector_load %arg12[%swap3A_283] {strides = array<i32>} : memref<80xf32, #tpu.memory_space<vmem>>, vector<16xf32>,
        tpu.vector_store %arg12[%swap3A_283], %add3A_282 {strides = array<i32>} : memref<80xf32, #tpu.memory_space<vmem>>, vector<16xf32>,
        %mul3A_285 = arith.constant 80 : i32
        %mul3A_286 = arith.muli %add3A_239, %mul3A_285 : i32
        %add3A_287 = arith.constant 16 : i32
        %add3A_288 = arith.addi %mul3A_286, %add3A_287 : i32
        %get3A_289 = arith.index_cast %add3A_288 : i32 to index
        %get3A_290 = tpu.vector_load %arg8[%get3A_289] {strides = array<i32>} : memref<2000xi32, #tpu.memory_space<vmem>>, vector<16xi32>,
        %swap3A_291 = arith.constant 16 : index
        %swap3A_292 = tpu.vector_load %arg10[%swap3A_291] {strides = array<i32>} : memref<80xi32, #tpu.memory_space<vmem>>, vector<16xi32>,
        tpu.vector_store %arg10[%swap3A_291], %get3A_290 {strides = array<i32>} : memref<80xi32, #tpu.memory_space<vmem>>, vector<16xi32>,
        %get3A_293 = arith.index_cast %add3A_288 : i32 to index
        %get3A_294 = tpu.vector_load %arg7[%get3A_293] {strides = array<i32>} : memref<2000xi32, #tpu.memory_space<vmem>>, vector<16xi32>,
        %mul3A_295 = arith.constant 2 : i32
        %mul3A_296 = vector.broadcast %mul3A_295 : i32 to vector<16xi32>
        %mul3A_297 = arith.muli %get3A_294, %mul3A_296 : vector<16xi32>
        %gather3A_298 = tpu.vector_load_idx %arg15[%mul3A_297] : memref<20000xf32, #tpu.memory_space<vmem>>[vector<16xi32>], vector<16xf32>,
        %mul3A_299 = arith.constant 2 : i32
        %mul3A_300 = vector.broadcast %mul3A_299 : i32 to vector<16xi32>
        %mul3A_301 = arith.muli %get3A_290, %mul3A_300 : vector<16xi32>
        %add3A_302 = arith.constant 1 : i32
        %add3A_303 = vector.broadcast %add3A_302 : i32 to vector<16xi32>
        %add3A_304 = arith.addi %mul3A_301, %add3A_303 : vector<16xi32>
        %gather3A_305 = tpu.vector_load_idx %arg15[%add3A_304] : memref<20000xf32, #tpu.memory_space<vmem>>[vector<16xi32>], vector<16xf32>,
        %add3A_306 = arith.addf %gather3A_298, %gather3A_305 : vector<16xf32>
        %get3A_307 = arith.index_cast %add3A_288 : i32 to index
        %get3A_308 = tpu.vector_load %arg9[%get3A_307] {strides = array<i32>} : memref<2000xf32, #tpu.memory_space<vmem>>, vector<16xf32>,
        %add3A_309 = arith.addf %add3A_306, %get3A_308 : vector<16xf32>
        %max3A_310 = arith.constant 0.000000e+00 : f32
        %max3A_311 = vector.broadcast %max3A_310 : f32 to vector<16xf32>
        %max3A_312 = arith.maximumf %add3A_309, %max3A_311 : vector<16xf32>
        %min3A_313 = arith.constant 0.000000e+00 : f32
        %min3A_314 = vector.broadcast %min3A_313 : f32 to vector<16xf32>
        %min3A_315 = arith.minimumf %add3A_309, %min3A_314 : vector<16xf32>
        %mul3A_316 = arith.constant 2.000000e-01 : f32
        %mul3A_317 = vector.broadcast %mul3A_316 : f32 to vector<16xf32>
        %mul3A_318 = arith.mulf %mul3A_317, %min3A_315 : vector<16xf32>
        %add3A_319 = arith.addf %max3A_312, %mul3A_318 : vector<16xf32>
        %swap3A_320 = arith.constant 16 : index
        %swap3A_321 = tpu.vector_load %arg12[%swap3A_320] {strides = array<i32>} : memref<80xf32, #tpu.memory_space<vmem>>, vector<16xf32>,
        tpu.vector_store %arg12[%swap3A_320], %add3A_319 {strides = array<i32>} : memref<80xf32, #tpu.memory_space<vmem>>, vector<16xf32>,
        %mul3A_322 = arith.constant 80 : i32
        %mul3A_323 = arith.muli %add3A_239, %mul3A_322 : i32
        %add3A_324 = arith.constant 32 : i32
        %add3A_325 = arith.addi %mul3A_323, %add3A_324 : i32
        %get3A_326 = arith.index_cast %add3A_325 : i32 to index
        %get3A_327 = tpu.vector_load %arg8[%get3A_326] {strides = array<i32>} : memref<2000xi32, #tpu.memory_space<vmem>>, vector<16xi32>,
        %swap3A_328 = arith.constant 32 : index
        %swap3A_329 = tpu.vector_load %arg10[%swap3A_328] {strides = array<i32>} : memref<80xi32, #tpu.memory_space<vmem>>, vector<16xi32>,
        tpu.vector_store %arg10[%swap3A_328], %get3A_327 {strides = array<i32>} : memref<80xi32, #tpu.memory_space<vmem>>, vector<16xi32>,
        %get3A_330 = arith.index_cast %add3A_325 : i32 to index
        %get3A_331 = tpu.vector_load %arg7[%get3A_330] {strides = array<i32>} : memref<2000xi32, #tpu.memory_space<vmem>>, vector<16xi32>,
        %mul3A_332 = arith.constant 2 : i32
        %mul3A_333 = vector.broadcast %mul3A_332 : i32 to vector<16xi32>
        %mul3A_334 = arith.muli %get3A_331, %mul3A_333 : vector<16xi32>
        %gather3A_335 = tpu.vector_load_idx %arg15[%mul3A_334] : memref<20000xf32, #tpu.memory_space<vmem>>[vector<16xi32>], vector<16xf32>,
        %mul3A_336 = arith.constant 2 : i32
        %mul3A_337 = vector.broadcast %mul3A_336 : i32 to vector<16xi32>
        %mul3A_338 = arith.muli %get3A_327, %mul3A_337 : vector<16xi32>
        %add3A_339 = arith.constant 1 : i32
        %add3A_340 = vector.broadcast %add3A_339 : i32 to vector<16xi32>
        %add3A_341 = arith.addi %mul3A_338, %add3A_340 : vector<16xi32>
        %gather3A_342 = tpu.vector_load_idx %arg15[%add3A_341] : memref<20000xf32, #tpu.memory_space<vmem>>[vector<16xi32>], vector<16xf32>,
        %add3A_343 = arith.addf %gather3A_335, %gather3A_342 : vector<16xf32>
        %get3A_344 = arith.index_cast %add3A_325 : i32 to index
        %get3A_345 = tpu.vector_load %arg9[%get3A_344] {strides = array<i32>} : memref<2000xf32, #tpu.memory_space<vmem>>, vector<16xf32>,
        %add3A_346 = arith.addf %add3A_343, %get3A_345 : vector<16xf32>
        %max3A_347 = arith.constant 0.000000e+00 : f32
        %max3A_348 = vector.broadcast %max3A_347 : f32 to vector<16xf32>
        %max3A_349 = arith.maximumf %add3A_346, %max3A_348 : vector<16xf32>
        %min3A_350 = arith.constant 0.000000e+00 : f32
        %min3A_351 = vector.broadcast %min3A_350 : f32 to vector<16xf32>
        %min3A_352 = arith.minimumf %add3A_346, %min3A_351 : vector<16xf32>
        %mul3A_353 = arith.constant 2.000000e-01 : f32
        %mul3A_354 = vector.broadcast %mul3A_353 : f32 to vector<16xf32>
        %mul3A_355 = arith.mulf %mul3A_354, %min3A_352 : vector<16xf32>
        %add3A_356 = arith.addf %max3A_349, %mul3A_355 : vector<16xf32>
        %swap3A_357 = arith.constant 32 : index
        %swap3A_358 = tpu.vector_load %arg12[%swap3A_357] {strides = array<i32>} : memref<80xf32, #tpu.memory_space<vmem>>, vector<16xf32>,
        tpu.vector_store %arg12[%swap3A_357], %add3A_356 {strides = array<i32>} : memref<80xf32, #tpu.memory_space<vmem>>, vector<16xf32>,
        %mul3A_359 = arith.constant 80 : i32
        %mul3A_360 = arith.muli %add3A_239, %mul3A_359 : i32
        %add3A_361 = arith.constant 48 : i32
        %add3A_362 = arith.addi %mul3A_360, %add3A_361 : i32
        %get3A_363 = arith.index_cast %add3A_362 : i32 to index
        %get3A_364 = tpu.vector_load %arg8[%get3A_363] {strides = array<i32>} : memref<2000xi32, #tpu.memory_space<vmem>>, vector<16xi32>,
        %swap3A_365 = arith.constant 48 : index
        %swap3A_366 = tpu.vector_load %arg10[%swap3A_365] {strides = array<i32>} : memref<80xi32, #tpu.memory_space<vmem>>, vector<16xi32>,
        tpu.vector_store %arg10[%swap3A_365], %get3A_364 {strides = array<i32>} : memref<80xi32, #tpu.memory_space<vmem>>, vector<16xi32>,
        %get3A_367 = arith.index_cast %add3A_362 : i32 to index
        %get3A_368 = tpu.vector_load %arg7[%get3A_367] {strides = array<i32>} : memref<2000xi32, #tpu.memory_space<vmem>>, vector<16xi32>,
        %mul3A_369 = arith.constant 2 : i32
        %mul3A_370 = vector.broadcast %mul3A_369 : i32 to vector<16xi32>
        %mul3A_371 = arith.muli %get3A_368, %mul3A_370 : vector<16xi32>
        %gather3A_372 = tpu.vector_load_idx %arg15[%mul3A_371] : memref<20000xf32, #tpu.memory_space<vmem>>[vector<16xi32>], vector<16xf32>,
        %mul3A_373 = arith.constant 2 : i32
        %mul3A_374 = vector.broadcast %mul3A_373 : i32 to vector<16xi32>
        %mul3A_375 = arith.muli %get3A_364, %mul3A_374 : vector<16xi32>
        %add3A_376 = arith.constant 1 : i32
        %add3A_377 = vector.broadcast %add3A_376 : i32 to vector<16xi32>
        %add3A_378 = arith.addi %mul3A_375, %add3A_377 : vector<16xi32>
        %gather3A_379 = tpu.vector_load_idx %arg15[%add3A_378] : memref<20000xf32, #tpu.memory_space<vmem>>[vector<16xi32>], vector<16xf32>,
        %add3A_380 = arith.addf %gather3A_372, %gather3A_379 : vector<16xf32>
        %get3A_381 = arith.index_cast %add3A_362 : i32 to index
        %get3A_382 = tpu.vector_load %arg9[%get3A_381] {strides = array<i32>} : memref<2000xf32, #tpu.memory_space<vmem>>, vector<16xf32>,
        %add3A_383 = arith.addf %add3A_380, %get3A_382 : vector<16xf32>
        %max3A_384 = arith.constant 0.000000e+00 : f32
        %max3A_385 = vector.broadcast %max3A_384 : f32 to vector<16xf32>
        %max3A_386 = arith.maximumf %add3A_383, %max3A_385 : vector<16xf32>
        %min3A_387 = arith.constant 0.000000e+00 : f32
        %min3A_388 = vector.broadcast %min3A_387 : f32 to vector<16xf32>
        %min3A_389 = arith.minimumf %add3A_383, %min3A_388 : vector<16xf32>
        %mul3A_390 = arith.constant 2.000000e-01 : f32
        %mul3A_391 = vector.broadcast %mul3A_390 : f32 to vector<16xf32>
        %mul3A_392 = arith.mulf %mul3A_391, %min3A_389 : vector<16xf32>
        %add3A_393 = arith.addf %max3A_386, %mul3A_392 : vector<16xf32>
        %swap3A_394 = arith.constant 48 : index
        %swap3A_395 = tpu.vector_load %arg12[%swap3A_394] {strides = array<i32>} : memref<80xf32, #tpu.memory_space<vmem>>, vector<16xf32>,
        tpu.vector_store %arg12[%swap3A_394], %add3A_393 {strides = array<i32>} : memref<80xf32, #tpu.memory_space<vmem>>, vector<16xf32>,
        %mul3A_396 = arith.constant 80 : i32
        %mul3A_397 = arith.muli %add3A_239, %mul3A_396 : i32
        %add3A_398 = arith.constant 64 : i32
        %add3A_399 = arith.addi %mul3A_397, %add3A_398 : i32
        %get3A_400 = arith.index_cast %add3A_399 : i32 to index
        %get3A_401 = tpu.vector_load %arg8[%get3A_400] {strides = array<i32>} : memref<2000xi32, #tpu.memory_space<vmem>>, vector<16xi32>,
        %swap3A_402 = arith.constant 64 : index
        %swap3A_403 = tpu.vector_load %arg10[%swap3A_402] {strides = array<i32>} : memref<80xi32, #tpu.memory_space<vmem>>, vector<16xi32>,
        tpu.vector_store %arg10[%swap3A_402], %get3A_401 {strides = array<i32>} : memref<80xi32, #tpu.memory_space<vmem>>, vector<16xi32>,
        %get3A_404 = arith.index_cast %add3A_399 : i32 to index
        %get3A_405 = tpu.vector_load %arg7[%get3A_404] {strides = array<i32>} : memref<2000xi32, #tpu.memory_space<vmem>>, vector<16xi32>,
        %mul3A_406 = arith.constant 2 : i32
        %mul3A_407 = vector.broadcast %mul3A_406 : i32 to vector<16xi32>
        %mul3A_408 = arith.muli %get3A_405, %mul3A_407 : vector<16xi32>
        %gather3A_409 = tpu.vector_load_idx %arg15[%mul3A_408] : memref<20000xf32, #tpu.memory_space<vmem>>[vector<16xi32>], vector<16xf32>,
        %mul3A_410 = arith.constant 2 : i32
        %mul3A_411 = vector.broadcast %mul3A_410 : i32 to vector<16xi32>
        %mul3A_412 = arith.muli %get3A_401, %mul3A_411 : vector<16xi32>
        %add3A_413 = arith.constant 1 : i32
        %add3A_414 = vector.broadcast %add3A_413 : i32 to vector<16xi32>
        %add3A_415 = arith.addi %mul3A_412, %add3A_414 : vector<16xi32>
        %gather3A_416 = tpu.vector_load_idx %arg15[%add3A_415] : memref<20000xf32, #tpu.memory_space<vmem>>[vector<16xi32>], vector<16xf32>,
        %add3A_417 = arith.addf %gather3A_409, %gather3A_416 : vector<16xf32>
        %get3A_418 = arith.index_cast %add3A_399 : i32 to index
        %get3A_419 = tpu.vector_load %arg9[%get3A_418] {strides = array<i32>} : memref<2000xf32, #tpu.memory_space<vmem>>, vector<16xf32>,
        %add3A_420 = arith.addf %add3A_417, %get3A_419 : vector<16xf32>
        %max3A_421 = arith.constant 0.000000e+00 : f32
        %max3A_422 = vector.broadcast %max3A_421 : f32 to vector<16xf32>
        %max3A_423 = arith.maximumf %add3A_420, %max3A_422 : vector<16xf32>
        %min3A_424 = arith.constant 0.000000e+00 : f32
        %min3A_425 = vector.broadcast %min3A_424 : f32 to vector<16xf32>
        %min3A_426 = arith.minimumf %add3A_420, %min3A_425 : vector<16xf32>
        %mul3A_427 = arith.constant 2.000000e-01 : f32
        %mul3A_428 = vector.broadcast %mul3A_427 : f32 to vector<16xf32>
        %mul3A_429 = arith.mulf %mul3A_428, %min3A_426 : vector<16xf32>
        %add3A_430 = arith.addf %max3A_423, %mul3A_429 : vector<16xf32>
        %swap3A_431 = arith.constant 64 : index
        %swap3A_432 = tpu.vector_load %arg12[%swap3A_431] {strides = array<i32>} : memref<80xf32, #tpu.memory_space<vmem>>, vector<16xf32>,
        tpu.vector_store %arg12[%swap3A_431], %add3A_430 {strides = array<i32>} : memref<80xf32, #tpu.memory_space<vmem>>, vector<16xf32>,
        %dma_wait3A_433 = arith.constant 0 : i32
        %dma_wait3A_434 = arith.constant 0 : i32
        %dma_wait3A_435 = tpu.memref_slice %arg5[%dma_wait3A_433, %dma_wait3A_434] : memref<10000x128xf32, #tpu.memory_space<hbm>> -> memref<80x128xf32, #tpu.memory_space<hbm>>
        %dma_wait3A_436 = arith.constant 0 : i32
        %dma_wait3A_437 = arith.constant 0 : i32
        %dma_wait3A_438 = tpu.memref_slice %arg5[%dma_wait3A_436, %dma_wait3A_437] : memref<10000x128xf32, #tpu.memory_space<hbm>> -> memref<80x128xf32, #tpu.memory_space<hbm>>
        tpu.wait_dma2 semaphore(%arg17 : memref<!tpu.dma_semaphore, #tpu.memory_space<semaphore_mem>>) src(%dma_wait3A_438 : memref<80x128xf32, #tpu.memory_space<hbm>>) dst(%arg13 : memref<80x128xf32, #tpu.memory_space<vmem>>)
        %scan3A_439 = arith.constant 0 : i32
        %scan3A_440 = arith.constant 20 : i32
        %scan3A_441 = arith.addi %scan3A_439, %scan3A_440 : i32
        %scan3A_442 = arith.constant 1 : i32
        scf.for %scan3A_650 = %scan3A_439 to %scan3A_441 step %scan3A_442  : i32 {
          %mul3A_651 = arith.constant 4 : i32
          %mul3A_652 = arith.muli %scan3A_650, %mul3A_651 : i32
          %add3A_653 = arith.constant 0 : i32
          %add3A_654 = arith.addi %add3A_653, %mul3A_652 : i32
          %add3A_655 = arith.constant 0 : i32
          %add3A_656 = arith.addi %add3A_654, %add3A_655 : i32
          %broadcast_in_dim3A = arith.constant 0 : i32
          %broadcast_in_dim3A_657 = vector.broadcast %broadcast_in_dim3A : i32 to vector<16xi32>
          %add3A_658 = vector.broadcast %add3A_656 : i32 to vector<16xi32>
          %add3A_659 = arith.addi %broadcast_in_dim3A_657, %add3A_658 : vector<16xi32>
          %gather3A_660 = tpu.vector_load_idx %arg12[%add3A_659] : memref<80xf32, #tpu.memory_space<vmem>>[vector<16xi32>], vector<16xf32>,
          %get3A_661 = arith.index_cast %add3A_656 : i32 to index
          %get3A_662 = arith.constant 0 : index
          %get3A_663 = tpu.vector_load %arg13[%get3A_661, %get3A_662] {strides = array<i32>} : memref<80x128xf32, #tpu.memory_space<vmem>>, vector<16xf32>,
          %mul3A_664 = arith.mulf %get3A_663, %gather3A_660 : vector<16xf32>
          %swap3A_665 = arith.index_cast %add3A_656 : i32 to index
          %swap3A_666 = arith.constant 0 : index
          %swap3A_667 = tpu.vector_load %arg13[%swap3A_665, %swap3A_666] {strides = array<i32>} : memref<80x128xf32, #tpu.memory_space<vmem>>, vector<16xf32>,
          tpu.vector_store %arg13[%swap3A_665, %swap3A_666], %mul3A_664 {strides = array<i32>} : memref<80x128xf32, #tpu.memory_space<vmem>>, vector<16xf32>,
          %get3A_668 = arith.index_cast %add3A_656 : i32 to index
          %get3A_669 = arith.constant 16 : index
          %get3A_670 = tpu.vector_load %arg13[%get3A_668, %get3A_669] {strides = array<i32>} : memref<80x128xf32, #tpu.memory_space<vmem>>, vector<16xf32>,
          %mul3A_671 = arith.mulf %get3A_670, %gather3A_660 : vector<16xf32>
          %swap3A_672 = arith.index_cast %add3A_656 : i32 to index
          %swap3A_673 = arith.constant 16 : index
          %swap3A_674 = tpu.vector_load %arg13[%swap3A_672, %swap3A_673] {strides = array<i32>} : memref<80x128xf32, #tpu.memory_space<vmem>>, vector<16xf32>,
          tpu.vector_store %arg13[%swap3A_672, %swap3A_673], %mul3A_671 {strides = array<i32>} : memref<80x128xf32, #tpu.memory_space<vmem>>, vector<16xf32>,
          %get3A_675 = arith.index_cast %add3A_656 : i32 to index
          %get3A_676 = arith.constant 32 : index
          %get3A_677 = tpu.vector_load %arg13[%get3A_675, %get3A_676] {strides = array<i32>} : memref<80x128xf32, #tpu.memory_space<vmem>>, vector<16xf32>,
          %mul3A_678 = arith.mulf %get3A_677, %gather3A_660 : vector<16xf32>
          %swap3A_679 = arith.index_cast %add3A_656 : i32 to index
          %swap3A_680 = arith.constant 32 : index
          %swap3A_681 = tpu.vector_load %arg13[%swap3A_679, %swap3A_680] {strides = array<i32>} : memref<80x128xf32, #tpu.memory_space<vmem>>, vector<16xf32>,
          tpu.vector_store %arg13[%swap3A_679, %swap3A_680], %mul3A_678 {strides = array<i32>} : memref<80x128xf32, #tpu.memory_space<vmem>>, vector<16xf32>,
          %get3A_682 = arith.index_cast %add3A_656 : i32 to index
          %get3A_683 = arith.constant 48 : index
          %get3A_684 = tpu.vector_load %arg13[%get3A_682, %get3A_683] {strides = array<i32>} : memref<80x128xf32, #tpu.memory_space<vmem>>, vector<16xf32>,
          %mul3A_685 = arith.mulf %get3A_684, %gather3A_660 : vector<16xf32>
          %swap3A_686 = arith.index_cast %add3A_656 : i32 to index
          %swap3A_687 = arith.constant 48 : index
          %swap3A_688 = tpu.vector_load %arg13[%swap3A_686, %swap3A_687] {strides = array<i32>} : memref<80x128xf32, #tpu.memory_space<vmem>>, vector<16xf32>,
          tpu.vector_store %arg13[%swap3A_686, %swap3A_687], %mul3A_685 {strides = array<i32>} : memref<80x128xf32, #tpu.memory_space<vmem>>, vector<16xf32>,
          %get3A_689 = arith.index_cast %add3A_656 : i32 to index
          %get3A_690 = arith.constant 64 : index
          %get3A_691 = tpu.vector_load %arg13[%get3A_689, %get3A_690] {strides = array<i32>} : memref<80x128xf32, #tpu.memory_space<vmem>>, vector<16xf32>,
          %mul3A_692 = arith.mulf %get3A_691, %gather3A_660 : vector<16xf32>
          %swap3A_693 = arith.index_cast %add3A_656 : i32 to index
          %swap3A_694 = arith.constant 64 : index
          %swap3A_695 = tpu.vector_load %arg13[%swap3A_693, %swap3A_694] {strides = array<i32>} : memref<80x128xf32, #tpu.memory_space<vmem>>, vector<16xf32>,
          tpu.vector_store %arg13[%swap3A_693, %swap3A_694], %mul3A_692 {strides = array<i32>} : memref<80x128xf32, #tpu.memory_space<vmem>>, vector<16xf32>,
          %get3A_696 = arith.index_cast %add3A_656 : i32 to index
          %get3A_697 = arith.constant 80 : index
          %get3A_698 = tpu.vector_load %arg13[%get3A_696, %get3A_697] {strides = array<i32>} : memref<80x128xf32, #tpu.memory_space<vmem>>, vector<16xf32>,
          %mul3A_699 = arith.mulf %get3A_698, %gather3A_660 : vector<16xf32>
          %swap3A_700 = arith.index_cast %add3A_656 : i32 to index
          %swap3A_701 = arith.constant 80 : index
          %swap3A_702 = tpu.vector_load %arg13[%swap3A_700, %swap3A_701] {strides = array<i32>} : memref<80x128xf32, #tpu.memory_space<vmem>>, vector<16xf32>,
          tpu.vector_store %arg13[%swap3A_700, %swap3A_701], %mul3A_699 {strides = array<i32>} : memref<80x128xf32, #tpu.memory_space<vmem>>, vector<16xf32>,
          %get3A_703 = arith.index_cast %add3A_656 : i32 to index
          %get3A_704 = arith.constant 96 : index
          %get3A_705 = tpu.vector_load %arg13[%get3A_703, %get3A_704] {strides = array<i32>} : memref<80x128xf32, #tpu.memory_space<vmem>>, vector<16xf32>,
          %mul3A_706 = arith.mulf %get3A_705, %gather3A_660 : vector<16xf32>
          %swap3A_707 = arith.index_cast %add3A_656 : i32 to index
          %swap3A_708 = arith.constant 96 : index
          %swap3A_709 = tpu.vector_load %arg13[%swap3A_707, %swap3A_708] {strides = array<i32>} : memref<80x128xf32, #tpu.memory_space<vmem>>, vector<16xf32>,
          tpu.vector_store %arg13[%swap3A_707, %swap3A_708], %mul3A_706 {strides = array<i32>} : memref<80x128xf32, #tpu.memory_space<vmem>>, vector<16xf32>,
          %get3A_710 = arith.index_cast %add3A_656 : i32 to index
          %get3A_711 = arith.constant 112 : index
          %get3A_712 = tpu.vector_load %arg13[%get3A_710, %get3A_711] {strides = array<i32>} : memref<80x128xf32, #tpu.memory_space<vmem>>, vector<16xf32>,
          %mul3A_713 = arith.mulf %get3A_712, %gather3A_660 : vector<16xf32>
          %swap3A_714 = arith.index_cast %add3A_656 : i32 to index
          %swap3A_715 = arith.constant 112 : index
          %swap3A_716 = tpu.vector_load %arg13[%swap3A_714, %swap3A_715] {strides = array<i32>} : memref<80x128xf32, #tpu.memory_space<vmem>>, vector<16xf32>,
          tpu.vector_store %arg13[%swap3A_714, %swap3A_715], %mul3A_713 {strides = array<i32>} : memref<80x128xf32, #tpu.memory_space<vmem>>, vector<16xf32>,
          %add3A_717 = arith.constant 1 : i32
          %add3A_718 = arith.addi %add3A_654, %add3A_717 : i32
          %broadcast_in_dim3A_719 = arith.constant 0 : i32
          %broadcast_in_dim3A_720 = vector.broadcast %broadcast_in_dim3A_719 : i32 to vector<16xi32>
          %add3A_721 = vector.broadcast %add3A_718 : i32 to vector<16xi32>
          %add3A_722 = arith.addi %broadcast_in_dim3A_720, %add3A_721 : vector<16xi32>
          %gather3A_723 = tpu.vector_load_idx %arg12[%add3A_722] : memref<80xf32, #tpu.memory_space<vmem>>[vector<16xi32>], vector<16xf32>,
          %get3A_724 = arith.index_cast %add3A_718 : i32 to index
          %get3A_725 = arith.constant 0 : index
          %get3A_726 = tpu.vector_load %arg13[%get3A_724, %get3A_725] {strides = array<i32>} : memref<80x128xf32, #tpu.memory_space<vmem>>, vector<16xf32>,
          %mul3A_727 = arith.mulf %get3A_726, %gather3A_723 : vector<16xf32>
          %swap3A_728 = arith.index_cast %add3A_718 : i32 to index
          %swap3A_729 = arith.constant 0 : index
          %swap3A_730 = tpu.vector_load %arg13[%swap3A_728, %swap3A_729] {strides = array<i32>} : memref<80x128xf32, #tpu.memory_space<vmem>>, vector<16xf32>,
          tpu.vector_store %arg13[%swap3A_728, %swap3A_729], %mul3A_727 {strides = array<i32>} : memref<80x128xf32, #tpu.memory_space<vmem>>, vector<16xf32>,
          %get3A_731 = arith.index_cast %add3A_718 : i32 to index
          %get3A_732 = arith.constant 16 : index
          %get3A_733 = tpu.vector_load %arg13[%get3A_731, %get3A_732] {strides = array<i32>} : memref<80x128xf32, #tpu.memory_space<vmem>>, vector<16xf32>,
          %mul3A_734 = arith.mulf %get3A_733, %gather3A_723 : vector<16xf32>
          %swap3A_735 = arith.index_cast %add3A_718 : i32 to index
          %swap3A_736 = arith.constant 16 : index
          %swap3A_737 = tpu.vector_load %arg13[%swap3A_735, %swap3A_736] {strides = array<i32>} : memref<80x128xf32, #tpu.memory_space<vmem>>, vector<16xf32>,
          tpu.vector_store %arg13[%swap3A_735, %swap3A_736], %mul3A_734 {strides = array<i32>} : memref<80x128xf32, #tpu.memory_space<vmem>>, vector<16xf32>,
          %get3A_738 = arith.index_cast %add3A_718 : i32 to index
          %get3A_739 = arith.constant 32 : index
          %get3A_740 = tpu.vector_load %arg13[%get3A_738, %get3A_739] {strides = array<i32>} : memref<80x128xf32, #tpu.memory_space<vmem>>, vector<16xf32>,
          %mul3A_741 = arith.mulf %get3A_740, %gather3A_723 : vector<16xf32>
          %swap3A_742 = arith.index_cast %add3A_718 : i32 to index
          %swap3A_743 = arith.constant 32 : index
          %swap3A_744 = tpu.vector_load %arg13[%swap3A_742, %swap3A_743] {strides = array<i32>} : memref<80x128xf32, #tpu.memory_space<vmem>>, vector<16xf32>,
          tpu.vector_store %arg13[%swap3A_742, %swap3A_743], %mul3A_741 {strides = array<i32>} : memref<80x128xf32, #tpu.memory_space<vmem>>, vector<16xf32>,
          %get3A_745 = arith.index_cast %add3A_718 : i32 to index
          %get3A_746 = arith.constant 48 : index
          %get3A_747 = tpu.vector_load %arg13[%get3A_745, %get3A_746] {strides = array<i32>} : memref<80x128xf32, #tpu.memory_space<vmem>>, vector<16xf32>,
          %mul3A_748 = arith.mulf %get3A_747, %gather3A_723 : vector<16xf32>
          %swap3A_749 = arith.index_cast %add3A_718 : i32 to index
          %swap3A_750 = arith.constant 48 : index
          %swap3A_751 = tpu.vector_load %arg13[%swap3A_749, %swap3A_750] {strides = array<i32>} : memref<80x128xf32, #tpu.memory_space<vmem>>, vector<16xf32>,
          tpu.vector_store %arg13[%swap3A_749, %swap3A_750], %mul3A_748 {strides = array<i32>} : memref<80x128xf32, #tpu.memory_space<vmem>>, vector<16xf32>,
          %get3A_752 = arith.index_cast %add3A_718 : i32 to index
          %get3A_753 = arith.constant 64 : index
          %get3A_754 = tpu.vector_load %arg13[%get3A_752, %get3A_753] {strides = array<i32>} : memref<80x128xf32, #tpu.memory_space<vmem>>, vector<16xf32>,
          %mul3A_755 = arith.mulf %get3A_754, %gather3A_723 : vector<16xf32>
          %swap3A_756 = arith.index_cast %add3A_718 : i32 to index
          %swap3A_757 = arith.constant 64 : index
          %swap3A_758 = tpu.vector_load %arg13[%swap3A_756, %swap3A_757] {strides = array<i32>} : memref<80x128xf32, #tpu.memory_space<vmem>>, vector<16xf32>,
          tpu.vector_store %arg13[%swap3A_756, %swap3A_757], %mul3A_755 {strides = array<i32>} : memref<80x128xf32, #tpu.memory_space<vmem>>, vector<16xf32>,
          %get3A_759 = arith.index_cast %add3A_718 : i32 to index
          %get3A_760 = arith.constant 80 : index
          %get3A_761 = tpu.vector_load %arg13[%get3A_759, %get3A_760] {strides = array<i32>} : memref<80x128xf32, #tpu.memory_space<vmem>>, vector<16xf32>,
          %mul3A_762 = arith.mulf %get3A_761, %gather3A_723 : vector<16xf32>
          %swap3A_763 = arith.index_cast %add3A_718 : i32 to index
          %swap3A_764 = arith.constant 80 : index
          %swap3A_765 = tpu.vector_load %arg13[%swap3A_763, %swap3A_764] {strides = array<i32>} : memref<80x128xf32, #tpu.memory_space<vmem>>, vector<16xf32>,
          tpu.vector_store %arg13[%swap3A_763, %swap3A_764], %mul3A_762 {strides = array<i32>} : memref<80x128xf32, #tpu.memory_space<vmem>>, vector<16xf32>,
          %get3A_766 = arith.index_cast %add3A_718 : i32 to index
          %get3A_767 = arith.constant 96 : index
          %get3A_768 = tpu.vector_load %arg13[%get3A_766, %get3A_767] {strides = array<i32>} : memref<80x128xf32, #tpu.memory_space<vmem>>, vector<16xf32>,
          %mul3A_769 = arith.mulf %get3A_768, %gather3A_723 : vector<16xf32>
          %swap3A_770 = arith.index_cast %add3A_718 : i32 to index
          %swap3A_771 = arith.constant 96 : index
          %swap3A_772 = tpu.vector_load %arg13[%swap3A_770, %swap3A_771] {strides = array<i32>} : memref<80x128xf32, #tpu.memory_space<vmem>>, vector<16xf32>,
          tpu.vector_store %arg13[%swap3A_770, %swap3A_771], %mul3A_769 {strides = array<i32>} : memref<80x128xf32, #tpu.memory_space<vmem>>, vector<16xf32>,
          %get3A_773 = arith.index_cast %add3A_718 : i32 to index
          %get3A_774 = arith.constant 112 : index
          %get3A_775 = tpu.vector_load %arg13[%get3A_773, %get3A_774] {strides = array<i32>} : memref<80x128xf32, #tpu.memory_space<vmem>>, vector<16xf32>,
          %mul3A_776 = arith.mulf %get3A_775, %gather3A_723 : vector<16xf32>
          %swap3A_777 = arith.index_cast %add3A_718 : i32 to index
          %swap3A_778 = arith.constant 112 : index
          %swap3A_779 = tpu.vector_load %arg13[%swap3A_777, %swap3A_778] {strides = array<i32>} : memref<80x128xf32, #tpu.memory_space<vmem>>, vector<16xf32>,
          tpu.vector_store %arg13[%swap3A_777, %swap3A_778], %mul3A_776 {strides = array<i32>} : memref<80x128xf32, #tpu.memory_space<vmem>>, vector<16xf32>,
          %add3A_780 = arith.constant 2 : i32
          %add3A_781 = arith.addi %add3A_654, %add3A_780 : i32
          %broadcast_in_dim3A_782 = arith.constant 0 : i32
          %broadcast_in_dim3A_783 = vector.broadcast %broadcast_in_dim3A_782 : i32 to vector<16xi32>
          %add3A_784 = vector.broadcast %add3A_781 : i32 to vector<16xi32>
          %add3A_785 = arith.addi %broadcast_in_dim3A_783, %add3A_784 : vector<16xi32>
          %gather3A_786 = tpu.vector_load_idx %arg12[%add3A_785] : memref<80xf32, #tpu.memory_space<vmem>>[vector<16xi32>], vector<16xf32>,
          %get3A_787 = arith.index_cast %add3A_781 : i32 to index
          %get3A_788 = arith.constant 0 : index
          %get3A_789 = tpu.vector_load %arg13[%get3A_787, %get3A_788] {strides = array<i32>} : memref<80x128xf32, #tpu.memory_space<vmem>>, vector<16xf32>,
          %mul3A_790 = arith.mulf %get3A_789, %gather3A_786 : vector<16xf32>
          %swap3A_791 = arith.index_cast %add3A_781 : i32 to index
          %swap3A_792 = arith.constant 0 : index
          %swap3A_793 = tpu.vector_load %arg13[%swap3A_791, %swap3A_792] {strides = array<i32>} : memref<80x128xf32, #tpu.memory_space<vmem>>, vector<16xf32>,
          tpu.vector_store %arg13[%swap3A_791, %swap3A_792], %mul3A_790 {strides = array<i32>} : memref<80x128xf32, #tpu.memory_space<vmem>>, vector<16xf32>,
          %get3A_794 = arith.index_cast %add3A_781 : i32 to index
          %get3A_795 = arith.constant 16 : index
          %get3A_796 = tpu.vector_load %arg13[%get3A_794, %get3A_795] {strides = array<i32>} : memref<80x128xf32, #tpu.memory_space<vmem>>, vector<16xf32>,
          %mul3A_797 = arith.mulf %get3A_796, %gather3A_786 : vector<16xf32>
          %swap3A_798 = arith.index_cast %add3A_781 : i32 to index
          %swap3A_799 = arith.constant 16 : index
          %swap3A_800 = tpu.vector_load %arg13[%swap3A_798, %swap3A_799] {strides = array<i32>} : memref<80x128xf32, #tpu.memory_space<vmem>>, vector<16xf32>,
          tpu.vector_store %arg13[%swap3A_798, %swap3A_799], %mul3A_797 {strides = array<i32>} : memref<80x128xf32, #tpu.memory_space<vmem>>, vector<16xf32>,
          %get3A_801 = arith.index_cast %add3A_781 : i32 to index
          %get3A_802 = arith.constant 32 : index
          %get3A_803 = tpu.vector_load %arg13[%get3A_801, %get3A_802] {strides = array<i32>} : memref<80x128xf32, #tpu.memory_space<vmem>>, vector<16xf32>,
          %mul3A_804 = arith.mulf %get3A_803, %gather3A_786 : vector<16xf32>
          %swap3A_805 = arith.index_cast %add3A_781 : i32 to index
          %swap3A_806 = arith.constant 32 : index
          %swap3A_807 = tpu.vector_load %arg13[%swap3A_805, %swap3A_806] {strides = array<i32>} : memref<80x128xf32, #tpu.memory_space<vmem>>, vector<16xf32>,
          tpu.vector_store %arg13[%swap3A_805, %swap3A_806], %mul3A_804 {strides = array<i32>} : memref<80x128xf32, #tpu.memory_space<vmem>>, vector<16xf32>,
          %get3A_808 = arith.index_cast %add3A_781 : i32 to index
          %get3A_809 = arith.constant 48 : index
          %get3A_810 = tpu.vector_load %arg13[%get3A_808, %get3A_809] {strides = array<i32>} : memref<80x128xf32, #tpu.memory_space<vmem>>, vector<16xf32>,
          %mul3A_811 = arith.mulf %get3A_810, %gather3A_786 : vector<16xf32>
          %swap3A_812 = arith.index_cast %add3A_781 : i32 to index
          %swap3A_813 = arith.constant 48 : index
          %swap3A_814 = tpu.vector_load %arg13[%swap3A_812, %swap3A_813] {strides = array<i32>} : memref<80x128xf32, #tpu.memory_space<vmem>>, vector<16xf32>,
          tpu.vector_store %arg13[%swap3A_812, %swap3A_813], %mul3A_811 {strides = array<i32>} : memref<80x128xf32, #tpu.memory_space<vmem>>, vector<16xf32>,
          %get3A_815 = arith.index_cast %add3A_781 : i32 to index
          %get3A_816 = arith.constant 64 : index
          %get3A_817 = tpu.vector_load %arg13[%get3A_815, %get3A_816] {strides = array<i32>} : memref<80x128xf32, #tpu.memory_space<vmem>>, vector<16xf32>,
          %mul3A_818 = arith.mulf %get3A_817, %gather3A_786 : vector<16xf32>
          %swap3A_819 = arith.index_cast %add3A_781 : i32 to index
          %swap3A_820 = arith.constant 64 : index
          %swap3A_821 = tpu.vector_load %arg13[%swap3A_819, %swap3A_820] {strides = array<i32>} : memref<80x128xf32, #tpu.memory_space<vmem>>, vector<16xf32>,
          tpu.vector_store %arg13[%swap3A_819, %swap3A_820], %mul3A_818 {strides = array<i32>} : memref<80x128xf32, #tpu.memory_space<vmem>>, vector<16xf32>,
          %get3A_822 = arith.index_cast %add3A_781 : i32 to index
          %get3A_823 = arith.constant 80 : index
          %get3A_824 = tpu.vector_load %arg13[%get3A_822, %get3A_823] {strides = array<i32>} : memref<80x128xf32, #tpu.memory_space<vmem>>, vector<16xf32>,
          %mul3A_825 = arith.mulf %get3A_824, %gather3A_786 : vector<16xf32>
          %swap3A_826 = arith.index_cast %add3A_781 : i32 to index
          %swap3A_827 = arith.constant 80 : index
          %swap3A_828 = tpu.vector_load %arg13[%swap3A_826, %swap3A_827] {strides = array<i32>} : memref<80x128xf32, #tpu.memory_space<vmem>>, vector<16xf32>,
          tpu.vector_store %arg13[%swap3A_826, %swap3A_827], %mul3A_825 {strides = array<i32>} : memref<80x128xf32, #tpu.memory_space<vmem>>, vector<16xf32>,
          %get3A_829 = arith.index_cast %add3A_781 : i32 to index
          %get3A_830 = arith.constant 96 : index
          %get3A_831 = tpu.vector_load %arg13[%get3A_829, %get3A_830] {strides = array<i32>} : memref<80x128xf32, #tpu.memory_space<vmem>>, vector<16xf32>,
          %mul3A_832 = arith.mulf %get3A_831, %gather3A_786 : vector<16xf32>
          %swap3A_833 = arith.index_cast %add3A_781 : i32 to index
          %swap3A_834 = arith.constant 96 : index
          %swap3A_835 = tpu.vector_load %arg13[%swap3A_833, %swap3A_834] {strides = array<i32>} : memref<80x128xf32, #tpu.memory_space<vmem>>, vector<16xf32>,
          tpu.vector_store %arg13[%swap3A_833, %swap3A_834], %mul3A_832 {strides = array<i32>} : memref<80x128xf32, #tpu.memory_space<vmem>>, vector<16xf32>,
          %get3A_836 = arith.index_cast %add3A_781 : i32 to index
          %get3A_837 = arith.constant 112 : index
          %get3A_838 = tpu.vector_load %arg13[%get3A_836, %get3A_837] {strides = array<i32>} : memref<80x128xf32, #tpu.memory_space<vmem>>, vector<16xf32>,
          %mul3A_839 = arith.mulf %get3A_838, %gather3A_786 : vector<16xf32>
          %swap3A_840 = arith.index_cast %add3A_781 : i32 to index
          %swap3A_841 = arith.constant 112 : index
          %swap3A_842 = tpu.vector_load %arg13[%swap3A_840, %swap3A_841] {strides = array<i32>} : memref<80x128xf32, #tpu.memory_space<vmem>>, vector<16xf32>,
          tpu.vector_store %arg13[%swap3A_840, %swap3A_841], %mul3A_839 {strides = array<i32>} : memref<80x128xf32, #tpu.memory_space<vmem>>, vector<16xf32>,
          %add3A_843 = arith.constant 3 : i32
          %add3A_844 = arith.addi %add3A_654, %add3A_843 : i32
          %broadcast_in_dim3A_845 = arith.constant 0 : i32
          %broadcast_in_dim3A_846 = vector.broadcast %broadcast_in_dim3A_845 : i32 to vector<16xi32>
          %add3A_847 = vector.broadcast %add3A_844 : i32 to vector<16xi32>
          %add3A_848 = arith.addi %broadcast_in_dim3A_846, %add3A_847 : vector<16xi32>
          %gather3A_849 = tpu.vector_load_idx %arg12[%add3A_848] : memref<80xf32, #tpu.memory_space<vmem>>[vector<16xi32>], vector<16xf32>,
          %get3A_850 = arith.index_cast %add3A_844 : i32 to index
          %get3A_851 = arith.constant 0 : index
          %get3A_852 = tpu.vector_load %arg13[%get3A_850, %get3A_851] {strides = array<i32>} : memref<80x128xf32, #tpu.memory_space<vmem>>, vector<16xf32>,
          %mul3A_853 = arith.mulf %get3A_852, %gather3A_849 : vector<16xf32>
          %swap3A_854 = arith.index_cast %add3A_844 : i32 to index
          %swap3A_855 = arith.constant 0 : index
          %swap3A_856 = tpu.vector_load %arg13[%swap3A_854, %swap3A_855] {strides = array<i32>} : memref<80x128xf32, #tpu.memory_space<vmem>>, vector<16xf32>,
          tpu.vector_store %arg13[%swap3A_854, %swap3A_855], %mul3A_853 {strides = array<i32>} : memref<80x128xf32, #tpu.memory_space<vmem>>, vector<16xf32>,
          %get3A_857 = arith.index_cast %add3A_844 : i32 to index
          %get3A_858 = arith.constant 16 : index
          %get3A_859 = tpu.vector_load %arg13[%get3A_857, %get3A_858] {strides = array<i32>} : memref<80x128xf32, #tpu.memory_space<vmem>>, vector<16xf32>,
          %mul3A_860 = arith.mulf %get3A_859, %gather3A_849 : vector<16xf32>
          %swap3A_861 = arith.index_cast %add3A_844 : i32 to index
          %swap3A_862 = arith.constant 16 : index
          %swap3A_863 = tpu.vector_load %arg13[%swap3A_861, %swap3A_862] {strides = array<i32>} : memref<80x128xf32, #tpu.memory_space<vmem>>, vector<16xf32>,
          tpu.vector_store %arg13[%swap3A_861, %swap3A_862], %mul3A_860 {strides = array<i32>} : memref<80x128xf32, #tpu.memory_space<vmem>>, vector<16xf32>,
          %get3A_864 = arith.index_cast %add3A_844 : i32 to index
          %get3A_865 = arith.constant 32 : index
          %get3A_866 = tpu.vector_load %arg13[%get3A_864, %get3A_865] {strides = array<i32>} : memref<80x128xf32, #tpu.memory_space<vmem>>, vector<16xf32>,
          %mul3A_867 = arith.mulf %get3A_866, %gather3A_849 : vector<16xf32>
          %swap3A_868 = arith.index_cast %add3A_844 : i32 to index
          %swap3A_869 = arith.constant 32 : index
          %swap3A_870 = tpu.vector_load %arg13[%swap3A_868, %swap3A_869] {strides = array<i32>} : memref<80x128xf32, #tpu.memory_space<vmem>>, vector<16xf32>,
          tpu.vector_store %arg13[%swap3A_868, %swap3A_869], %mul3A_867 {strides = array<i32>} : memref<80x128xf32, #tpu.memory_space<vmem>>, vector<16xf32>,
          %get3A_871 = arith.index_cast %add3A_844 : i32 to index
          %get3A_872 = arith.constant 48 : index
          %get3A_873 = tpu.vector_load %arg13[%get3A_871, %get3A_872] {strides = array<i32>} : memref<80x128xf32, #tpu.memory_space<vmem>>, vector<16xf32>,
          %mul3A_874 = arith.mulf %get3A_873, %gather3A_849 : vector<16xf32>
          %swap3A_875 = arith.index_cast %add3A_844 : i32 to index
          %swap3A_876 = arith.constant 48 : index
          %swap3A_877 = tpu.vector_load %arg13[%swap3A_875, %swap3A_876] {strides = array<i32>} : memref<80x128xf32, #tpu.memory_space<vmem>>, vector<16xf32>,
          tpu.vector_store %arg13[%swap3A_875, %swap3A_876], %mul3A_874 {strides = array<i32>} : memref<80x128xf32, #tpu.memory_space<vmem>>, vector<16xf32>,
          %get3A_878 = arith.index_cast %add3A_844 : i32 to index
          %get3A_879 = arith.constant 64 : index
          %get3A_880 = tpu.vector_load %arg13[%get3A_878, %get3A_879] {strides = array<i32>} : memref<80x128xf32, #tpu.memory_space<vmem>>, vector<16xf32>,
          %mul3A_881 = arith.mulf %get3A_880, %gather3A_849 : vector<16xf32>
          %swap3A_882 = arith.index_cast %add3A_844 : i32 to index
          %swap3A_883 = arith.constant 64 : index
          %swap3A_884 = tpu.vector_load %arg13[%swap3A_882, %swap3A_883] {strides = array<i32>} : memref<80x128xf32, #tpu.memory_space<vmem>>, vector<16xf32>,
          tpu.vector_store %arg13[%swap3A_882, %swap3A_883], %mul3A_881 {strides = array<i32>} : memref<80x128xf32, #tpu.memory_space<vmem>>, vector<16xf32>,
          %get3A_885 = arith.index_cast %add3A_844 : i32 to index
          %get3A_886 = arith.constant 80 : index
          %get3A_887 = tpu.vector_load %arg13[%get3A_885, %get3A_886] {strides = array<i32>} : memref<80x128xf32, #tpu.memory_space<vmem>>, vector<16xf32>,
          %mul3A_888 = arith.mulf %get3A_887, %gather3A_849 : vector<16xf32>
          %swap3A_889 = arith.index_cast %add3A_844 : i32 to index
          %swap3A_890 = arith.constant 80 : index
          %swap3A_891 = tpu.vector_load %arg13[%swap3A_889, %swap3A_890] {strides = array<i32>} : memref<80x128xf32, #tpu.memory_space<vmem>>, vector<16xf32>,
          tpu.vector_store %arg13[%swap3A_889, %swap3A_890], %mul3A_888 {strides = array<i32>} : memref<80x128xf32, #tpu.memory_space<vmem>>, vector<16xf32>,
          %get3A_892 = arith.index_cast %add3A_844 : i32 to index
          %get3A_893 = arith.constant 96 : index
          %get3A_894 = tpu.vector_load %arg13[%get3A_892, %get3A_893] {strides = array<i32>} : memref<80x128xf32, #tpu.memory_space<vmem>>, vector<16xf32>,
          %mul3A_895 = arith.mulf %get3A_894, %gather3A_849 : vector<16xf32>
          %swap3A_896 = arith.index_cast %add3A_844 : i32 to index
          %swap3A_897 = arith.constant 96 : index
          %swap3A_898 = tpu.vector_load %arg13[%swap3A_896, %swap3A_897] {strides = array<i32>} : memref<80x128xf32, #tpu.memory_space<vmem>>, vector<16xf32>,
          tpu.vector_store %arg13[%swap3A_896, %swap3A_897], %mul3A_895 {strides = array<i32>} : memref<80x128xf32, #tpu.memory_space<vmem>>, vector<16xf32>,
          %get3A_899 = arith.index_cast %add3A_844 : i32 to index
          %get3A_900 = arith.constant 112 : index
          %get3A_901 = tpu.vector_load %arg13[%get3A_899, %get3A_900] {strides = array<i32>} : memref<80x128xf32, #tpu.memory_space<vmem>>, vector<16xf32>,
          %mul3A_902 = arith.mulf %get3A_901, %gather3A_849 : vector<16xf32>
          %swap3A_903 = arith.index_cast %add3A_844 : i32 to index
          %swap3A_904 = arith.constant 112 : index
          %swap3A_905 = tpu.vector_load %arg13[%swap3A_903, %swap3A_904] {strides = array<i32>} : memref<80x128xf32, #tpu.memory_space<vmem>>, vector<16xf32>,
          tpu.vector_store %arg13[%swap3A_903, %swap3A_904], %mul3A_902 {strides = array<i32>} : memref<80x128xf32, #tpu.memory_space<vmem>>, vector<16xf32>,
        }
        %scan3A_443 = arith.constant 20 : i32
        "tpu.region"() ({
          %run_scoped3A = tpu.sem_alloc : memref<!tpu.dma_semaphore, #tpu.memory_space<semaphore_mem>>
          %dma_start3A_650 = arith.constant 0 : i32
          %dma_start3A_651 = arith.constant 0 : i32
          %dma_start3A_652 = tpu.memref_slice %arg16[%dma_start3A_650, %dma_start3A_651] : memref<10000x128xf32, #tpu.memory_space<vmem_shared>> -> memref<10000x128xf32, #tpu.memory_space<vmem_shared>>
          tpu.enqueue_indirect_dma source(%arg13 : memref<80x128xf32, #tpu.memory_space<vmem>>) target(%dma_start3A_652 : memref<10000x128xf32, #tpu.memory_space<vmem_shared>>) offsets(%arg10 : memref<80xi32, #tpu.memory_space<vmem>>) semaphore(%run_scoped3A : memref<!tpu.dma_semaphore, #tpu.memory_space<semaphore_mem>>) {add = true}
          %dma_wait3A_653 = arith.constant 0 : i32
          %dma_wait3A_654 = arith.constant 0 : i32
          %dma_wait3A_655 = tpu.memref_slice %arg16[%dma_wait3A_653, %dma_wait3A_654] : memref<10000x128xf32, #tpu.memory_space<vmem_shared>> -> memref<10000x128xf32, #tpu.memory_space<vmem_shared>>
          tpu.wait_indirect_dma semaphore(%run_scoped3A : memref<!tpu.dma_semaphore, #tpu.memory_space<semaphore_mem>>) src(%arg13 : memref<80x128xf32, #tpu.memory_space<vmem>>) dst(%dma_wait3A_655 : memref<10000x128xf32, #tpu.memory_space<vmem_shared>>)
          tpu.yield
        }) : () -> ()
        %add3A_444 = arith.constant 2 : i32
        %add3A_445 = arith.addi %add3A_239, %add3A_444 : i32
        %mul3A_446 = arith.constant 80 : i32
        %mul3A_447 = arith.muli %add3A_445, %mul3A_446 : i32
        %dma_start3A_448 = tpu.memref_slice %arg7[%mul3A_447] : memref<2000xi32, #tpu.memory_space<vmem>> -> memref<80xi32, #tpu.memory_space<vmem>>
        %dma_start3A_449 = arith.constant 0 : i32
        %dma_start3A_450 = arith.constant 0 : i32
        %dma_start3A_451 = tpu.memref_slice %arg5[%dma_start3A_449, %dma_start3A_450] : memref<10000x128xf32, #tpu.memory_space<hbm>> -> memref<10000x128xf32, #tpu.memory_space<hbm>>
        tpu.enqueue_indirect_dma source(%dma_start3A_451 : memref<10000x128xf32, #tpu.memory_space<hbm>>) target(%arg13 : memref<80x128xf32, #tpu.memory_space<vmem>>) offsets(%dma_start3A_448 : memref<80xi32, #tpu.memory_space<vmem>>) semaphore(%arg17 : memref<!tpu.dma_semaphore, #tpu.memory_space<semaphore_mem>>)
        %add3A_452 = arith.constant 1 : i32
        %add3A_453 = arith.addi %add3A_239, %add3A_452 : i32
        %mul3A_454 = arith.constant 80 : i32
        %mul3A_455 = arith.muli %add3A_453, %mul3A_454 : i32
        %add3A_456 = arith.constant 0 : i32
        %add3A_457 = arith.addi %mul3A_455, %add3A_456 : i32
        %get3A_458 = arith.index_cast %add3A_457 : i32 to index
        %get3A_459 = tpu.vector_load %arg8[%get3A_458] {strides = array<i32>} : memref<2000xi32, #tpu.memory_space<vmem>>, vector<16xi32>,
        %swap3A_460 = arith.constant 0 : index
        %swap3A_461 = tpu.vector_load %arg11[%swap3A_460] {strides = array<i32>} : memref<80xi32, #tpu.memory_space<vmem>>, vector<16xi32>,
        tpu.vector_store %arg11[%swap3A_460], %get3A_459 {strides = array<i32>} : memref<80xi32, #tpu.memory_space<vmem>>, vector<16xi32>,
        %get3A_462 = arith.index_cast %add3A_457 : i32 to index
        %get3A_463 = tpu.vector_load %arg7[%get3A_462] {strides = array<i32>} : memref<2000xi32, #tpu.memory_space<vmem>>, vector<16xi32>,
        %mul3A_464 = arith.constant 2 : i32
        %mul3A_465 = vector.broadcast %mul3A_464 : i32 to vector<16xi32>
        %mul3A_466 = arith.muli %get3A_463, %mul3A_465 : vector<16xi32>
        %gather3A_467 = tpu.vector_load_idx %arg15[%mul3A_466] : memref<20000xf32, #tpu.memory_space<vmem>>[vector<16xi32>], vector<16xf32>,
        %mul3A_468 = arith.constant 2 : i32
        %mul3A_469 = vector.broadcast %mul3A_468 : i32 to vector<16xi32>
        %mul3A_470 = arith.muli %get3A_459, %mul3A_469 : vector<16xi32>
        %add3A_471 = arith.constant 1 : i32
        %add3A_472 = vector.broadcast %add3A_471 : i32 to vector<16xi32>
        %add3A_473 = arith.addi %mul3A_470, %add3A_472 : vector<16xi32>
        %gather3A_474 = tpu.vector_load_idx %arg15[%add3A_473] : memref<20000xf32, #tpu.memory_space<vmem>>[vector<16xi32>], vector<16xf32>,
        %add3A_475 = arith.addf %gather3A_467, %gather3A_474 : vector<16xf32>
        %get3A_476 = arith.index_cast %add3A_457 : i32 to index
        %get3A_477 = tpu.vector_load %arg9[%get3A_476] {strides = array<i32>} : memref<2000xf32, #tpu.memory_space<vmem>>, vector<16xf32>,
        %add3A_478 = arith.addf %add3A_475, %get3A_477 : vector<16xf32>
        %max3A_479 = arith.constant 0.000000e+00 : f32
        %max3A_480 = vector.broadcast %max3A_479 : f32 to vector<16xf32>
        %max3A_481 = arith.maximumf %add3A_478, %max3A_480 : vector<16xf32>
        %min3A_482 = arith.constant 0.000000e+00 : f32
        %min3A_483 = vector.broadcast %min3A_482 : f32 to vector<16xf32>
        %min3A_484 = arith.minimumf %add3A_478, %min3A_483 : vector<16xf32>
        %mul3A_485 = arith.constant 2.000000e-01 : f32
        %mul3A_486 = vector.broadcast %mul3A_485 : f32 to vector<16xf32>
        %mul3A_487 = arith.mulf %mul3A_486, %min3A_484 : vector<16xf32>
        %add3A_488 = arith.addf %max3A_481, %mul3A_487 : vector<16xf32>
        %swap3A_489 = arith.constant 0 : index
        %swap3A_490 = tpu.vector_load %arg12[%swap3A_489] {strides = array<i32>} : memref<80xf32, #tpu.memory_space<vmem>>, vector<16xf32>,
        tpu.vector_store %arg12[%swap3A_489], %add3A_488 {strides = array<i32>} : memref<80xf32, #tpu.memory_space<vmem>>, vector<16xf32>,
        %mul3A_491 = arith.constant 80 : i32
        %mul3A_492 = arith.muli %add3A_453, %mul3A_491 : i32
        %add3A_493 = arith.constant 16 : i32
        %add3A_494 = arith.addi %mul3A_492, %add3A_493 : i32
        %get3A_495 = arith.index_cast %add3A_494 : i32 to index
        %get3A_496 = tpu.vector_load %arg8[%get3A_495] {strides = array<i32>} : memref<2000xi32, #tpu.memory_space<vmem>>, vector<16xi32>,
        %swap3A_497 = arith.constant 16 : index
        %swap3A_498 = tpu.vector_load %arg11[%swap3A_497] {strides = array<i32>} : memref<80xi32, #tpu.memory_space<vmem>>, vector<16xi32>,
        tpu.vector_store %arg11[%swap3A_497], %get3A_496 {strides = array<i32>} : memref<80xi32, #tpu.memory_space<vmem>>, vector<16xi32>,
        %get3A_499 = arith.index_cast %add3A_494 : i32 to index
        %get3A_500 = tpu.vector_load %arg7[%get3A_499] {strides = array<i32>} : memref<2000xi32, #tpu.memory_space<vmem>>, vector<16xi32>,
        %mul3A_501 = arith.constant 2 : i32
        %mul3A_502 = vector.broadcast %mul3A_501 : i32 to vector<16xi32>
        %mul3A_503 = arith.muli %get3A_500, %mul3A_502 : vector<16xi32>
        %gather3A_504 = tpu.vector_load_idx %arg15[%mul3A_503] : memref<20000xf32, #tpu.memory_space<vmem>>[vector<16xi32>], vector<16xf32>,
        %mul3A_505 = arith.constant 2 : i32
        %mul3A_506 = vector.broadcast %mul3A_505 : i32 to vector<16xi32>
        %mul3A_507 = arith.muli %get3A_496, %mul3A_506 : vector<16xi32>
        %add3A_508 = arith.constant 1 : i32
        %add3A_509 = vector.broadcast %add3A_508 : i32 to vector<16xi32>
        %add3A_510 = arith.addi %mul3A_507, %add3A_509 : vector<16xi32>
        %gather3A_511 = tpu.vector_load_idx %arg15[%add3A_510] : memref<20000xf32, #tpu.memory_space<vmem>>[vector<16xi32>], vector<16xf32>,
        %add3A_512 = arith.addf %gather3A_504, %gather3A_511 : vector<16xf32>
        %get3A_513 = arith.index_cast %add3A_494 : i32 to index
        %get3A_514 = tpu.vector_load %arg9[%get3A_513] {strides = array<i32>} : memref<2000xf32, #tpu.memory_space<vmem>>, vector<16xf32>,
        %add3A_515 = arith.addf %add3A_512, %get3A_514 : vector<16xf32>
        %max3A_516 = arith.constant 0.000000e+00 : f32
        %max3A_517 = vector.broadcast %max3A_516 : f32 to vector<16xf32>
        %max3A_518 = arith.maximumf %add3A_515, %max3A_517 : vector<16xf32>
        %min3A_519 = arith.constant 0.000000e+00 : f32
        %min3A_520 = vector.broadcast %min3A_519 : f32 to vector<16xf32>
        %min3A_521 = arith.minimumf %add3A_515, %min3A_520 : vector<16xf32>
        %mul3A_522 = arith.constant 2.000000e-01 : f32
        %mul3A_523 = vector.broadcast %mul3A_522 : f32 to vector<16xf32>
        %mul3A_524 = arith.mulf %mul3A_523, %min3A_521 : vector<16xf32>
        %add3A_525 = arith.addf %max3A_518, %mul3A_524 : vector<16xf32>
        %swap3A_526 = arith.constant 16 : index
        %swap3A_527 = tpu.vector_load %arg12[%swap3A_526] {strides = array<i32>} : memref<80xf32, #tpu.memory_space<vmem>>, vector<16xf32>,
        tpu.vector_store %arg12[%swap3A_526], %add3A_525 {strides = array<i32>} : memref<80xf32, #tpu.memory_space<vmem>>, vector<16xf32>,
        %mul3A_528 = arith.constant 80 : i32
        %mul3A_529 = arith.muli %add3A_453, %mul3A_528 : i32
        %add3A_530 = arith.constant 32 : i32
        %add3A_531 = arith.addi %mul3A_529, %add3A_530 : i32
        %get3A_532 = arith.index_cast %add3A_531 : i32 to index
        %get3A_533 = tpu.vector_load %arg8[%get3A_532] {strides = array<i32>} : memref<2000xi32, #tpu.memory_space<vmem>>, vector<16xi32>,
        %swap3A_534 = arith.constant 32 : index
        %swap3A_535 = tpu.vector_load %arg11[%swap3A_534] {strides = array<i32>} : memref<80xi32, #tpu.memory_space<vmem>>, vector<16xi32>,
        tpu.vector_store %arg11[%swap3A_534], %get3A_533 {strides = array<i32>} : memref<80xi32, #tpu.memory_space<vmem>>, vector<16xi32>,
        %get3A_536 = arith.index_cast %add3A_531 : i32 to index
        %get3A_537 = tpu.vector_load %arg7[%get3A_536] {strides = array<i32>} : memref<2000xi32, #tpu.memory_space<vmem>>, vector<16xi32>,
        %mul3A_538 = arith.constant 2 : i32
        %mul3A_539 = vector.broadcast %mul3A_538 : i32 to vector<16xi32>
        %mul3A_540 = arith.muli %get3A_537, %mul3A_539 : vector<16xi32>
        %gather3A_541 = tpu.vector_load_idx %arg15[%mul3A_540] : memref<20000xf32, #tpu.memory_space<vmem>>[vector<16xi32>], vector<16xf32>,
        %mul3A_542 = arith.constant 2 : i32
        %mul3A_543 = vector.broadcast %mul3A_542 : i32 to vector<16xi32>
        %mul3A_544 = arith.muli %get3A_533, %mul3A_543 : vector<16xi32>
        %add3A_545 = arith.constant 1 : i32
        %add3A_546 = vector.broadcast %add3A_545 : i32 to vector<16xi32>
        %add3A_547 = arith.addi %mul3A_544, %add3A_546 : vector<16xi32>
        %gather3A_548 = tpu.vector_load_idx %arg15[%add3A_547] : memref<20000xf32, #tpu.memory_space<vmem>>[vector<16xi32>], vector<16xf32>,
        %add3A_549 = arith.addf %gather3A_541, %gather3A_548 : vector<16xf32>
        %get3A_550 = arith.index_cast %add3A_531 : i32 to index
        %get3A_551 = tpu.vector_load %arg9[%get3A_550] {strides = array<i32>} : memref<2000xf32, #tpu.memory_space<vmem>>, vector<16xf32>,
        %add3A_552 = arith.addf %add3A_549, %get3A_551 : vector<16xf32>
        %max3A_553 = arith.constant 0.000000e+00 : f32
        %max3A_554 = vector.broadcast %max3A_553 : f32 to vector<16xf32>
        %max3A_555 = arith.maximumf %add3A_552, %max3A_554 : vector<16xf32>
        %min3A_556 = arith.constant 0.000000e+00 : f32
        %min3A_557 = vector.broadcast %min3A_556 : f32 to vector<16xf32>
        %min3A_558 = arith.minimumf %add3A_552, %min3A_557 : vector<16xf32>
        %mul3A_559 = arith.constant 2.000000e-01 : f32
        %mul3A_560 = vector.broadcast %mul3A_559 : f32 to vector<16xf32>
        %mul3A_561 = arith.mulf %mul3A_560, %min3A_558 : vector<16xf32>
        %add3A_562 = arith.addf %max3A_555, %mul3A_561 : vector<16xf32>
        %swap3A_563 = arith.constant 32 : index
        %swap3A_564 = tpu.vector_load %arg12[%swap3A_563] {strides = array<i32>} : memref<80xf32, #tpu.memory_space<vmem>>, vector<16xf32>,
        tpu.vector_store %arg12[%swap3A_563], %add3A_562 {strides = array<i32>} : memref<80xf32, #tpu.memory_space<vmem>>, vector<16xf32>,
        %mul3A_565 = arith.constant 80 : i32
        %mul3A_566 = arith.muli %add3A_453, %mul3A_565 : i32
        %add3A_567 = arith.constant 48 : i32
        %add3A_568 = arith.addi %mul3A_566, %add3A_567 : i32
        %get3A_569 = arith.index_cast %add3A_568 : i32 to index
        %get3A_570 = tpu.vector_load %arg8[%get3A_569] {strides = array<i32>} : memref<2000xi32, #tpu.memory_space<vmem>>, vector<16xi32>,
        %swap3A_571 = arith.constant 48 : index
        %swap3A_572 = tpu.vector_load %arg11[%swap3A_571] {strides = array<i32>} : memref<80xi32, #tpu.memory_space<vmem>>, vector<16xi32>,
        tpu.vector_store %arg11[%swap3A_571], %get3A_570 {strides = array<i32>} : memref<80xi32, #tpu.memory_space<vmem>>, vector<16xi32>,
        %get3A_573 = arith.index_cast %add3A_568 : i32 to index
        %get3A_574 = tpu.vector_load %arg7[%get3A_573] {strides = array<i32>} : memref<2000xi32, #tpu.memory_space<vmem>>, vector<16xi32>,
        %mul3A_575 = arith.constant 2 : i32
        %mul3A_576 = vector.broadcast %mul3A_575 : i32 to vector<16xi32>
        %mul3A_577 = arith.muli %get3A_574, %mul3A_576 : vector<16xi32>
        %gather3A_578 = tpu.vector_load_idx %arg15[%mul3A_577] : memref<20000xf32, #tpu.memory_space<vmem>>[vector<16xi32>], vector<16xf32>,
        %mul3A_579 = arith.constant 2 : i32
        %mul3A_580 = vector.broadcast %mul3A_579 : i32 to vector<16xi32>
        %mul3A_581 = arith.muli %get3A_570, %mul3A_580 : vector<16xi32>
        %add3A_582 = arith.constant 1 : i32
        %add3A_583 = vector.broadcast %add3A_582 : i32 to vector<16xi32>
        %add3A_584 = arith.addi %mul3A_581, %add3A_583 : vector<16xi32>
        %gather3A_585 = tpu.vector_load_idx %arg15[%add3A_584] : memref<20000xf32, #tpu.memory_space<vmem>>[vector<16xi32>], vector<16xf32>,
        %add3A_586 = arith.addf %gather3A_578, %gather3A_585 : vector<16xf32>
        %get3A_587 = arith.index_cast %add3A_568 : i32 to index
        %get3A_588 = tpu.vector_load %arg9[%get3A_587] {strides = array<i32>} : memref<2000xf32, #tpu.memory_space<vmem>>, vector<16xf32>,
        %add3A_589 = arith.addf %add3A_586, %get3A_588 : vector<16xf32>
        %max3A_590 = arith.constant 0.000000e+00 : f32
        %max3A_591 = vector.broadcast %max3A_590 : f32 to vector<16xf32>
        %max3A_592 = arith.maximumf %add3A_589, %max3A_591 : vector<16xf32>
        %min3A_593 = arith.constant 0.000000e+00 : f32
        %min3A_594 = vector.broadcast %min3A_593 : f32 to vector<16xf32>
        %min3A_595 = arith.minimumf %add3A_589, %min3A_594 : vector<16xf32>
        %mul3A_596 = arith.constant 2.000000e-01 : f32
        %mul3A_597 = vector.broadcast %mul3A_596 : f32 to vector<16xf32>
        %mul3A_598 = arith.mulf %mul3A_597, %min3A_595 : vector<16xf32>
        %add3A_599 = arith.addf %max3A_592, %mul3A_598 : vector<16xf32>
        %swap3A_600 = arith.constant 48 : index
        %swap3A_601 = tpu.vector_load %arg12[%swap3A_600] {strides = array<i32>} : memref<80xf32, #tpu.memory_space<vmem>>, vector<16xf32>,
        tpu.vector_store %arg12[%swap3A_600], %add3A_599 {strides = array<i32>} : memref<80xf32, #tpu.memory_space<vmem>>, vector<16xf32>,
        %mul3A_602 = arith.constant 80 : i32
        %mul3A_603 = arith.muli %add3A_453, %mul3A_602 : i32
        %add3A_604 = arith.constant 64 : i32
        %add3A_605 = arith.addi %mul3A_603, %add3A_604 : i32
        %get3A_606 = arith.index_cast %add3A_605 : i32 to index
        %get3A_607 = tpu.vector_load %arg8[%get3A_606] {strides = array<i32>} : memref<2000xi32, #tpu.memory_space<vmem>>, vector<16xi32>,
        %swap3A_608 = arith.constant 64 : index
        %swap3A_609 = tpu.vector_load %arg11[%swap3A_608] {strides = array<i32>} : memref<80xi32, #tpu.memory_space<vmem>>, vector<16xi32>,
        tpu.vector_store %arg11[%swap3A_608], %get3A_607 {strides = array<i32>} : memref<80xi32, #tpu.memory_space<vmem>>, vector<16xi32>,
        %get3A_610 = arith.index_cast %add3A_605 : i32 to index
        %get3A_611 = tpu.vector_load %arg7[%get3A_610] {strides = array<i32>} : memref<2000xi32, #tpu.memory_space<vmem>>, vector<16xi32>,
        %mul3A_612 = arith.constant 2 : i32
        %mul3A_613 = vector.broadcast %mul3A_612 : i32 to vector<16xi32>
        %mul3A_614 = arith.muli %get3A_611, %mul3A_613 : vector<16xi32>
        %gather3A_615 = tpu.vector_load_idx %arg15[%mul3A_614] : memref<20000xf32, #tpu.memory_space<vmem>>[vector<16xi32>], vector<16xf32>,
        %mul3A_616 = arith.constant 2 : i32
        %mul3A_617 = vector.broadcast %mul3A_616 : i32 to vector<16xi32>
        %mul3A_618 = arith.muli %get3A_607, %mul3A_617 : vector<16xi32>
        %add3A_619 = arith.constant 1 : i32
        %add3A_620 = vector.broadcast %add3A_619 : i32 to vector<16xi32>
        %add3A_621 = arith.addi %mul3A_618, %add3A_620 : vector<16xi32>
        %gather3A_622 = tpu.vector_load_idx %arg15[%add3A_621] : memref<20000xf32, #tpu.memory_space<vmem>>[vector<16xi32>], vector<16xf32>,
        %add3A_623 = arith.addf %gather3A_615, %gather3A_622 : vector<16xf32>
        %get3A_624 = arith.index_cast %add3A_605 : i32 to index
        %get3A_625 = tpu.vector_load %arg9[%get3A_624] {strides = array<i32>} : memref<2000xf32, #tpu.memory_space<vmem>>, vector<16xf32>,
        %add3A_626 = arith.addf %add3A_623, %get3A_625 : vector<16xf32>
        %max3A_627 = arith.constant 0.000000e+00 : f32
        %max3A_628 = vector.broadcast %max3A_627 : f32 to vector<16xf32>
        %max3A_629 = arith.maximumf %add3A_626, %max3A_628 : vector<16xf32>
        %min3A_630 = arith.constant 0.000000e+00 : f32
        %min3A_631 = vector.broadcast %min3A_630 : f32 to vector<16xf32>
        %min3A_632 = arith.minimumf %add3A_626, %min3A_631 : vector<16xf32>
        %mul3A_633 = arith.constant 2.000000e-01 : f32
        %mul3A_634 = vector.broadcast %mul3A_633 : f32 to vector<16xf32>
        %mul3A_635 = arith.mulf %mul3A_634, %min3A_632 : vector<16xf32>
        %add3A_636 = arith.addf %max3A_629, %mul3A_635 : vector<16xf32>
        %swap3A_637 = arith.constant 64 : index
        %swap3A_638 = tpu.vector_load %arg12[%swap3A_637] {strides = array<i32>} : memref<80xf32, #tpu.memory_space<vmem>>, vector<16xf32>,
        tpu.vector_store %arg12[%swap3A_637], %add3A_636 {strides = array<i32>} : memref<80xf32, #tpu.memory_space<vmem>>, vector<16xf32>,
        %dma_wait3A_639 = arith.constant 0 : i32
        %dma_wait3A_640 = arith.constant 0 : i32
        %dma_wait3A_641 = tpu.memref_slice %arg5[%dma_wait3A_639, %dma_wait3A_640] : memref<10000x128xf32, #tpu.memory_space<hbm>> -> memref<80x128xf32, #tpu.memory_space<hbm>>
        %dma_wait3A_642 = arith.constant 0 : i32
        %dma_wait3A_643 = arith.constant 0 : i32
        %dma_wait3A_644 = tpu.memref_slice %arg5[%dma_wait3A_642, %dma_wait3A_643] : memref<10000x128xf32, #tpu.memory_space<hbm>> -> memref<80x128xf32, #tpu.memory_space<hbm>>
        tpu.wait_dma2 semaphore(%arg17 : memref<!tpu.dma_semaphore, #tpu.memory_space<semaphore_mem>>) src(%dma_wait3A_644 : memref<80x128xf32, #tpu.memory_space<hbm>>) dst(%arg13 : memref<80x128xf32, #tpu.memory_space<vmem>>)
        %scan3A_645 = arith.constant 0 : i32
        %scan3A_646 = arith.constant 20 : i32
        %scan3A_647 = arith.addi %scan3A_645, %scan3A_646 : i32
        %scan3A_648 = arith.constant 1 : i32
        scf.for %scan3A_650 = %scan3A_645 to %scan3A_647 step %scan3A_648  : i32 {
          %mul3A_651 = arith.constant 4 : i32
          %mul3A_652 = arith.muli %scan3A_650, %mul3A_651 : i32
          %add3A_653 = arith.constant 0 : i32
          %add3A_654 = arith.addi %add3A_653, %mul3A_652 : i32
          %add3A_655 = arith.constant 0 : i32
          %add3A_656 = arith.addi %add3A_654, %add3A_655 : i32
          %broadcast_in_dim3A = arith.constant 0 : i32
          %broadcast_in_dim3A_657 = vector.broadcast %broadcast_in_dim3A : i32 to vector<16xi32>
          %add3A_658 = vector.broadcast %add3A_656 : i32 to vector<16xi32>
          %add3A_659 = arith.addi %broadcast_in_dim3A_657, %add3A_658 : vector<16xi32>
          %gather3A_660 = tpu.vector_load_idx %arg12[%add3A_659] : memref<80xf32, #tpu.memory_space<vmem>>[vector<16xi32>], vector<16xf32>,
          %get3A_661 = arith.index_cast %add3A_656 : i32 to index
          %get3A_662 = arith.constant 0 : index
          %get3A_663 = tpu.vector_load %arg14[%get3A_661, %get3A_662] {strides = array<i32>} : memref<80x128xf32, #tpu.memory_space<vmem>>, vector<16xf32>,
          %mul3A_664 = arith.mulf %get3A_663, %gather3A_660 : vector<16xf32>
          %swap3A_665 = arith.index_cast %add3A_656 : i32 to index
          %swap3A_666 = arith.constant 0 : index
          %swap3A_667 = tpu.vector_load %arg14[%swap3A_665, %swap3A_666] {strides = array<i32>} : memref<80x128xf32, #tpu.memory_space<vmem>>, vector<16xf32>,
          tpu.vector_store %arg14[%swap3A_665, %swap3A_666], %mul3A_664 {strides = array<i32>} : memref<80x128xf32, #tpu.memory_space<vmem>>, vector<16xf32>,
          %get3A_668 = arith.index_cast %add3A_656 : i32 to index
          %get3A_669 = arith.constant 16 : index
          %get3A_670 = tpu.vector_load %arg14[%get3A_668, %get3A_669] {strides = array<i32>} : memref<80x128xf32, #tpu.memory_space<vmem>>, vector<16xf32>,
          %mul3A_671 = arith.mulf %get3A_670, %gather3A_660 : vector<16xf32>
          %swap3A_672 = arith.index_cast %add3A_656 : i32 to index
          %swap3A_673 = arith.constant 16 : index
          %swap3A_674 = tpu.vector_load %arg14[%swap3A_672, %swap3A_673] {strides = array<i32>} : memref<80x128xf32, #tpu.memory_space<vmem>>, vector<16xf32>,
          tpu.vector_store %arg14[%swap3A_672, %swap3A_673], %mul3A_671 {strides = array<i32>} : memref<80x128xf32, #tpu.memory_space<vmem>>, vector<16xf32>,
          %get3A_675 = arith.index_cast %add3A_656 : i32 to index
          %get3A_676 = arith.constant 32 : index
          %get3A_677 = tpu.vector_load %arg14[%get3A_675, %get3A_676] {strides = array<i32>} : memref<80x128xf32, #tpu.memory_space<vmem>>, vector<16xf32>,
          %mul3A_678 = arith.mulf %get3A_677, %gather3A_660 : vector<16xf32>
          %swap3A_679 = arith.index_cast %add3A_656 : i32 to index
          %swap3A_680 = arith.constant 32 : index
          %swap3A_681 = tpu.vector_load %arg14[%swap3A_679, %swap3A_680] {strides = array<i32>} : memref<80x128xf32, #tpu.memory_space<vmem>>, vector<16xf32>,
          tpu.vector_store %arg14[%swap3A_679, %swap3A_680], %mul3A_678 {strides = array<i32>} : memref<80x128xf32, #tpu.memory_space<vmem>>, vector<16xf32>,
          %get3A_682 = arith.index_cast %add3A_656 : i32 to index
          %get3A_683 = arith.constant 48 : index
          %get3A_684 = tpu.vector_load %arg14[%get3A_682, %get3A_683] {strides = array<i32>} : memref<80x128xf32, #tpu.memory_space<vmem>>, vector<16xf32>,
          %mul3A_685 = arith.mulf %get3A_684, %gather3A_660 : vector<16xf32>
          %swap3A_686 = arith.index_cast %add3A_656 : i32 to index
          %swap3A_687 = arith.constant 48 : index
          %swap3A_688 = tpu.vector_load %arg14[%swap3A_686, %swap3A_687] {strides = array<i32>} : memref<80x128xf32, #tpu.memory_space<vmem>>, vector<16xf32>,
          tpu.vector_store %arg14[%swap3A_686, %swap3A_687], %mul3A_685 {strides = array<i32>} : memref<80x128xf32, #tpu.memory_space<vmem>>, vector<16xf32>,
          %get3A_689 = arith.index_cast %add3A_656 : i32 to index
          %get3A_690 = arith.constant 64 : index
          %get3A_691 = tpu.vector_load %arg14[%get3A_689, %get3A_690] {strides = array<i32>} : memref<80x128xf32, #tpu.memory_space<vmem>>, vector<16xf32>,
          %mul3A_692 = arith.mulf %get3A_691, %gather3A_660 : vector<16xf32>
          %swap3A_693 = arith.index_cast %add3A_656 : i32 to index
          %swap3A_694 = arith.constant 64 : index
          %swap3A_695 = tpu.vector_load %arg14[%swap3A_693, %swap3A_694] {strides = array<i32>} : memref<80x128xf32, #tpu.memory_space<vmem>>, vector<16xf32>,
          tpu.vector_store %arg14[%swap3A_693, %swap3A_694], %mul3A_692 {strides = array<i32>} : memref<80x128xf32, #tpu.memory_space<vmem>>, vector<16xf32>,
          %get3A_696 = arith.index_cast %add3A_656 : i32 to index
          %get3A_697 = arith.constant 80 : index
          %get3A_698 = tpu.vector_load %arg14[%get3A_696, %get3A_697] {strides = array<i32>} : memref<80x128xf32, #tpu.memory_space<vmem>>, vector<16xf32>,
          %mul3A_699 = arith.mulf %get3A_698, %gather3A_660 : vector<16xf32>
          %swap3A_700 = arith.index_cast %add3A_656 : i32 to index
          %swap3A_701 = arith.constant 80 : index
          %swap3A_702 = tpu.vector_load %arg14[%swap3A_700, %swap3A_701] {strides = array<i32>} : memref<80x128xf32, #tpu.memory_space<vmem>>, vector<16xf32>,
          tpu.vector_store %arg14[%swap3A_700, %swap3A_701], %mul3A_699 {strides = array<i32>} : memref<80x128xf32, #tpu.memory_space<vmem>>, vector<16xf32>,
          %get3A_703 = arith.index_cast %add3A_656 : i32 to index
          %get3A_704 = arith.constant 96 : index
          %get3A_705 = tpu.vector_load %arg14[%get3A_703, %get3A_704] {strides = array<i32>} : memref<80x128xf32, #tpu.memory_space<vmem>>, vector<16xf32>,
          %mul3A_706 = arith.mulf %get3A_705, %gather3A_660 : vector<16xf32>
          %swap3A_707 = arith.index_cast %add3A_656 : i32 to index
          %swap3A_708 = arith.constant 96 : index
          %swap3A_709 = tpu.vector_load %arg14[%swap3A_707, %swap3A_708] {strides = array<i32>} : memref<80x128xf32, #tpu.memory_space<vmem>>, vector<16xf32>,
          tpu.vector_store %arg14[%swap3A_707, %swap3A_708], %mul3A_706 {strides = array<i32>} : memref<80x128xf32, #tpu.memory_space<vmem>>, vector<16xf32>,
          %get3A_710 = arith.index_cast %add3A_656 : i32 to index
          %get3A_711 = arith.constant 112 : index
          %get3A_712 = tpu.vector_load %arg14[%get3A_710, %get3A_711] {strides = array<i32>} : memref<80x128xf32, #tpu.memory_space<vmem>>, vector<16xf32>,
          %mul3A_713 = arith.mulf %get3A_712, %gather3A_660 : vector<16xf32>
          %swap3A_714 = arith.index_cast %add3A_656 : i32 to index
          %swap3A_715 = arith.constant 112 : index
          %swap3A_716 = tpu.vector_load %arg14[%swap3A_714, %swap3A_715] {strides = array<i32>} : memref<80x128xf32, #tpu.memory_space<vmem>>, vector<16xf32>,
          tpu.vector_store %arg14[%swap3A_714, %swap3A_715], %mul3A_713 {strides = array<i32>} : memref<80x128xf32, #tpu.memory_space<vmem>>, vector<16xf32>,
          %add3A_717 = arith.constant 1 : i32
          %add3A_718 = arith.addi %add3A_654, %add3A_717 : i32
          %broadcast_in_dim3A_719 = arith.constant 0 : i32
          %broadcast_in_dim3A_720 = vector.broadcast %broadcast_in_dim3A_719 : i32 to vector<16xi32>
          %add3A_721 = vector.broadcast %add3A_718 : i32 to vector<16xi32>
          %add3A_722 = arith.addi %broadcast_in_dim3A_720, %add3A_721 : vector<16xi32>
          %gather3A_723 = tpu.vector_load_idx %arg12[%add3A_722] : memref<80xf32, #tpu.memory_space<vmem>>[vector<16xi32>], vector<16xf32>,
          %get3A_724 = arith.index_cast %add3A_718 : i32 to index
          %get3A_725 = arith.constant 0 : index
          %get3A_726 = tpu.vector_load %arg14[%get3A_724, %get3A_725] {strides = array<i32>} : memref<80x128xf32, #tpu.memory_space<vmem>>, vector<16xf32>,
          %mul3A_727 = arith.mulf %get3A_726, %gather3A_723 : vector<16xf32>
          %swap3A_728 = arith.index_cast %add3A_718 : i32 to index
          %swap3A_729 = arith.constant 0 : index
          %swap3A_730 = tpu.vector_load %arg14[%swap3A_728, %swap3A_729] {strides = array<i32>} : memref<80x128xf32, #tpu.memory_space<vmem>>, vector<16xf32>,
          tpu.vector_store %arg14[%swap3A_728, %swap3A_729], %mul3A_727 {strides = array<i32>} : memref<80x128xf32, #tpu.memory_space<vmem>>, vector<16xf32>,
          %get3A_731 = arith.index_cast %add3A_718 : i32 to index
          %get3A_732 = arith.constant 16 : index
          %get3A_733 = tpu.vector_load %arg14[%get3A_731, %get3A_732] {strides = array<i32>} : memref<80x128xf32, #tpu.memory_space<vmem>>, vector<16xf32>,
          %mul3A_734 = arith.mulf %get3A_733, %gather3A_723 : vector<16xf32>
          %swap3A_735 = arith.index_cast %add3A_718 : i32 to index
          %swap3A_736 = arith.constant 16 : index
          %swap3A_737 = tpu.vector_load %arg14[%swap3A_735, %swap3A_736] {strides = array<i32>} : memref<80x128xf32, #tpu.memory_space<vmem>>, vector<16xf32>,
          tpu.vector_store %arg14[%swap3A_735, %swap3A_736], %mul3A_734 {strides = array<i32>} : memref<80x128xf32, #tpu.memory_space<vmem>>, vector<16xf32>,
          %get3A_738 = arith.index_cast %add3A_718 : i32 to index
          %get3A_739 = arith.constant 32 : index
          %get3A_740 = tpu.vector_load %arg14[%get3A_738, %get3A_739] {strides = array<i32>} : memref<80x128xf32, #tpu.memory_space<vmem>>, vector<16xf32>,
          %mul3A_741 = arith.mulf %get3A_740, %gather3A_723 : vector<16xf32>
          %swap3A_742 = arith.index_cast %add3A_718 : i32 to index
          %swap3A_743 = arith.constant 32 : index
          %swap3A_744 = tpu.vector_load %arg14[%swap3A_742, %swap3A_743] {strides = array<i32>} : memref<80x128xf32, #tpu.memory_space<vmem>>, vector<16xf32>,
          tpu.vector_store %arg14[%swap3A_742, %swap3A_743], %mul3A_741 {strides = array<i32>} : memref<80x128xf32, #tpu.memory_space<vmem>>, vector<16xf32>,
          %get3A_745 = arith.index_cast %add3A_718 : i32 to index
          %get3A_746 = arith.constant 48 : index
          %get3A_747 = tpu.vector_load %arg14[%get3A_745, %get3A_746] {strides = array<i32>} : memref<80x128xf32, #tpu.memory_space<vmem>>, vector<16xf32>,
          %mul3A_748 = arith.mulf %get3A_747, %gather3A_723 : vector<16xf32>
          %swap3A_749 = arith.index_cast %add3A_718 : i32 to index
          %swap3A_750 = arith.constant 48 : index
          %swap3A_751 = tpu.vector_load %arg14[%swap3A_749, %swap3A_750] {strides = array<i32>} : memref<80x128xf32, #tpu.memory_space<vmem>>, vector<16xf32>,
          tpu.vector_store %arg14[%swap3A_749, %swap3A_750], %mul3A_748 {strides = array<i32>} : memref<80x128xf32, #tpu.memory_space<vmem>>, vector<16xf32>,
          %get3A_752 = arith.index_cast %add3A_718 : i32 to index
          %get3A_753 = arith.constant 64 : index
          %get3A_754 = tpu.vector_load %arg14[%get3A_752, %get3A_753] {strides = array<i32>} : memref<80x128xf32, #tpu.memory_space<vmem>>, vector<16xf32>,
          %mul3A_755 = arith.mulf %get3A_754, %gather3A_723 : vector<16xf32>
          %swap3A_756 = arith.index_cast %add3A_718 : i32 to index
          %swap3A_757 = arith.constant 64 : index
          %swap3A_758 = tpu.vector_load %arg14[%swap3A_756, %swap3A_757] {strides = array<i32>} : memref<80x128xf32, #tpu.memory_space<vmem>>, vector<16xf32>,
          tpu.vector_store %arg14[%swap3A_756, %swap3A_757], %mul3A_755 {strides = array<i32>} : memref<80x128xf32, #tpu.memory_space<vmem>>, vector<16xf32>,
          %get3A_759 = arith.index_cast %add3A_718 : i32 to index
          %get3A_760 = arith.constant 80 : index
          %get3A_761 = tpu.vector_load %arg14[%get3A_759, %get3A_760] {strides = array<i32>} : memref<80x128xf32, #tpu.memory_space<vmem>>, vector<16xf32>,
          %mul3A_762 = arith.mulf %get3A_761, %gather3A_723 : vector<16xf32>
          %swap3A_763 = arith.index_cast %add3A_718 : i32 to index
          %swap3A_764 = arith.constant 80 : index
          %swap3A_765 = tpu.vector_load %arg14[%swap3A_763, %swap3A_764] {strides = array<i32>} : memref<80x128xf32, #tpu.memory_space<vmem>>, vector<16xf32>,
          tpu.vector_store %arg14[%swap3A_763, %swap3A_764], %mul3A_762 {strides = array<i32>} : memref<80x128xf32, #tpu.memory_space<vmem>>, vector<16xf32>,
          %get3A_766 = arith.index_cast %add3A_718 : i32 to index
          %get3A_767 = arith.constant 96 : index
          %get3A_768 = tpu.vector_load %arg14[%get3A_766, %get3A_767] {strides = array<i32>} : memref<80x128xf32, #tpu.memory_space<vmem>>, vector<16xf32>,
          %mul3A_769 = arith.mulf %get3A_768, %gather3A_723 : vector<16xf32>
          %swap3A_770 = arith.index_cast %add3A_718 : i32 to index
          %swap3A_771 = arith.constant 96 : index
          %swap3A_772 = tpu.vector_load %arg14[%swap3A_770, %swap3A_771] {strides = array<i32>} : memref<80x128xf32, #tpu.memory_space<vmem>>, vector<16xf32>,
          tpu.vector_store %arg14[%swap3A_770, %swap3A_771], %mul3A_769 {strides = array<i32>} : memref<80x128xf32, #tpu.memory_space<vmem>>, vector<16xf32>,
          %get3A_773 = arith.index_cast %add3A_718 : i32 to index
          %get3A_774 = arith.constant 112 : index
          %get3A_775 = tpu.vector_load %arg14[%get3A_773, %get3A_774] {strides = array<i32>} : memref<80x128xf32, #tpu.memory_space<vmem>>, vector<16xf32>,
          %mul3A_776 = arith.mulf %get3A_775, %gather3A_723 : vector<16xf32>
          %swap3A_777 = arith.index_cast %add3A_718 : i32 to index
          %swap3A_778 = arith.constant 112 : index
          %swap3A_779 = tpu.vector_load %arg14[%swap3A_777, %swap3A_778] {strides = array<i32>} : memref<80x128xf32, #tpu.memory_space<vmem>>, vector<16xf32>,
          tpu.vector_store %arg14[%swap3A_777, %swap3A_778], %mul3A_776 {strides = array<i32>} : memref<80x128xf32, #tpu.memory_space<vmem>>, vector<16xf32>,
          %add3A_780 = arith.constant 2 : i32
          %add3A_781 = arith.addi %add3A_654, %add3A_780 : i32
          %broadcast_in_dim3A_782 = arith.constant 0 : i32
          %broadcast_in_dim3A_783 = vector.broadcast %broadcast_in_dim3A_782 : i32 to vector<16xi32>
          %add3A_784 = vector.broadcast %add3A_781 : i32 to vector<16xi32>
          %add3A_785 = arith.addi %broadcast_in_dim3A_783, %add3A_784 : vector<16xi32>
          %gather3A_786 = tpu.vector_load_idx %arg12[%add3A_785] : memref<80xf32, #tpu.memory_space<vmem>>[vector<16xi32>], vector<16xf32>,
          %get3A_787 = arith.index_cast %add3A_781 : i32 to index
          %get3A_788 = arith.constant 0 : index
          %get3A_789 = tpu.vector_load %arg14[%get3A_787, %get3A_788] {strides = array<i32>} : memref<80x128xf32, #tpu.memory_space<vmem>>, vector<16xf32>,
          %mul3A_790 = arith.mulf %get3A_789, %gather3A_786 : vector<16xf32>
          %swap3A_791 = arith.index_cast %add3A_781 : i32 to index
          %swap3A_792 = arith.constant 0 : index
          %swap3A_793 = tpu.vector_load %arg14[%swap3A_791, %swap3A_792] {strides = array<i32>} : memref<80x128xf32, #tpu.memory_space<vmem>>, vector<16xf32>,
          tpu.vector_store %arg14[%swap3A_791, %swap3A_792], %mul3A_790 {strides = array<i32>} : memref<80x128xf32, #tpu.memory_space<vmem>>, vector<16xf32>,
          %get3A_794 = arith.index_cast %add3A_781 : i32 to index
          %get3A_795 = arith.constant 16 : index
          %get3A_796 = tpu.vector_load %arg14[%get3A_794, %get3A_795] {strides = array<i32>} : memref<80x128xf32, #tpu.memory_space<vmem>>, vector<16xf32>,
          %mul3A_797 = arith.mulf %get3A_796, %gather3A_786 : vector<16xf32>
          %swap3A_798 = arith.index_cast %add3A_781 : i32 to index
          %swap3A_799 = arith.constant 16 : index
          %swap3A_800 = tpu.vector_load %arg14[%swap3A_798, %swap3A_799] {strides = array<i32>} : memref<80x128xf32, #tpu.memory_space<vmem>>, vector<16xf32>,
          tpu.vector_store %arg14[%swap3A_798, %swap3A_799], %mul3A_797 {strides = array<i32>} : memref<80x128xf32, #tpu.memory_space<vmem>>, vector<16xf32>,
          %get3A_801 = arith.index_cast %add3A_781 : i32 to index
          %get3A_802 = arith.constant 32 : index
          %get3A_803 = tpu.vector_load %arg14[%get3A_801, %get3A_802] {strides = array<i32>} : memref<80x128xf32, #tpu.memory_space<vmem>>, vector<16xf32>,
          %mul3A_804 = arith.mulf %get3A_803, %gather3A_786 : vector<16xf32>
          %swap3A_805 = arith.index_cast %add3A_781 : i32 to index
          %swap3A_806 = arith.constant 32 : index
          %swap3A_807 = tpu.vector_load %arg14[%swap3A_805, %swap3A_806] {strides = array<i32>} : memref<80x128xf32, #tpu.memory_space<vmem>>, vector<16xf32>,
          tpu.vector_store %arg14[%swap3A_805, %swap3A_806], %mul3A_804 {strides = array<i32>} : memref<80x128xf32, #tpu.memory_space<vmem>>, vector<16xf32>,
          %get3A_808 = arith.index_cast %add3A_781 : i32 to index
          %get3A_809 = arith.constant 48 : index
          %get3A_810 = tpu.vector_load %arg14[%get3A_808, %get3A_809] {strides = array<i32>} : memref<80x128xf32, #tpu.memory_space<vmem>>, vector<16xf32>,
          %mul3A_811 = arith.mulf %get3A_810, %gather3A_786 : vector<16xf32>
          %swap3A_812 = arith.index_cast %add3A_781 : i32 to index
          %swap3A_813 = arith.constant 48 : index
          %swap3A_814 = tpu.vector_load %arg14[%swap3A_812, %swap3A_813] {strides = array<i32>} : memref<80x128xf32, #tpu.memory_space<vmem>>, vector<16xf32>,
          tpu.vector_store %arg14[%swap3A_812, %swap3A_813], %mul3A_811 {strides = array<i32>} : memref<80x128xf32, #tpu.memory_space<vmem>>, vector<16xf32>,
          %get3A_815 = arith.index_cast %add3A_781 : i32 to index
          %get3A_816 = arith.constant 64 : index
          %get3A_817 = tpu.vector_load %arg14[%get3A_815, %get3A_816] {strides = array<i32>} : memref<80x128xf32, #tpu.memory_space<vmem>>, vector<16xf32>,
          %mul3A_818 = arith.mulf %get3A_817, %gather3A_786 : vector<16xf32>
          %swap3A_819 = arith.index_cast %add3A_781 : i32 to index
          %swap3A_820 = arith.constant 64 : index
          %swap3A_821 = tpu.vector_load %arg14[%swap3A_819, %swap3A_820] {strides = array<i32>} : memref<80x128xf32, #tpu.memory_space<vmem>>, vector<16xf32>,
          tpu.vector_store %arg14[%swap3A_819, %swap3A_820], %mul3A_818 {strides = array<i32>} : memref<80x128xf32, #tpu.memory_space<vmem>>, vector<16xf32>,
          %get3A_822 = arith.index_cast %add3A_781 : i32 to index
          %get3A_823 = arith.constant 80 : index
          %get3A_824 = tpu.vector_load %arg14[%get3A_822, %get3A_823] {strides = array<i32>} : memref<80x128xf32, #tpu.memory_space<vmem>>, vector<16xf32>,
          %mul3A_825 = arith.mulf %get3A_824, %gather3A_786 : vector<16xf32>
          %swap3A_826 = arith.index_cast %add3A_781 : i32 to index
          %swap3A_827 = arith.constant 80 : index
          %swap3A_828 = tpu.vector_load %arg14[%swap3A_826, %swap3A_827] {strides = array<i32>} : memref<80x128xf32, #tpu.memory_space<vmem>>, vector<16xf32>,
          tpu.vector_store %arg14[%swap3A_826, %swap3A_827], %mul3A_825 {strides = array<i32>} : memref<80x128xf32, #tpu.memory_space<vmem>>, vector<16xf32>,
          %get3A_829 = arith.index_cast %add3A_781 : i32 to index
          %get3A_830 = arith.constant 96 : index
          %get3A_831 = tpu.vector_load %arg14[%get3A_829, %get3A_830] {strides = array<i32>} : memref<80x128xf32, #tpu.memory_space<vmem>>, vector<16xf32>,
          %mul3A_832 = arith.mulf %get3A_831, %gather3A_786 : vector<16xf32>
          %swap3A_833 = arith.index_cast %add3A_781 : i32 to index
          %swap3A_834 = arith.constant 96 : index
          %swap3A_835 = tpu.vector_load %arg14[%swap3A_833, %swap3A_834] {strides = array<i32>} : memref<80x128xf32, #tpu.memory_space<vmem>>, vector<16xf32>,
          tpu.vector_store %arg14[%swap3A_833, %swap3A_834], %mul3A_832 {strides = array<i32>} : memref<80x128xf32, #tpu.memory_space<vmem>>, vector<16xf32>,
          %get3A_836 = arith.index_cast %add3A_781 : i32 to index
          %get3A_837 = arith.constant 112 : index
          %get3A_838 = tpu.vector_load %arg14[%get3A_836, %get3A_837] {strides = array<i32>} : memref<80x128xf32, #tpu.memory_space<vmem>>, vector<16xf32>,
          %mul3A_839 = arith.mulf %get3A_838, %gather3A_786 : vector<16xf32>
          %swap3A_840 = arith.index_cast %add3A_781 : i32 to index
          %swap3A_841 = arith.constant 112 : index
          %swap3A_842 = tpu.vector_load %arg14[%swap3A_840, %swap3A_841] {strides = array<i32>} : memref<80x128xf32, #tpu.memory_space<vmem>>, vector<16xf32>,
          tpu.vector_store %arg14[%swap3A_840, %swap3A_841], %mul3A_839 {strides = array<i32>} : memref<80x128xf32, #tpu.memory_space<vmem>>, vector<16xf32>,
          %add3A_843 = arith.constant 3 : i32
          %add3A_844 = arith.addi %add3A_654, %add3A_843 : i32
          %broadcast_in_dim3A_845 = arith.constant 0 : i32
          %broadcast_in_dim3A_846 = vector.broadcast %broadcast_in_dim3A_845 : i32 to vector<16xi32>
          %add3A_847 = vector.broadcast %add3A_844 : i32 to vector<16xi32>
          %add3A_848 = arith.addi %broadcast_in_dim3A_846, %add3A_847 : vector<16xi32>
          %gather3A_849 = tpu.vector_load_idx %arg12[%add3A_848] : memref<80xf32, #tpu.memory_space<vmem>>[vector<16xi32>], vector<16xf32>,
          %get3A_850 = arith.index_cast %add3A_844 : i32 to index
          %get3A_851 = arith.constant 0 : index
          %get3A_852 = tpu.vector_load %arg14[%get3A_850, %get3A_851] {strides = array<i32>} : memref<80x128xf32, #tpu.memory_space<vmem>>, vector<16xf32>,
          %mul3A_853 = arith.mulf %get3A_852, %gather3A_849 : vector<16xf32>
          %swap3A_854 = arith.index_cast %add3A_844 : i32 to index
          %swap3A_855 = arith.constant 0 : index
          %swap3A_856 = tpu.vector_load %arg14[%swap3A_854, %swap3A_855] {strides = array<i32>} : memref<80x128xf32, #tpu.memory_space<vmem>>, vector<16xf32>,
          tpu.vector_store %arg14[%swap3A_854, %swap3A_855], %mul3A_853 {strides = array<i32>} : memref<80x128xf32, #tpu.memory_space<vmem>>, vector<16xf32>,
          %get3A_857 = arith.index_cast %add3A_844 : i32 to index
          %get3A_858 = arith.constant 16 : index
          %get3A_859 = tpu.vector_load %arg14[%get3A_857, %get3A_858] {strides = array<i32>} : memref<80x128xf32, #tpu.memory_space<vmem>>, vector<16xf32>,
          %mul3A_860 = arith.mulf %get3A_859, %gather3A_849 : vector<16xf32>
          %swap3A_861 = arith.index_cast %add3A_844 : i32 to index
          %swap3A_862 = arith.constant 16 : index
          %swap3A_863 = tpu.vector_load %arg14[%swap3A_861, %swap3A_862] {strides = array<i32>} : memref<80x128xf32, #tpu.memory_space<vmem>>, vector<16xf32>,
          tpu.vector_store %arg14[%swap3A_861, %swap3A_862], %mul3A_860 {strides = array<i32>} : memref<80x128xf32, #tpu.memory_space<vmem>>, vector<16xf32>,
          %get3A_864 = arith.index_cast %add3A_844 : i32 to index
          %get3A_865 = arith.constant 32 : index
          %get3A_866 = tpu.vector_load %arg14[%get3A_864, %get3A_865] {strides = array<i32>} : memref<80x128xf32, #tpu.memory_space<vmem>>, vector<16xf32>,
          %mul3A_867 = arith.mulf %get3A_866, %gather3A_849 : vector<16xf32>
          %swap3A_868 = arith.index_cast %add3A_844 : i32 to index
          %swap3A_869 = arith.constant 32 : index
          %swap3A_870 = tpu.vector_load %arg14[%swap3A_868, %swap3A_869] {strides = array<i32>} : memref<80x128xf32, #tpu.memory_space<vmem>>, vector<16xf32>,
          tpu.vector_store %arg14[%swap3A_868, %swap3A_869], %mul3A_867 {strides = array<i32>} : memref<80x128xf32, #tpu.memory_space<vmem>>, vector<16xf32>,
          %get3A_871 = arith.index_cast %add3A_844 : i32 to index
          %get3A_872 = arith.constant 48 : index
          %get3A_873 = tpu.vector_load %arg14[%get3A_871, %get3A_872] {strides = array<i32>} : memref<80x128xf32, #tpu.memory_space<vmem>>, vector<16xf32>,
          %mul3A_874 = arith.mulf %get3A_873, %gather3A_849 : vector<16xf32>
          %swap3A_875 = arith.index_cast %add3A_844 : i32 to index
          %swap3A_876 = arith.constant 48 : index
          %swap3A_877 = tpu.vector_load %arg14[%swap3A_875, %swap3A_876] {strides = array<i32>} : memref<80x128xf32, #tpu.memory_space<vmem>>, vector<16xf32>,
          tpu.vector_store %arg14[%swap3A_875, %swap3A_876], %mul3A_874 {strides = array<i32>} : memref<80x128xf32, #tpu.memory_space<vmem>>, vector<16xf32>,
          %get3A_878 = arith.index_cast %add3A_844 : i32 to index
          %get3A_879 = arith.constant 64 : index
          %get3A_880 = tpu.vector_load %arg14[%get3A_878, %get3A_879] {strides = array<i32>} : memref<80x128xf32, #tpu.memory_space<vmem>>, vector<16xf32>,
          %mul3A_881 = arith.mulf %get3A_880, %gather3A_849 : vector<16xf32>
          %swap3A_882 = arith.index_cast %add3A_844 : i32 to index
          %swap3A_883 = arith.constant 64 : index
          %swap3A_884 = tpu.vector_load %arg14[%swap3A_882, %swap3A_883] {strides = array<i32>} : memref<80x128xf32, #tpu.memory_space<vmem>>, vector<16xf32>,
          tpu.vector_store %arg14[%swap3A_882, %swap3A_883], %mul3A_881 {strides = array<i32>} : memref<80x128xf32, #tpu.memory_space<vmem>>, vector<16xf32>,
          %get3A_885 = arith.index_cast %add3A_844 : i32 to index
          %get3A_886 = arith.constant 80 : index
          %get3A_887 = tpu.vector_load %arg14[%get3A_885, %get3A_886] {strides = array<i32>} : memref<80x128xf32, #tpu.memory_space<vmem>>, vector<16xf32>,
          %mul3A_888 = arith.mulf %get3A_887, %gather3A_849 : vector<16xf32>
          %swap3A_889 = arith.index_cast %add3A_844 : i32 to index
          %swap3A_890 = arith.constant 80 : index
          %swap3A_891 = tpu.vector_load %arg14[%swap3A_889, %swap3A_890] {strides = array<i32>} : memref<80x128xf32, #tpu.memory_space<vmem>>, vector<16xf32>,
          tpu.vector_store %arg14[%swap3A_889, %swap3A_890], %mul3A_888 {strides = array<i32>} : memref<80x128xf32, #tpu.memory_space<vmem>>, vector<16xf32>,
          %get3A_892 = arith.index_cast %add3A_844 : i32 to index
          %get3A_893 = arith.constant 96 : index
          %get3A_894 = tpu.vector_load %arg14[%get3A_892, %get3A_893] {strides = array<i32>} : memref<80x128xf32, #tpu.memory_space<vmem>>, vector<16xf32>,
          %mul3A_895 = arith.mulf %get3A_894, %gather3A_849 : vector<16xf32>
          %swap3A_896 = arith.index_cast %add3A_844 : i32 to index
          %swap3A_897 = arith.constant 96 : index
          %swap3A_898 = tpu.vector_load %arg14[%swap3A_896, %swap3A_897] {strides = array<i32>} : memref<80x128xf32, #tpu.memory_space<vmem>>, vector<16xf32>,
          tpu.vector_store %arg14[%swap3A_896, %swap3A_897], %mul3A_895 {strides = array<i32>} : memref<80x128xf32, #tpu.memory_space<vmem>>, vector<16xf32>,
          %get3A_899 = arith.index_cast %add3A_844 : i32 to index
          %get3A_900 = arith.constant 112 : index
          %get3A_901 = tpu.vector_load %arg14[%get3A_899, %get3A_900] {strides = array<i32>} : memref<80x128xf32, #tpu.memory_space<vmem>>, vector<16xf32>,
          %mul3A_902 = arith.mulf %get3A_901, %gather3A_849 : vector<16xf32>
          %swap3A_903 = arith.index_cast %add3A_844 : i32 to index
          %swap3A_904 = arith.constant 112 : index
          %swap3A_905 = tpu.vector_load %arg14[%swap3A_903, %swap3A_904] {strides = array<i32>} : memref<80x128xf32, #tpu.memory_space<vmem>>, vector<16xf32>,
          tpu.vector_store %arg14[%swap3A_903, %swap3A_904], %mul3A_902 {strides = array<i32>} : memref<80x128xf32, #tpu.memory_space<vmem>>, vector<16xf32>,
        }
        %scan3A_649 = arith.constant 20 : i32
        "tpu.region"() ({
          %run_scoped3A = tpu.sem_alloc : memref<!tpu.dma_semaphore, #tpu.memory_space<semaphore_mem>>
          %dma_start3A_650 = arith.constant 0 : i32
          %dma_start3A_651 = arith.constant 0 : i32
          %dma_start3A_652 = tpu.memref_slice %arg16[%dma_start3A_650, %dma_start3A_651] : memref<10000x128xf32, #tpu.memory_space<vmem_shared>> -> memref<10000x128xf32, #tpu.memory_space<vmem_shared>>
          tpu.enqueue_indirect_dma source(%arg14 : memref<80x128xf32, #tpu.memory_space<vmem>>) target(%dma_start3A_652 : memref<10000x128xf32, #tpu.memory_space<vmem_shared>>) offsets(%arg11 : memref<80xi32, #tpu.memory_space<vmem>>) semaphore(%run_scoped3A : memref<!tpu.dma_semaphore, #tpu.memory_space<semaphore_mem>>) {add = true}
          %dma_wait3A_653 = arith.constant 0 : i32
          %dma_wait3A_654 = arith.constant 0 : i32
          %dma_wait3A_655 = tpu.memref_slice %arg16[%dma_wait3A_653, %dma_wait3A_654] : memref<10000x128xf32, #tpu.memory_space<vmem_shared>> -> memref<10000x128xf32, #tpu.memory_space<vmem_shared>>
          tpu.wait_indirect_dma semaphore(%run_scoped3A : memref<!tpu.dma_semaphore, #tpu.memory_space<semaphore_mem>>) src(%arg14 : memref<80x128xf32, #tpu.memory_space<vmem>>) dst(%dma_wait3A_655 : memref<10000x128xf32, #tpu.memory_space<vmem_shared>>)
          tpu.yield
        }) : () -> ()
      }
      %scan3A_64 = arith.constant 12 : i32
      %get3A = arith.constant 1920 : index
      %get3A_65 = tpu.vector_load %arg8[%get3A] {strides = array<i32>} : memref<2000xi32, #tpu.memory_space<vmem>>, vector<16xi32>,
      %swap3A = arith.constant 0 : index
      %swap3A_66 = tpu.vector_load %arg10[%swap3A] {strides = array<i32>} : memref<80xi32, #tpu.memory_space<vmem>>, vector<16xi32>,
      tpu.vector_store %arg10[%swap3A], %get3A_65 {strides = array<i32>} : memref<80xi32, #tpu.memory_space<vmem>>, vector<16xi32>,
      %get3A_67 = arith.constant 1920 : index
      %get3A_68 = tpu.vector_load %arg7[%get3A_67] {strides = array<i32>} : memref<2000xi32, #tpu.memory_space<vmem>>, vector<16xi32>,
      %mul3A_69 = arith.constant 2 : i32
      %mul3A_70 = vector.broadcast %mul3A_69 : i32 to vector<16xi32>
      %mul3A_71 = arith.muli %get3A_68, %mul3A_70 : vector<16xi32>
      %gather3A = tpu.vector_load_idx %arg15[%mul3A_71] : memref<20000xf32, #tpu.memory_space<vmem>>[vector<16xi32>], vector<16xf32>,
      %mul3A_72 = arith.constant 2 : i32
      %mul3A_73 = vector.broadcast %mul3A_72 : i32 to vector<16xi32>
      %mul3A_74 = arith.muli %get3A_65, %mul3A_73 : vector<16xi32>
      %add3A_75 = arith.constant 1 : i32
      %add3A_76 = vector.broadcast %add3A_75 : i32 to vector<16xi32>
      %add3A_77 = arith.addi %mul3A_74, %add3A_76 : vector<16xi32>
      %gather3A_78 = tpu.vector_load_idx %arg15[%add3A_77] : memref<20000xf32, #tpu.memory_space<vmem>>[vector<16xi32>], vector<16xf32>,
      %add3A_79 = arith.addf %gather3A, %gather3A_78 : vector<16xf32>
      %get3A_80 = arith.constant 1920 : index
      %get3A_81 = tpu.vector_load %arg9[%get3A_80] {strides = array<i32>} : memref<2000xf32, #tpu.memory_space<vmem>>, vector<16xf32>,
      %add3A_82 = arith.addf %add3A_79, %get3A_81 : vector<16xf32>
      %max3A = arith.constant 0.000000e+00 : f32
      %max3A_83 = vector.broadcast %max3A : f32 to vector<16xf32>
      %max3A_84 = arith.maximumf %add3A_82, %max3A_83 : vector<16xf32>
      %min3A = arith.constant 0.000000e+00 : f32
      %min3A_85 = vector.broadcast %min3A : f32 to vector<16xf32>
      %min3A_86 = arith.minimumf %add3A_82, %min3A_85 : vector<16xf32>
      %mul3A_87 = arith.constant 2.000000e-01 : f32
      %mul3A_88 = vector.broadcast %mul3A_87 : f32 to vector<16xf32>
      %mul3A_89 = arith.mulf %mul3A_88, %min3A_86 : vector<16xf32>
      %add3A_90 = arith.addf %max3A_84, %mul3A_89 : vector<16xf32>
      %swap3A_91 = arith.constant 0 : index
      %swap3A_92 = tpu.vector_load %arg12[%swap3A_91] {strides = array<i32>} : memref<80xf32, #tpu.memory_space<vmem>>, vector<16xf32>,
      tpu.vector_store %arg12[%swap3A_91], %add3A_90 {strides = array<i32>} : memref<80xf32, #tpu.memory_space<vmem>>, vector<16xf32>,
      %get3A_93 = arith.constant 1936 : index
      %get3A_94 = tpu.vector_load %arg8[%get3A_93] {strides = array<i32>} : memref<2000xi32, #tpu.memory_space<vmem>>, vector<16xi32>,
      %swap3A_95 = arith.constant 16 : index
      %swap3A_96 = tpu.vector_load %arg10[%swap3A_95] {strides = array<i32>} : memref<80xi32, #tpu.memory_space<vmem>>, vector<16xi32>,
      tpu.vector_store %arg10[%swap3A_95], %get3A_94 {strides = array<i32>} : memref<80xi32, #tpu.memory_space<vmem>>, vector<16xi32>,
      %get3A_97 = arith.constant 1936 : index
      %get3A_98 = tpu.vector_load %arg7[%get3A_97] {strides = array<i32>} : memref<2000xi32, #tpu.memory_space<vmem>>, vector<16xi32>,
      %mul3A_99 = arith.constant 2 : i32
      %mul3A_100 = vector.broadcast %mul3A_99 : i32 to vector<16xi32>
      %mul3A_101 = arith.muli %get3A_98, %mul3A_100 : vector<16xi32>
      %gather3A_102 = tpu.vector_load_idx %arg15[%mul3A_101] : memref<20000xf32, #tpu.memory_space<vmem>>[vector<16xi32>], vector<16xf32>,
      %mul3A_103 = arith.constant 2 : i32
      %mul3A_104 = vector.broadcast %mul3A_103 : i32 to vector<16xi32>
      %mul3A_105 = arith.muli %get3A_94, %mul3A_104 : vector<16xi32>
      %add3A_106 = arith.constant 1 : i32
      %add3A_107 = vector.broadcast %add3A_106 : i32 to vector<16xi32>
      %add3A_108 = arith.addi %mul3A_105, %add3A_107 : vector<16xi32>
      %gather3A_109 = tpu.vector_load_idx %arg15[%add3A_108] : memref<20000xf32, #tpu.memory_space<vmem>>[vector<16xi32>], vector<16xf32>,
      %add3A_110 = arith.addf %gather3A_102, %gather3A_109 : vector<16xf32>
      %get3A_111 = arith.constant 1936 : index
      %get3A_112 = tpu.vector_load %arg9[%get3A_111] {strides = array<i32>} : memref<2000xf32, #tpu.memory_space<vmem>>, vector<16xf32>,
      %add3A_113 = arith.addf %add3A_110, %get3A_112 : vector<16xf32>
      %max3A_114 = arith.constant 0.000000e+00 : f32
      %max3A_115 = vector.broadcast %max3A_114 : f32 to vector<16xf32>
      %max3A_116 = arith.maximumf %add3A_113, %max3A_115 : vector<16xf32>
      %min3A_117 = arith.constant 0.000000e+00 : f32
      %min3A_118 = vector.broadcast %min3A_117 : f32 to vector<16xf32>
      %min3A_119 = arith.minimumf %add3A_113, %min3A_118 : vector<16xf32>
      %mul3A_120 = arith.constant 2.000000e-01 : f32
      %mul3A_121 = vector.broadcast %mul3A_120 : f32 to vector<16xf32>
      %mul3A_122 = arith.mulf %mul3A_121, %min3A_119 : vector<16xf32>
      %add3A_123 = arith.addf %max3A_116, %mul3A_122 : vector<16xf32>
      %swap3A_124 = arith.constant 16 : index
      %swap3A_125 = tpu.vector_load %arg12[%swap3A_124] {strides = array<i32>} : memref<80xf32, #tpu.memory_space<vmem>>, vector<16xf32>,
      tpu.vector_store %arg12[%swap3A_124], %add3A_123 {strides = array<i32>} : memref<80xf32, #tpu.memory_space<vmem>>, vector<16xf32>,
      %get3A_126 = arith.constant 1952 : index
      %get3A_127 = tpu.vector_load %arg8[%get3A_126] {strides = array<i32>} : memref<2000xi32, #tpu.memory_space<vmem>>, vector<16xi32>,
      %swap3A_128 = arith.constant 32 : index
      %swap3A_129 = tpu.vector_load %arg10[%swap3A_128] {strides = array<i32>} : memref<80xi32, #tpu.memory_space<vmem>>, vector<16xi32>,
      tpu.vector_store %arg10[%swap3A_128], %get3A_127 {strides = array<i32>} : memref<80xi32, #tpu.memory_space<vmem>>, vector<16xi32>,
      %get3A_130 = arith.constant 1952 : index
      %get3A_131 = tpu.vector_load %arg7[%get3A_130] {strides = array<i32>} : memref<2000xi32, #tpu.memory_space<vmem>>, vector<16xi32>,
      %mul3A_132 = arith.constant 2 : i32
      %mul3A_133 = vector.broadcast %mul3A_132 : i32 to vector<16xi32>
      %mul3A_134 = arith.muli %get3A_131, %mul3A_133 : vector<16xi32>
      %gather3A_135 = tpu.vector_load_idx %arg15[%mul3A_134] : memref<20000xf32, #tpu.memory_space<vmem>>[vector<16xi32>], vector<16xf32>,
      %mul3A_136 = arith.constant 2 : i32
      %mul3A_137 = vector.broadcast %mul3A_136 : i32 to vector<16xi32>
      %mul3A_138 = arith.muli %get3A_127, %mul3A_137 : vector<16xi32>
      %add3A_139 = arith.constant 1 : i32
      %add3A_140 = vector.broadcast %add3A_139 : i32 to vector<16xi32>
      %add3A_141 = arith.addi %mul3A_138, %add3A_140 : vector<16xi32>
      %gather3A_142 = tpu.vector_load_idx %arg15[%add3A_141] : memref<20000xf32, #tpu.memory_space<vmem>>[vector<16xi32>], vector<16xf32>,
      %add3A_143 = arith.addf %gather3A_135, %gather3A_142 : vector<16xf32>
      %get3A_144 = arith.constant 1952 : index
      %get3A_145 = tpu.vector_load %arg9[%get3A_144] {strides = array<i32>} : memref<2000xf32, #tpu.memory_space<vmem>>, vector<16xf32>,
      %add3A_146 = arith.addf %add3A_143, %get3A_145 : vector<16xf32>
      %max3A_147 = arith.constant 0.000000e+00 : f32
      %max3A_148 = vector.broadcast %max3A_147 : f32 to vector<16xf32>
      %max3A_149 = arith.maximumf %add3A_146, %max3A_148 : vector<16xf32>
      %min3A_150 = arith.constant 0.000000e+00 : f32
      %min3A_151 = vector.broadcast %min3A_150 : f32 to vector<16xf32>
      %min3A_152 = arith.minimumf %add3A_146, %min3A_151 : vector<16xf32>
      %mul3A_153 = arith.constant 2.000000e-01 : f32
      %mul3A_154 = vector.broadcast %mul3A_153 : f32 to vector<16xf32>
      %mul3A_155 = arith.mulf %mul3A_154, %min3A_152 : vector<16xf32>
      %add3A_156 = arith.addf %max3A_149, %mul3A_155 : vector<16xf32>
      %swap3A_157 = arith.constant 32 : index
      %swap3A_158 = tpu.vector_load %arg12[%swap3A_157] {strides = array<i32>} : memref<80xf32, #tpu.memory_space<vmem>>, vector<16xf32>,
      tpu.vector_store %arg12[%swap3A_157], %add3A_156 {strides = array<i32>} : memref<80xf32, #tpu.memory_space<vmem>>, vector<16xf32>,
      %get3A_159 = arith.constant 1968 : index
      %get3A_160 = tpu.vector_load %arg8[%get3A_159] {strides = array<i32>} : memref<2000xi32, #tpu.memory_space<vmem>>, vector<16xi32>,
      %swap3A_161 = arith.constant 48 : index
      %swap3A_162 = tpu.vector_load %arg10[%swap3A_161] {strides = array<i32>} : memref<80xi32, #tpu.memory_space<vmem>>, vector<16xi32>,
      tpu.vector_store %arg10[%swap3A_161], %get3A_160 {strides = array<i32>} : memref<80xi32, #tpu.memory_space<vmem>>, vector<16xi32>,
      %get3A_163 = arith.constant 1968 : index
      %get3A_164 = tpu.vector_load %arg7[%get3A_163] {strides = array<i32>} : memref<2000xi32, #tpu.memory_space<vmem>>, vector<16xi32>,
      %mul3A_165 = arith.constant 2 : i32
      %mul3A_166 = vector.broadcast %mul3A_165 : i32 to vector<16xi32>
      %mul3A_167 = arith.muli %get3A_164, %mul3A_166 : vector<16xi32>
      %gather3A_168 = tpu.vector_load_idx %arg15[%mul3A_167] : memref<20000xf32, #tpu.memory_space<vmem>>[vector<16xi32>], vector<16xf32>,
      %mul3A_169 = arith.constant 2 : i32
      %mul3A_170 = vector.broadcast %mul3A_169 : i32 to vector<16xi32>
      %mul3A_171 = arith.muli %get3A_160, %mul3A_170 : vector<16xi32>
      %add3A_172 = arith.constant 1 : i32
      %add3A_173 = vector.broadcast %add3A_172 : i32 to vector<16xi32>
      %add3A_174 = arith.addi %mul3A_171, %add3A_173 : vector<16xi32>
      %gather3A_175 = tpu.vector_load_idx %arg15[%add3A_174] : memref<20000xf32, #tpu.memory_space<vmem>>[vector<16xi32>], vector<16xf32>,
      %add3A_176 = arith.addf %gather3A_168, %gather3A_175 : vector<16xf32>
      %get3A_177 = arith.constant 1968 : index
      %get3A_178 = tpu.vector_load %arg9[%get3A_177] {strides = array<i32>} : memref<2000xf32, #tpu.memory_space<vmem>>, vector<16xf32>,
      %add3A_179 = arith.addf %add3A_176, %get3A_178 : vector<16xf32>
      %max3A_180 = arith.constant 0.000000e+00 : f32
      %max3A_181 = vector.broadcast %max3A_180 : f32 to vector<16xf32>
      %max3A_182 = arith.maximumf %add3A_179, %max3A_181 : vector<16xf32>
      %min3A_183 = arith.constant 0.000000e+00 : f32
      %min3A_184 = vector.broadcast %min3A_183 : f32 to vector<16xf32>
      %min3A_185 = arith.minimumf %add3A_179, %min3A_184 : vector<16xf32>
      %mul3A_186 = arith.constant 2.000000e-01 : f32
      %mul3A_187 = vector.broadcast %mul3A_186 : f32 to vector<16xf32>
      %mul3A_188 = arith.mulf %mul3A_187, %min3A_185 : vector<16xf32>
      %add3A_189 = arith.addf %max3A_182, %mul3A_188 : vector<16xf32>
      %swap3A_190 = arith.constant 48 : index
      %swap3A_191 = tpu.vector_load %arg12[%swap3A_190] {strides = array<i32>} : memref<80xf32, #tpu.memory_space<vmem>>, vector<16xf32>,
      tpu.vector_store %arg12[%swap3A_190], %add3A_189 {strides = array<i32>} : memref<80xf32, #tpu.memory_space<vmem>>, vector<16xf32>,
      %get3A_192 = arith.constant 1984 : index
      %get3A_193 = tpu.vector_load %arg8[%get3A_192] {strides = array<i32>} : memref<2000xi32, #tpu.memory_space<vmem>>, vector<16xi32>,
      %swap3A_194 = arith.constant 64 : index
      %swap3A_195 = tpu.vector_load %arg10[%swap3A_194] {strides = array<i32>} : memref<80xi32, #tpu.memory_space<vmem>>, vector<16xi32>,
      tpu.vector_store %arg10[%swap3A_194], %get3A_193 {strides = array<i32>} : memref<80xi32, #tpu.memory_space<vmem>>, vector<16xi32>,
      %get3A_196 = arith.constant 1984 : index
      %get3A_197 = tpu.vector_load %arg7[%get3A_196] {strides = array<i32>} : memref<2000xi32, #tpu.memory_space<vmem>>, vector<16xi32>,
      %mul3A_198 = arith.constant 2 : i32
      %mul3A_199 = vector.broadcast %mul3A_198 : i32 to vector<16xi32>
      %mul3A_200 = arith.muli %get3A_197, %mul3A_199 : vector<16xi32>
      %gather3A_201 = tpu.vector_load_idx %arg15[%mul3A_200] : memref<20000xf32, #tpu.memory_space<vmem>>[vector<16xi32>], vector<16xf32>,
      %mul3A_202 = arith.constant 2 : i32
      %mul3A_203 = vector.broadcast %mul3A_202 : i32 to vector<16xi32>
      %mul3A_204 = arith.muli %get3A_193, %mul3A_203 : vector<16xi32>
      %add3A_205 = arith.constant 1 : i32
      %add3A_206 = vector.broadcast %add3A_205 : i32 to vector<16xi32>
      %add3A_207 = arith.addi %mul3A_204, %add3A_206 : vector<16xi32>
      %gather3A_208 = tpu.vector_load_idx %arg15[%add3A_207] : memref<20000xf32, #tpu.memory_space<vmem>>[vector<16xi32>], vector<16xf32>,
      %add3A_209 = arith.addf %gather3A_201, %gather3A_208 : vector<16xf32>
      %get3A_210 = arith.constant 1984 : index
      %get3A_211 = tpu.vector_load %arg9[%get3A_210] {strides = array<i32>} : memref<2000xf32, #tpu.memory_space<vmem>>, vector<16xf32>,
      %add3A_212 = arith.addf %add3A_209, %get3A_211 : vector<16xf32>
      %max3A_213 = arith.constant 0.000000e+00 : f32
      %max3A_214 = vector.broadcast %max3A_213 : f32 to vector<16xf32>
      %max3A_215 = arith.maximumf %add3A_212, %max3A_214 : vector<16xf32>
      %min3A_216 = arith.constant 0.000000e+00 : f32
      %min3A_217 = vector.broadcast %min3A_216 : f32 to vector<16xf32>
      %min3A_218 = arith.minimumf %add3A_212, %min3A_217 : vector<16xf32>
      %mul3A_219 = arith.constant 2.000000e-01 : f32
      %mul3A_220 = vector.broadcast %mul3A_219 : f32 to vector<16xf32>
      %mul3A_221 = arith.mulf %mul3A_220, %min3A_218 : vector<16xf32>
      %add3A_222 = arith.addf %max3A_215, %mul3A_221 : vector<16xf32>
      %swap3A_223 = arith.constant 64 : index
      %swap3A_224 = tpu.vector_load %arg12[%swap3A_223] {strides = array<i32>} : memref<80xf32, #tpu.memory_space<vmem>>, vector<16xf32>,
      tpu.vector_store %arg12[%swap3A_223], %add3A_222 {strides = array<i32>} : memref<80xf32, #tpu.memory_space<vmem>>, vector<16xf32>,
      %dma_wait3A = arith.constant 0 : i32
      %dma_wait3A_225 = arith.constant 0 : i32
      %dma_wait3A_226 = tpu.memref_slice %arg5[%dma_wait3A, %dma_wait3A_225] : memref<10000x128xf32, #tpu.memory_space<hbm>> -> memref<80x128xf32, #tpu.memory_space<hbm>>
      %dma_wait3A_227 = arith.constant 0 : i32
      %dma_wait3A_228 = arith.constant 0 : i32
      %dma_wait3A_229 = tpu.memref_slice %arg5[%dma_wait3A_227, %dma_wait3A_228] : memref<10000x128xf32, #tpu.memory_space<hbm>> -> memref<80x128xf32, #tpu.memory_space<hbm>>
      tpu.wait_dma2 semaphore(%arg17 : memref<!tpu.dma_semaphore, #tpu.memory_space<semaphore_mem>>) src(%dma_wait3A_229 : memref<80x128xf32, #tpu.memory_space<hbm>>) dst(%arg13 : memref<80x128xf32, #tpu.memory_space<vmem>>)
      %scan3A_230 = arith.constant 0 : i32
      %scan3A_231 = arith.constant 20 : i32
      %scan3A_232 = arith.addi %scan3A_230, %scan3A_231 : i32
      %scan3A_233 = arith.constant 1 : i32
      scf.for %scan3A_235 = %scan3A_230 to %scan3A_232 step %scan3A_233  : i32 {
        %mul3A_236 = arith.constant 4 : i32
        %mul3A_237 = arith.muli %scan3A_235, %mul3A_236 : i32
        %add3A_238 = arith.constant 0 : i32
        %add3A_239 = arith.addi %add3A_238, %mul3A_237 : i32
        %add3A_240 = arith.constant 0 : i32
        %add3A_241 = arith.addi %add3A_239, %add3A_240 : i32
        %broadcast_in_dim3A = arith.constant 0 : i32
        %broadcast_in_dim3A_242 = vector.broadcast %broadcast_in_dim3A : i32 to vector<16xi32>
        %add3A_243 = vector.broadcast %add3A_241 : i32 to vector<16xi32>
        %add3A_244 = arith.addi %broadcast_in_dim3A_242, %add3A_243 : vector<16xi32>
        %gather3A_245 = tpu.vector_load_idx %arg12[%add3A_244] : memref<80xf32, #tpu.memory_space<vmem>>[vector<16xi32>], vector<16xf32>,
        %get3A_246 = arith.index_cast %add3A_241 : i32 to index
        %get3A_247 = arith.constant 0 : index
        %get3A_248 = tpu.vector_load %arg13[%get3A_246, %get3A_247] {strides = array<i32>} : memref<80x128xf32, #tpu.memory_space<vmem>>, vector<16xf32>,
        %mul3A_249 = arith.mulf %get3A_248, %gather3A_245 : vector<16xf32>
        %swap3A_250 = arith.index_cast %add3A_241 : i32 to index
        %swap3A_251 = arith.constant 0 : index
        %swap3A_252 = tpu.vector_load %arg13[%swap3A_250, %swap3A_251] {strides = array<i32>} : memref<80x128xf32, #tpu.memory_space<vmem>>, vector<16xf32>,
        tpu.vector_store %arg13[%swap3A_250, %swap3A_251], %mul3A_249 {strides = array<i32>} : memref<80x128xf32, #tpu.memory_space<vmem>>, vector<16xf32>,
        %get3A_253 = arith.index_cast %add3A_241 : i32 to index
        %get3A_254 = arith.constant 16 : index
        %get3A_255 = tpu.vector_load %arg13[%get3A_253, %get3A_254] {strides = array<i32>} : memref<80x128xf32, #tpu.memory_space<vmem>>, vector<16xf32>,
        %mul3A_256 = arith.mulf %get3A_255, %gather3A_245 : vector<16xf32>
        %swap3A_257 = arith.index_cast %add3A_241 : i32 to index
        %swap3A_258 = arith.constant 16 : index
        %swap3A_259 = tpu.vector_load %arg13[%swap3A_257, %swap3A_258] {strides = array<i32>} : memref<80x128xf32, #tpu.memory_space<vmem>>, vector<16xf32>,
        tpu.vector_store %arg13[%swap3A_257, %swap3A_258], %mul3A_256 {strides = array<i32>} : memref<80x128xf32, #tpu.memory_space<vmem>>, vector<16xf32>,
        %get3A_260 = arith.index_cast %add3A_241 : i32 to index
        %get3A_261 = arith.constant 32 : index
        %get3A_262 = tpu.vector_load %arg13[%get3A_260, %get3A_261] {strides = array<i32>} : memref<80x128xf32, #tpu.memory_space<vmem>>, vector<16xf32>,
        %mul3A_263 = arith.mulf %get3A_262, %gather3A_245 : vector<16xf32>
        %swap3A_264 = arith.index_cast %add3A_241 : i32 to index
        %swap3A_265 = arith.constant 32 : index
        %swap3A_266 = tpu.vector_load %arg13[%swap3A_264, %swap3A_265] {strides = array<i32>} : memref<80x128xf32, #tpu.memory_space<vmem>>, vector<16xf32>,
        tpu.vector_store %arg13[%swap3A_264, %swap3A_265], %mul3A_263 {strides = array<i32>} : memref<80x128xf32, #tpu.memory_space<vmem>>, vector<16xf32>,
        %get3A_267 = arith.index_cast %add3A_241 : i32 to index
        %get3A_268 = arith.constant 48 : index
        %get3A_269 = tpu.vector_load %arg13[%get3A_267, %get3A_268] {strides = array<i32>} : memref<80x128xf32, #tpu.memory_space<vmem>>, vector<16xf32>,
        %mul3A_270 = arith.mulf %get3A_269, %gather3A_245 : vector<16xf32>
        %swap3A_271 = arith.index_cast %add3A_241 : i32 to index
        %swap3A_272 = arith.constant 48 : index
        %swap3A_273 = tpu.vector_load %arg13[%swap3A_271, %swap3A_272] {strides = array<i32>} : memref<80x128xf32, #tpu.memory_space<vmem>>, vector<16xf32>,
        tpu.vector_store %arg13[%swap3A_271, %swap3A_272], %mul3A_270 {strides = array<i32>} : memref<80x128xf32, #tpu.memory_space<vmem>>, vector<16xf32>,
        %get3A_274 = arith.index_cast %add3A_241 : i32 to index
        %get3A_275 = arith.constant 64 : index
        %get3A_276 = tpu.vector_load %arg13[%get3A_274, %get3A_275] {strides = array<i32>} : memref<80x128xf32, #tpu.memory_space<vmem>>, vector<16xf32>,
        %mul3A_277 = arith.mulf %get3A_276, %gather3A_245 : vector<16xf32>
        %swap3A_278 = arith.index_cast %add3A_241 : i32 to index
        %swap3A_279 = arith.constant 64 : index
        %swap3A_280 = tpu.vector_load %arg13[%swap3A_278, %swap3A_279] {strides = array<i32>} : memref<80x128xf32, #tpu.memory_space<vmem>>, vector<16xf32>,
        tpu.vector_store %arg13[%swap3A_278, %swap3A_279], %mul3A_277 {strides = array<i32>} : memref<80x128xf32, #tpu.memory_space<vmem>>, vector<16xf32>,
        %get3A_281 = arith.index_cast %add3A_241 : i32 to index
        %get3A_282 = arith.constant 80 : index
        %get3A_283 = tpu.vector_load %arg13[%get3A_281, %get3A_282] {strides = array<i32>} : memref<80x128xf32, #tpu.memory_space<vmem>>, vector<16xf32>,
        %mul3A_284 = arith.mulf %get3A_283, %gather3A_245 : vector<16xf32>
        %swap3A_285 = arith.index_cast %add3A_241 : i32 to index
        %swap3A_286 = arith.constant 80 : index
        %swap3A_287 = tpu.vector_load %arg13[%swap3A_285, %swap3A_286] {strides = array<i32>} : memref<80x128xf32, #tpu.memory_space<vmem>>, vector<16xf32>,
        tpu.vector_store %arg13[%swap3A_285, %swap3A_286], %mul3A_284 {strides = array<i32>} : memref<80x128xf32, #tpu.memory_space<vmem>>, vector<16xf32>,
        %get3A_288 = arith.index_cast %add3A_241 : i32 to index
        %get3A_289 = arith.constant 96 : index
        %get3A_290 = tpu.vector_load %arg13[%get3A_288, %get3A_289] {strides = array<i32>} : memref<80x128xf32, #tpu.memory_space<vmem>>, vector<16xf32>,
        %mul3A_291 = arith.mulf %get3A_290, %gather3A_245 : vector<16xf32>
        %swap3A_292 = arith.index_cast %add3A_241 : i32 to index
        %swap3A_293 = arith.constant 96 : index
        %swap3A_294 = tpu.vector_load %arg13[%swap3A_292, %swap3A_293] {strides = array<i32>} : memref<80x128xf32, #tpu.memory_space<vmem>>, vector<16xf32>,
        tpu.vector_store %arg13[%swap3A_292, %swap3A_293], %mul3A_291 {strides = array<i32>} : memref<80x128xf32, #tpu.memory_space<vmem>>, vector<16xf32>,
        %get3A_295 = arith.index_cast %add3A_241 : i32 to index
        %get3A_296 = arith.constant 112 : index
        %get3A_297 = tpu.vector_load %arg13[%get3A_295, %get3A_296] {strides = array<i32>} : memref<80x128xf32, #tpu.memory_space<vmem>>, vector<16xf32>,
        %mul3A_298 = arith.mulf %get3A_297, %gather3A_245 : vector<16xf32>
        %swap3A_299 = arith.index_cast %add3A_241 : i32 to index
        %swap3A_300 = arith.constant 112 : index
        %swap3A_301 = tpu.vector_load %arg13[%swap3A_299, %swap3A_300] {strides = array<i32>} : memref<80x128xf32, #tpu.memory_space<vmem>>, vector<16xf32>,
        tpu.vector_store %arg13[%swap3A_299, %swap3A_300], %mul3A_298 {strides = array<i32>} : memref<80x128xf32, #tpu.memory_space<vmem>>, vector<16xf32>,
        %add3A_302 = arith.constant 1 : i32
        %add3A_303 = arith.addi %add3A_239, %add3A_302 : i32
        %broadcast_in_dim3A_304 = arith.constant 0 : i32
        %broadcast_in_dim3A_305 = vector.broadcast %broadcast_in_dim3A_304 : i32 to vector<16xi32>
        %add3A_306 = vector.broadcast %add3A_303 : i32 to vector<16xi32>
        %add3A_307 = arith.addi %broadcast_in_dim3A_305, %add3A_306 : vector<16xi32>
        %gather3A_308 = tpu.vector_load_idx %arg12[%add3A_307] : memref<80xf32, #tpu.memory_space<vmem>>[vector<16xi32>], vector<16xf32>,
        %get3A_309 = arith.index_cast %add3A_303 : i32 to index
        %get3A_310 = arith.constant 0 : index
        %get3A_311 = tpu.vector_load %arg13[%get3A_309, %get3A_310] {strides = array<i32>} : memref<80x128xf32, #tpu.memory_space<vmem>>, vector<16xf32>,
        %mul3A_312 = arith.mulf %get3A_311, %gather3A_308 : vector<16xf32>
        %swap3A_313 = arith.index_cast %add3A_303 : i32 to index
        %swap3A_314 = arith.constant 0 : index
        %swap3A_315 = tpu.vector_load %arg13[%swap3A_313, %swap3A_314] {strides = array<i32>} : memref<80x128xf32, #tpu.memory_space<vmem>>, vector<16xf32>,
        tpu.vector_store %arg13[%swap3A_313, %swap3A_314], %mul3A_312 {strides = array<i32>} : memref<80x128xf32, #tpu.memory_space<vmem>>, vector<16xf32>,
        %get3A_316 = arith.index_cast %add3A_303 : i32 to index
        %get3A_317 = arith.constant 16 : index
        %get3A_318 = tpu.vector_load %arg13[%get3A_316, %get3A_317] {strides = array<i32>} : memref<80x128xf32, #tpu.memory_space<vmem>>, vector<16xf32>,
        %mul3A_319 = arith.mulf %get3A_318, %gather3A_308 : vector<16xf32>
        %swap3A_320 = arith.index_cast %add3A_303 : i32 to index
        %swap3A_321 = arith.constant 16 : index
        %swap3A_322 = tpu.vector_load %arg13[%swap3A_320, %swap3A_321] {strides = array<i32>} : memref<80x128xf32, #tpu.memory_space<vmem>>, vector<16xf32>,
        tpu.vector_store %arg13[%swap3A_320, %swap3A_321], %mul3A_319 {strides = array<i32>} : memref<80x128xf32, #tpu.memory_space<vmem>>, vector<16xf32>,
        %get3A_323 = arith.index_cast %add3A_303 : i32 to index
        %get3A_324 = arith.constant 32 : index
        %get3A_325 = tpu.vector_load %arg13[%get3A_323, %get3A_324] {strides = array<i32>} : memref<80x128xf32, #tpu.memory_space<vmem>>, vector<16xf32>,
        %mul3A_326 = arith.mulf %get3A_325, %gather3A_308 : vector<16xf32>
        %swap3A_327 = arith.index_cast %add3A_303 : i32 to index
        %swap3A_328 = arith.constant 32 : index
        %swap3A_329 = tpu.vector_load %arg13[%swap3A_327, %swap3A_328] {strides = array<i32>} : memref<80x128xf32, #tpu.memory_space<vmem>>, vector<16xf32>,
        tpu.vector_store %arg13[%swap3A_327, %swap3A_328], %mul3A_326 {strides = array<i32>} : memref<80x128xf32, #tpu.memory_space<vmem>>, vector<16xf32>,
        %get3A_330 = arith.index_cast %add3A_303 : i32 to index
        %get3A_331 = arith.constant 48 : index
        %get3A_332 = tpu.vector_load %arg13[%get3A_330, %get3A_331] {strides = array<i32>} : memref<80x128xf32, #tpu.memory_space<vmem>>, vector<16xf32>,
        %mul3A_333 = arith.mulf %get3A_332, %gather3A_308 : vector<16xf32>
        %swap3A_334 = arith.index_cast %add3A_303 : i32 to index
        %swap3A_335 = arith.constant 48 : index
        %swap3A_336 = tpu.vector_load %arg13[%swap3A_334, %swap3A_335] {strides = array<i32>} : memref<80x128xf32, #tpu.memory_space<vmem>>, vector<16xf32>,
        tpu.vector_store %arg13[%swap3A_334, %swap3A_335], %mul3A_333 {strides = array<i32>} : memref<80x128xf32, #tpu.memory_space<vmem>>, vector<16xf32>,
        %get3A_337 = arith.index_cast %add3A_303 : i32 to index
        %get3A_338 = arith.constant 64 : index
        %get3A_339 = tpu.vector_load %arg13[%get3A_337, %get3A_338] {strides = array<i32>} : memref<80x128xf32, #tpu.memory_space<vmem>>, vector<16xf32>,
        %mul3A_340 = arith.mulf %get3A_339, %gather3A_308 : vector<16xf32>
        %swap3A_341 = arith.index_cast %add3A_303 : i32 to index
        %swap3A_342 = arith.constant 64 : index
        %swap3A_343 = tpu.vector_load %arg13[%swap3A_341, %swap3A_342] {strides = array<i32>} : memref<80x128xf32, #tpu.memory_space<vmem>>, vector<16xf32>,
        tpu.vector_store %arg13[%swap3A_341, %swap3A_342], %mul3A_340 {strides = array<i32>} : memref<80x128xf32, #tpu.memory_space<vmem>>, vector<16xf32>,
        %get3A_344 = arith.index_cast %add3A_303 : i32 to index
        %get3A_345 = arith.constant 80 : index
        %get3A_346 = tpu.vector_load %arg13[%get3A_344, %get3A_345] {strides = array<i32>} : memref<80x128xf32, #tpu.memory_space<vmem>>, vector<16xf32>,
        %mul3A_347 = arith.mulf %get3A_346, %gather3A_308 : vector<16xf32>
        %swap3A_348 = arith.index_cast %add3A_303 : i32 to index
        %swap3A_349 = arith.constant 80 : index
        %swap3A_350 = tpu.vector_load %arg13[%swap3A_348, %swap3A_349] {strides = array<i32>} : memref<80x128xf32, #tpu.memory_space<vmem>>, vector<16xf32>,
        tpu.vector_store %arg13[%swap3A_348, %swap3A_349], %mul3A_347 {strides = array<i32>} : memref<80x128xf32, #tpu.memory_space<vmem>>, vector<16xf32>,
        %get3A_351 = arith.index_cast %add3A_303 : i32 to index
        %get3A_352 = arith.constant 96 : index
        %get3A_353 = tpu.vector_load %arg13[%get3A_351, %get3A_352] {strides = array<i32>} : memref<80x128xf32, #tpu.memory_space<vmem>>, vector<16xf32>,
        %mul3A_354 = arith.mulf %get3A_353, %gather3A_308 : vector<16xf32>
        %swap3A_355 = arith.index_cast %add3A_303 : i32 to index
        %swap3A_356 = arith.constant 96 : index
        %swap3A_357 = tpu.vector_load %arg13[%swap3A_355, %swap3A_356] {strides = array<i32>} : memref<80x128xf32, #tpu.memory_space<vmem>>, vector<16xf32>,
        tpu.vector_store %arg13[%swap3A_355, %swap3A_356], %mul3A_354 {strides = array<i32>} : memref<80x128xf32, #tpu.memory_space<vmem>>, vector<16xf32>,
        %get3A_358 = arith.index_cast %add3A_303 : i32 to index
        %get3A_359 = arith.constant 112 : index
        %get3A_360 = tpu.vector_load %arg13[%get3A_358, %get3A_359] {strides = array<i32>} : memref<80x128xf32, #tpu.memory_space<vmem>>, vector<16xf32>,
        %mul3A_361 = arith.mulf %get3A_360, %gather3A_308 : vector<16xf32>
        %swap3A_362 = arith.index_cast %add3A_303 : i32 to index
        %swap3A_363 = arith.constant 112 : index
        %swap3A_364 = tpu.vector_load %arg13[%swap3A_362, %swap3A_363] {strides = array<i32>} : memref<80x128xf32, #tpu.memory_space<vmem>>, vector<16xf32>,
        tpu.vector_store %arg13[%swap3A_362, %swap3A_363], %mul3A_361 {strides = array<i32>} : memref<80x128xf32, #tpu.memory_space<vmem>>, vector<16xf32>,
        %add3A_365 = arith.constant 2 : i32
        %add3A_366 = arith.addi %add3A_239, %add3A_365 : i32
        %broadcast_in_dim3A_367 = arith.constant 0 : i32
        %broadcast_in_dim3A_368 = vector.broadcast %broadcast_in_dim3A_367 : i32 to vector<16xi32>
        %add3A_369 = vector.broadcast %add3A_366 : i32 to vector<16xi32>
        %add3A_370 = arith.addi %broadcast_in_dim3A_368, %add3A_369 : vector<16xi32>
        %gather3A_371 = tpu.vector_load_idx %arg12[%add3A_370] : memref<80xf32, #tpu.memory_space<vmem>>[vector<16xi32>], vector<16xf32>,
        %get3A_372 = arith.index_cast %add3A_366 : i32 to index
        %get3A_373 = arith.constant 0 : index
        %get3A_374 = tpu.vector_load %arg13[%get3A_372, %get3A_373] {strides = array<i32>} : memref<80x128xf32, #tpu.memory_space<vmem>>, vector<16xf32>,
        %mul3A_375 = arith.mulf %get3A_374, %gather3A_371 : vector<16xf32>
        %swap3A_376 = arith.index_cast %add3A_366 : i32 to index
        %swap3A_377 = arith.constant 0 : index
        %swap3A_378 = tpu.vector_load %arg13[%swap3A_376, %swap3A_377] {strides = array<i32>} : memref<80x128xf32, #tpu.memory_space<vmem>>, vector<16xf32>,
        tpu.vector_store %arg13[%swap3A_376, %swap3A_377], %mul3A_375 {strides = array<i32>} : memref<80x128xf32, #tpu.memory_space<vmem>>, vector<16xf32>,
        %get3A_379 = arith.index_cast %add3A_366 : i32 to index
        %get3A_380 = arith.constant 16 : index
        %get3A_381 = tpu.vector_load %arg13[%get3A_379, %get3A_380] {strides = array<i32>} : memref<80x128xf32, #tpu.memory_space<vmem>>, vector<16xf32>,
        %mul3A_382 = arith.mulf %get3A_381, %gather3A_371 : vector<16xf32>
        %swap3A_383 = arith.index_cast %add3A_366 : i32 to index
        %swap3A_384 = arith.constant 16 : index
        %swap3A_385 = tpu.vector_load %arg13[%swap3A_383, %swap3A_384] {strides = array<i32>} : memref<80x128xf32, #tpu.memory_space<vmem>>, vector<16xf32>,
        tpu.vector_store %arg13[%swap3A_383, %swap3A_384], %mul3A_382 {strides = array<i32>} : memref<80x128xf32, #tpu.memory_space<vmem>>, vector<16xf32>,
        %get3A_386 = arith.index_cast %add3A_366 : i32 to index
        %get3A_387 = arith.constant 32 : index
        %get3A_388 = tpu.vector_load %arg13[%get3A_386, %get3A_387] {strides = array<i32>} : memref<80x128xf32, #tpu.memory_space<vmem>>, vector<16xf32>,
        %mul3A_389 = arith.mulf %get3A_388, %gather3A_371 : vector<16xf32>
        %swap3A_390 = arith.index_cast %add3A_366 : i32 to index
        %swap3A_391 = arith.constant 32 : index
        %swap3A_392 = tpu.vector_load %arg13[%swap3A_390, %swap3A_391] {strides = array<i32>} : memref<80x128xf32, #tpu.memory_space<vmem>>, vector<16xf32>,
        tpu.vector_store %arg13[%swap3A_390, %swap3A_391], %mul3A_389 {strides = array<i32>} : memref<80x128xf32, #tpu.memory_space<vmem>>, vector<16xf32>,
        %get3A_393 = arith.index_cast %add3A_366 : i32 to index
        %get3A_394 = arith.constant 48 : index
        %get3A_395 = tpu.vector_load %arg13[%get3A_393, %get3A_394] {strides = array<i32>} : memref<80x128xf32, #tpu.memory_space<vmem>>, vector<16xf32>,
        %mul3A_396 = arith.mulf %get3A_395, %gather3A_371 : vector<16xf32>
        %swap3A_397 = arith.index_cast %add3A_366 : i32 to index
        %swap3A_398 = arith.constant 48 : index
        %swap3A_399 = tpu.vector_load %arg13[%swap3A_397, %swap3A_398] {strides = array<i32>} : memref<80x128xf32, #tpu.memory_space<vmem>>, vector<16xf32>,
        tpu.vector_store %arg13[%swap3A_397, %swap3A_398], %mul3A_396 {strides = array<i32>} : memref<80x128xf32, #tpu.memory_space<vmem>>, vector<16xf32>,
        %get3A_400 = arith.index_cast %add3A_366 : i32 to index
        %get3A_401 = arith.constant 64 : index
        %get3A_402 = tpu.vector_load %arg13[%get3A_400, %get3A_401] {strides = array<i32>} : memref<80x128xf32, #tpu.memory_space<vmem>>, vector<16xf32>,
        %mul3A_403 = arith.mulf %get3A_402, %gather3A_371 : vector<16xf32>
        %swap3A_404 = arith.index_cast %add3A_366 : i32 to index
        %swap3A_405 = arith.constant 64 : index
        %swap3A_406 = tpu.vector_load %arg13[%swap3A_404, %swap3A_405] {strides = array<i32>} : memref<80x128xf32, #tpu.memory_space<vmem>>, vector<16xf32>,
        tpu.vector_store %arg13[%swap3A_404, %swap3A_405], %mul3A_403 {strides = array<i32>} : memref<80x128xf32, #tpu.memory_space<vmem>>, vector<16xf32>,
        %get3A_407 = arith.index_cast %add3A_366 : i32 to index
        %get3A_408 = arith.constant 80 : index
        %get3A_409 = tpu.vector_load %arg13[%get3A_407, %get3A_408] {strides = array<i32>} : memref<80x128xf32, #tpu.memory_space<vmem>>, vector<16xf32>,
        %mul3A_410 = arith.mulf %get3A_409, %gather3A_371 : vector<16xf32>
        %swap3A_411 = arith.index_cast %add3A_366 : i32 to index
        %swap3A_412 = arith.constant 80 : index
        %swap3A_413 = tpu.vector_load %arg13[%swap3A_411, %swap3A_412] {strides = array<i32>} : memref<80x128xf32, #tpu.memory_space<vmem>>, vector<16xf32>,
        tpu.vector_store %arg13[%swap3A_411, %swap3A_412], %mul3A_410 {strides = array<i32>} : memref<80x128xf32, #tpu.memory_space<vmem>>, vector<16xf32>,
        %get3A_414 = arith.index_cast %add3A_366 : i32 to index
        %get3A_415 = arith.constant 96 : index
        %get3A_416 = tpu.vector_load %arg13[%get3A_414, %get3A_415] {strides = array<i32>} : memref<80x128xf32, #tpu.memory_space<vmem>>, vector<16xf32>,
        %mul3A_417 = arith.mulf %get3A_416, %gather3A_371 : vector<16xf32>
        %swap3A_418 = arith.index_cast %add3A_366 : i32 to index
        %swap3A_419 = arith.constant 96 : index
        %swap3A_420 = tpu.vector_load %arg13[%swap3A_418, %swap3A_419] {strides = array<i32>} : memref<80x128xf32, #tpu.memory_space<vmem>>, vector<16xf32>,
        tpu.vector_store %arg13[%swap3A_418, %swap3A_419], %mul3A_417 {strides = array<i32>} : memref<80x128xf32, #tpu.memory_space<vmem>>, vector<16xf32>,
        %get3A_421 = arith.index_cast %add3A_366 : i32 to index
        %get3A_422 = arith.constant 112 : index
        %get3A_423 = tpu.vector_load %arg13[%get3A_421, %get3A_422] {strides = array<i32>} : memref<80x128xf32, #tpu.memory_space<vmem>>, vector<16xf32>,
        %mul3A_424 = arith.mulf %get3A_423, %gather3A_371 : vector<16xf32>
        %swap3A_425 = arith.index_cast %add3A_366 : i32 to index
        %swap3A_426 = arith.constant 112 : index
        %swap3A_427 = tpu.vector_load %arg13[%swap3A_425, %swap3A_426] {strides = array<i32>} : memref<80x128xf32, #tpu.memory_space<vmem>>, vector<16xf32>,
        tpu.vector_store %arg13[%swap3A_425, %swap3A_426], %mul3A_424 {strides = array<i32>} : memref<80x128xf32, #tpu.memory_space<vmem>>, vector<16xf32>,
        %add3A_428 = arith.constant 3 : i32
        %add3A_429 = arith.addi %add3A_239, %add3A_428 : i32
        %broadcast_in_dim3A_430 = arith.constant 0 : i32
        %broadcast_in_dim3A_431 = vector.broadcast %broadcast_in_dim3A_430 : i32 to vector<16xi32>
        %add3A_432 = vector.broadcast %add3A_429 : i32 to vector<16xi32>
        %add3A_433 = arith.addi %broadcast_in_dim3A_431, %add3A_432 : vector<16xi32>
        %gather3A_434 = tpu.vector_load_idx %arg12[%add3A_433] : memref<80xf32, #tpu.memory_space<vmem>>[vector<16xi32>], vector<16xf32>,
        %get3A_435 = arith.index_cast %add3A_429 : i32 to index
        %get3A_436 = arith.constant 0 : index
        %get3A_437 = tpu.vector_load %arg13[%get3A_435, %get3A_436] {strides = array<i32>} : memref<80x128xf32, #tpu.memory_space<vmem>>, vector<16xf32>,
        %mul3A_438 = arith.mulf %get3A_437, %gather3A_434 : vector<16xf32>
        %swap3A_439 = arith.index_cast %add3A_429 : i32 to index
        %swap3A_440 = arith.constant 0 : index
        %swap3A_441 = tpu.vector_load %arg13[%swap3A_439, %swap3A_440] {strides = array<i32>} : memref<80x128xf32, #tpu.memory_space<vmem>>, vector<16xf32>,
        tpu.vector_store %arg13[%swap3A_439, %swap3A_440], %mul3A_438 {strides = array<i32>} : memref<80x128xf32, #tpu.memory_space<vmem>>, vector<16xf32>,
        %get3A_442 = arith.index_cast %add3A_429 : i32 to index
        %get3A_443 = arith.constant 16 : index
        %get3A_444 = tpu.vector_load %arg13[%get3A_442, %get3A_443] {strides = array<i32>} : memref<80x128xf32, #tpu.memory_space<vmem>>, vector<16xf32>,
        %mul3A_445 = arith.mulf %get3A_444, %gather3A_434 : vector<16xf32>
        %swap3A_446 = arith.index_cast %add3A_429 : i32 to index
        %swap3A_447 = arith.constant 16 : index
        %swap3A_448 = tpu.vector_load %arg13[%swap3A_446, %swap3A_447] {strides = array<i32>} : memref<80x128xf32, #tpu.memory_space<vmem>>, vector<16xf32>,
        tpu.vector_store %arg13[%swap3A_446, %swap3A_447], %mul3A_445 {strides = array<i32>} : memref<80x128xf32, #tpu.memory_space<vmem>>, vector<16xf32>,
        %get3A_449 = arith.index_cast %add3A_429 : i32 to index
        %get3A_450 = arith.constant 32 : index
        %get3A_451 = tpu.vector_load %arg13[%get3A_449, %get3A_450] {strides = array<i32>} : memref<80x128xf32, #tpu.memory_space<vmem>>, vector<16xf32>,
        %mul3A_452 = arith.mulf %get3A_451, %gather3A_434 : vector<16xf32>
        %swap3A_453 = arith.index_cast %add3A_429 : i32 to index
        %swap3A_454 = arith.constant 32 : index
        %swap3A_455 = tpu.vector_load %arg13[%swap3A_453, %swap3A_454] {strides = array<i32>} : memref<80x128xf32, #tpu.memory_space<vmem>>, vector<16xf32>,
        tpu.vector_store %arg13[%swap3A_453, %swap3A_454], %mul3A_452 {strides = array<i32>} : memref<80x128xf32, #tpu.memory_space<vmem>>, vector<16xf32>,
        %get3A_456 = arith.index_cast %add3A_429 : i32 to index
        %get3A_457 = arith.constant 48 : index
        %get3A_458 = tpu.vector_load %arg13[%get3A_456, %get3A_457] {strides = array<i32>} : memref<80x128xf32, #tpu.memory_space<vmem>>, vector<16xf32>,
        %mul3A_459 = arith.mulf %get3A_458, %gather3A_434 : vector<16xf32>
        %swap3A_460 = arith.index_cast %add3A_429 : i32 to index
        %swap3A_461 = arith.constant 48 : index
        %swap3A_462 = tpu.vector_load %arg13[%swap3A_460, %swap3A_461] {strides = array<i32>} : memref<80x128xf32, #tpu.memory_space<vmem>>, vector<16xf32>,
        tpu.vector_store %arg13[%swap3A_460, %swap3A_461], %mul3A_459 {strides = array<i32>} : memref<80x128xf32, #tpu.memory_space<vmem>>, vector<16xf32>,
        %get3A_463 = arith.index_cast %add3A_429 : i32 to index
        %get3A_464 = arith.constant 64 : index
        %get3A_465 = tpu.vector_load %arg13[%get3A_463, %get3A_464] {strides = array<i32>} : memref<80x128xf32, #tpu.memory_space<vmem>>, vector<16xf32>,
        %mul3A_466 = arith.mulf %get3A_465, %gather3A_434 : vector<16xf32>
        %swap3A_467 = arith.index_cast %add3A_429 : i32 to index
        %swap3A_468 = arith.constant 64 : index
        %swap3A_469 = tpu.vector_load %arg13[%swap3A_467, %swap3A_468] {strides = array<i32>} : memref<80x128xf32, #tpu.memory_space<vmem>>, vector<16xf32>,
        tpu.vector_store %arg13[%swap3A_467, %swap3A_468], %mul3A_466 {strides = array<i32>} : memref<80x128xf32, #tpu.memory_space<vmem>>, vector<16xf32>,
        %get3A_470 = arith.index_cast %add3A_429 : i32 to index
        %get3A_471 = arith.constant 80 : index
        %get3A_472 = tpu.vector_load %arg13[%get3A_470, %get3A_471] {strides = array<i32>} : memref<80x128xf32, #tpu.memory_space<vmem>>, vector<16xf32>,
        %mul3A_473 = arith.mulf %get3A_472, %gather3A_434 : vector<16xf32>
        %swap3A_474 = arith.index_cast %add3A_429 : i32 to index
        %swap3A_475 = arith.constant 80 : index
        %swap3A_476 = tpu.vector_load %arg13[%swap3A_474, %swap3A_475] {strides = array<i32>} : memref<80x128xf32, #tpu.memory_space<vmem>>, vector<16xf32>,
        tpu.vector_store %arg13[%swap3A_474, %swap3A_475], %mul3A_473 {strides = array<i32>} : memref<80x128xf32, #tpu.memory_space<vmem>>, vector<16xf32>,
        %get3A_477 = arith.index_cast %add3A_429 : i32 to index
        %get3A_478 = arith.constant 96 : index
        %get3A_479 = tpu.vector_load %arg13[%get3A_477, %get3A_478] {strides = array<i32>} : memref<80x128xf32, #tpu.memory_space<vmem>>, vector<16xf32>,
        %mul3A_480 = arith.mulf %get3A_479, %gather3A_434 : vector<16xf32>
        %swap3A_481 = arith.index_cast %add3A_429 : i32 to index
        %swap3A_482 = arith.constant 96 : index
        %swap3A_483 = tpu.vector_load %arg13[%swap3A_481, %swap3A_482] {strides = array<i32>} : memref<80x128xf32, #tpu.memory_space<vmem>>, vector<16xf32>,
        tpu.vector_store %arg13[%swap3A_481, %swap3A_482], %mul3A_480 {strides = array<i32>} : memref<80x128xf32, #tpu.memory_space<vmem>>, vector<16xf32>,
        %get3A_484 = arith.index_cast %add3A_429 : i32 to index
        %get3A_485 = arith.constant 112 : index
        %get3A_486 = tpu.vector_load %arg13[%get3A_484, %get3A_485] {strides = array<i32>} : memref<80x128xf32, #tpu.memory_space<vmem>>, vector<16xf32>,
        %mul3A_487 = arith.mulf %get3A_486, %gather3A_434 : vector<16xf32>
        %swap3A_488 = arith.index_cast %add3A_429 : i32 to index
        %swap3A_489 = arith.constant 112 : index
        %swap3A_490 = tpu.vector_load %arg13[%swap3A_488, %swap3A_489] {strides = array<i32>} : memref<80x128xf32, #tpu.memory_space<vmem>>, vector<16xf32>,
        tpu.vector_store %arg13[%swap3A_488, %swap3A_489], %mul3A_487 {strides = array<i32>} : memref<80x128xf32, #tpu.memory_space<vmem>>, vector<16xf32>,
      }
      %scan3A_234 = arith.constant 20 : i32
      "tpu.region"() ({
        %run_scoped3A = tpu.sem_alloc : memref<!tpu.dma_semaphore, #tpu.memory_space<semaphore_mem>>
        %dma_start3A_235 = arith.constant 0 : i32
        %dma_start3A_236 = arith.constant 0 : i32
        %dma_start3A_237 = tpu.memref_slice %arg16[%dma_start3A_235, %dma_start3A_236] : memref<10000x128xf32, #tpu.memory_space<vmem_shared>> -> memref<10000x128xf32, #tpu.memory_space<vmem_shared>>
        tpu.enqueue_indirect_dma source(%arg13 : memref<80x128xf32, #tpu.memory_space<vmem>>) target(%dma_start3A_237 : memref<10000x128xf32, #tpu.memory_space<vmem_shared>>) offsets(%arg10 : memref<80xi32, #tpu.memory_space<vmem>>) semaphore(%run_scoped3A : memref<!tpu.dma_semaphore, #tpu.memory_space<semaphore_mem>>) {add = true}
        %dma_wait3A_238 = arith.constant 0 : i32
        %dma_wait3A_239 = arith.constant 0 : i32
        %dma_wait3A_240 = tpu.memref_slice %arg16[%dma_wait3A_238, %dma_wait3A_239] : memref<10000x128xf32, #tpu.memory_space<vmem_shared>> -> memref<10000x128xf32, #tpu.memory_space<vmem_shared>>
        tpu.wait_indirect_dma semaphore(%run_scoped3A : memref<!tpu.dma_semaphore, #tpu.memory_space<semaphore_mem>>) src(%arg13 : memref<80x128xf32, #tpu.memory_space<vmem>>) dst(%dma_wait3A_240 : memref<10000x128xf32, #tpu.memory_space<vmem_shared>>)
        tpu.yield
      }) : () -> ()
    }
    %scan3A_26 = arith.constant 5 : i32
    %barrier3A_27 = arith.constant 0 : index
    tpu.barrier barrier_id(%barrier3A_27)
    %sub3A_28 = arith.constant 125 : i32
    %sub3A_29 = arith.subi %sub3A_28, %arg1 : i32
    %sub3A_30 = arith.constant 16 : i32
    %sub3A_31 = arith.constant 1 : i32
    %sub3A_32 = arith.subi %sub3A_30, %sub3A_31 : i32
    %add3A_33 = arith.addi %sub3A_29, %sub3A_32 : i32
    %div3A_34 = arith.constant 16 : i32
    %div3A_35 = arith.divsi %add3A_33, %div3A_34 : i32
    %while3A_36 = arith.constant 16 : i32
    %while3A_37 = arith.constant 0 : i32
    %while3A_38 = arith.subi %div3A_35, %while3A_37 : i32
    %while3A_39 = arith.addi %while3A_37, %while3A_38 : i32
    %while3A_40 = arith.constant 1 : i32
    %while3A_41 = arith.divsi %while3A_38, %while3A_40 : i32
    %while3A_42 = arith.muli %while3A_41, %while3A_40 : i32
    %while3A_43 = arith.addi %while3A_37, %while3A_42 : i32
    %while3A_44 = arith.constant 1 : i32
    scf.for %while3A_46 = %while3A_37 to %while3A_43 step %while3A_44  : i32 {
      %mul3A_47 = arith.muli %while3A_46, %while3A_36 : i32
      %add3A_48 = arith.addi %arg1, %mul3A_47 : i32
      %mul3A_49 = arith.constant 80 : i32
      %mul3A_50 = arith.muli %add3A_48, %mul3A_49 : i32
      %multiple_of3A = tpu.assume_multiple %mul3A_50, 8 : i32
      "tpu.region"() ({
        %run_scoped3A = tpu.sem_alloc : memref<!tpu.dma_semaphore, #tpu.memory_space<semaphore_mem>>
        %dma_start3A = arith.constant 0 : i32
        %dma_start3A_51 = tpu.memref_slice %arg6[%arg0, %multiple_of3A, %dma_start3A] : memref<2x10000x128xf32, #tpu.memory_space<hbm>> -> memref<1x80x128xf32, #tpu.memory_space<hbm>>
        %dma_start3A_52 = tpu.memref_squeeze %dma_start3A_51 : memref<1x80x128xf32, #tpu.memory_space<hbm>> -> memref<80x128xf32, #tpu.memory_space<hbm>>
        %dma_start3A_53 = arith.constant 0 : i32
        %dma_start3A_54 = tpu.memref_slice %arg16[%multiple_of3A, %dma_start3A_53] : memref<10000x128xf32, #tpu.memory_space<vmem_shared>> -> memref<80x128xf32, #tpu.memory_space<vmem_shared>>
        tpu.enqueue_dma source(%dma_start3A_54 : memref<80x128xf32, #tpu.memory_space<vmem_shared>>) target(%dma_start3A_52 : memref<80x128xf32, #tpu.memory_space<hbm>>) target_semaphore(%run_scoped3A : memref<!tpu.dma_semaphore, #tpu.memory_space<semaphore_mem>>)
        %dma_wait3A = arith.constant 0 : i32
        %dma_wait3A_55 = tpu.memref_slice %arg6[%arg0, %multiple_of3A, %dma_wait3A] : memref<2x10000x128xf32, #tpu.memory_space<hbm>> -> memref<1x80x128xf32, #tpu.memory_space<hbm>>
        %dma_wait3A_56 = tpu.memref_squeeze %dma_wait3A_55 : memref<1x80x128xf32, #tpu.memory_space<hbm>> -> memref<80x128xf32, #tpu.memory_space<hbm>>
        %dma_wait3A_57 = arith.constant 0 : i32
        %dma_wait3A_58 = tpu.memref_slice %arg16[%multiple_of3A, %dma_wait3A_57] : memref<10000x128xf32, #tpu.memory_space<vmem_shared>> -> memref<80x128xf32, #tpu.memory_space<vmem_shared>>
        tpu.wait_dma2 semaphore(%run_scoped3A : memref<!tpu.dma_semaphore, #tpu.memory_space<semaphore_mem>>) src(%dma_wait3A_58 : memref<80x128xf32, #tpu.memory_space<vmem_shared>>) dst(%dma_wait3A_56 : memref<80x128xf32, #tpu.memory_space<hbm>>)
        tpu.yield
      }) : () -> ()
    }
    %while3A_45 = arith.constant 1 : i32
    scf.for %while3A_46 = %while3A_43 to %while3A_39 step %while3A_45  : i32 {
      %mul3A_47 = arith.muli %while3A_46, %while3A_36 : i32
      %add3A_48 = arith.addi %arg1, %mul3A_47 : i32
      %mul3A_49 = arith.constant 80 : i32
      %mul3A_50 = arith.muli %add3A_48, %mul3A_49 : i32
      %multiple_of3A = tpu.assume_multiple %mul3A_50, 8 : i32
      "tpu.region"() ({
        %run_scoped3A = tpu.sem_alloc : memref<!tpu.dma_semaphore, #tpu.memory_space<semaphore_mem>>
        %dma_start3A = arith.constant 0 : i32
        %dma_start3A_51 = tpu.memref_slice %arg6[%arg0, %multiple_of3A, %dma_start3A] : memref<2x10000x128xf32, #tpu.memory_space<hbm>> -> memref<1x80x128xf32, #tpu.memory_space<hbm>>
        %dma_start3A_52 = tpu.memref_squeeze %dma_start3A_51 : memref<1x80x128xf32, #tpu.memory_space<hbm>> -> memref<80x128xf32, #tpu.memory_space<hbm>>
        %dma_start3A_53 = arith.constant 0 : i32
        %dma_start3A_54 = tpu.memref_slice %arg16[%multiple_of3A, %dma_start3A_53] : memref<10000x128xf32, #tpu.memory_space<vmem_shared>> -> memref<80x128xf32, #tpu.memory_space<vmem_shared>>
        tpu.enqueue_dma source(%dma_start3A_54 : memref<80x128xf32, #tpu.memory_space<vmem_shared>>) target(%dma_start3A_52 : memref<80x128xf32, #tpu.memory_space<hbm>>) target_semaphore(%run_scoped3A : memref<!tpu.dma_semaphore, #tpu.memory_space<semaphore_mem>>)
        %dma_wait3A = arith.constant 0 : i32
        %dma_wait3A_55 = tpu.memref_slice %arg6[%arg0, %multiple_of3A, %dma_wait3A] : memref<2x10000x128xf32, #tpu.memory_space<hbm>> -> memref<1x80x128xf32, #tpu.memory_space<hbm>>
        %dma_wait3A_56 = tpu.memref_squeeze %dma_wait3A_55 : memref<1x80x128xf32, #tpu.memory_space<hbm>> -> memref<80x128xf32, #tpu.memory_space<hbm>>
        %dma_wait3A_57 = arith.constant 0 : i32
        %dma_wait3A_58 = tpu.memref_slice %arg16[%multiple_of3A, %dma_wait3A_57] : memref<10000x128xf32, #tpu.memory_space<vmem_shared>> -> memref<80x128xf32, #tpu.memory_space<vmem_shared>>
        tpu.wait_dma2 semaphore(%run_scoped3A : memref<!tpu.dma_semaphore, #tpu.memory_space<semaphore_mem>>) src(%dma_wait3A_58 : memref<80x128xf32, #tpu.memory_space<vmem_shared>>) dst(%dma_wait3A_56 : memref<80x128xf32, #tpu.memory_space<hbm>>)
        tpu.yield
      }) : () -> ()
    }
    return
  }
}

module attributes {stable_mosaic.version = 14 : i64} {
  func.func @body(%arg0: i32, %arg1: memref<1x3200x16xf32, #tpu.memory_space<vmem>>, %arg2: memref<128x8xf32, #tpu.memory_space<vmem>>, %arg3: memref<1x400x8xf32, #tpu.memory_space<vmem>>) attributes {dimension_semantics = [#tpu.dimension_semantics<arbitrary>], iteration_bounds = array<i64: 100>, scalar_prefetch = 0 : i64, scratch_operands = 0 : i64, tpu.core_type = #tpu.core_type<tc>, window_params = [{transform_indices = @transform_0, window_bounds = array<i64: 1, 3200, 16>}, {pipeline_mode = #tpu.pipeline_mode<synchronous>, transform_indices = @transform_1, window_bounds = array<i64: 128, 8>}, {transform_indices = @transform_2, window_bounds = array<i64: 1, 400, 8>}]} {
    %get3A = arith.constant 0 : index
    %get3A_0 = arith.constant 0 : index
    %get3A_1 = arith.constant 0 : index
    %get3A_2 = vector.load %arg1[%get3A, %get3A_0, %get3A_1] : memref<1x3200x16xf32, #tpu.memory_space<vmem>>, vector<1x3200x16xf32>
    %get3A_3 = vector.shape_cast %get3A_2 : vector<1x3200x16xf32> to vector<3200x16xf32>
    %slice3A = vector.extract_strided_slice %get3A_3 {offsets = [0, 0], sizes = [400, 16], strides = [1, 1]} : vector<3200x16xf32> to vector<400x16xf32>
    %slice3A_4 = vector.extract_strided_slice %get3A_3 {offsets = [400, 0], sizes = [400, 16], strides = [1, 1]} : vector<3200x16xf32> to vector<400x16xf32>
    %slice3A_5 = vector.extract_strided_slice %get3A_3 {offsets = [800, 0], sizes = [400, 16], strides = [1, 1]} : vector<3200x16xf32> to vector<400x16xf32>
    %slice3A_6 = vector.extract_strided_slice %get3A_3 {offsets = [1200, 0], sizes = [400, 16], strides = [1, 1]} : vector<3200x16xf32> to vector<400x16xf32>
    %slice3A_7 = vector.extract_strided_slice %get3A_3 {offsets = [1600, 0], sizes = [400, 16], strides = [1, 1]} : vector<3200x16xf32> to vector<400x16xf32>
    %slice3A_8 = vector.extract_strided_slice %get3A_3 {offsets = [2000, 0], sizes = [400, 16], strides = [1, 1]} : vector<3200x16xf32> to vector<400x16xf32>
    %slice3A_9 = vector.extract_strided_slice %get3A_3 {offsets = [2400, 0], sizes = [400, 16], strides = [1, 1]} : vector<3200x16xf32> to vector<400x16xf32>
    %slice3A_10 = vector.extract_strided_slice %get3A_3 {offsets = [2800, 0], sizes = [400, 16], strides = [1, 1]} : vector<3200x16xf32> to vector<400x16xf32>
    %concatenate3A = tpu.concatenate %slice3A, %slice3A_4, %slice3A_5, %slice3A_6, %slice3A_7, %slice3A_8, %slice3A_9, %slice3A_10 in 1 : vector<400x16xf32>, vector<400x16xf32>, vector<400x16xf32>, vector<400x16xf32>, vector<400x16xf32>, vector<400x16xf32>, vector<400x16xf32>, vector<400x16xf32> -> vector<400x128xf32>
    %get3A_11 = arith.constant 0 : index
    %get3A_12 = arith.constant 0 : index
    %get3A_13 = vector.load %arg2[%get3A_11, %get3A_12] : memref<128x8xf32, #tpu.memory_space<vmem>>, vector<128x8xf32>
    %dot_general3A = arith.constant dense<0.000000e+00> : vector<400x8xf32>
    %dot_general3A_14 = tpu.matmul %concatenate3A, %get3A_13, %dot_general3A {dimension_numbers = #tpu.dot_dimension_numbers<[1], [0], [0], [1], [0, 0, 1, 1], [], []>, transpose_lhs_hint = false} : vector<400x128xf32>, vector<128x8xf32>, vector<400x8xf32> -> vector<400x8xf32>
    %swap3A = arith.constant 0 : index
    %swap3A_15 = arith.constant 0 : index
    %swap3A_16 = arith.constant 0 : index
    %swap3A_17 = vector.load %arg3[%swap3A, %swap3A_15, %swap3A_16] : memref<1x400x8xf32, #tpu.memory_space<vmem>>, vector<1x400x8xf32>
    %swap3A_18 = vector.shape_cast %swap3A_17 : vector<1x400x8xf32> to vector<400x8xf32>
    %swap3A_19 = vector.shape_cast %dot_general3A_14 : vector<400x8xf32> to vector<1x400x8xf32>
    tpu.vector_store %arg3[%swap3A, %swap3A_15, %swap3A_16], %swap3A_19 {strides = array<i32>} : memref<1x400x8xf32, #tpu.memory_space<vmem>>, vector<1x400x8xf32>,
    return
  }
  func.func @transform_0(%arg0: i32) -> (i32, i32, i32) {
    %c0_i32 = arith.constant 0 : i32
    %c0_i32_0 = arith.constant 0 : i32
    %c0_i32_1 = arith.constant 0 : i32
    return %arg0, %c0_i32, %c0_i32_0 : i32, i32, i32
  }
  func.func @transform_1(%arg0: i32) -> (i32, i32) {
    %c0_i32 = arith.constant 0 : i32
    %c0_i32_0 = arith.constant 0 : i32
    %c0_i32_1 = arith.constant 0 : i32
    return %c0_i32, %c0_i32_0 : i32, i32
  }
  func.func @transform_2(%arg0: i32) -> (i32, i32, i32) {
    %c0_i32 = arith.constant 0 : i32
    %c0_i32_0 = arith.constant 0 : i32
    %c0_i32_1 = arith.constant 0 : i32
    return %arg0, %c0_i32, %c0_i32_0 : i32, i32, i32
  }
}

module attributes {stable_mosaic.version = 14 : i64} {
  func.func @body(%arg0: i32, %arg1: memref<1000x128xf32, #tpu.memory_space<vmem>>, %arg2: memref<128x128xf32, #tpu.memory_space<vmem>>, %arg3: memref<128x128xf32, #tpu.memory_space<vmem>>, %arg4: memref<1x128xf32, #tpu.memory_space<vmem>>, %arg5: memref<128x2xf32, #tpu.memory_space<vmem>>, %arg6: memref<1000x128xf32, #tpu.memory_space<vmem>>, %arg7: memref<1000x128xf32, #tpu.memory_space<vmem>>, %arg8: memref<1000x2xf32, #tpu.memory_space<vmem>>) attributes {dimension_semantics = [#tpu.dimension_semantics<arbitrary>], iteration_bounds = array<i64: 10>, scalar_prefetch = 0 : i64, scratch_operands = 0 : i64, tpu.core_type = #tpu.core_type<tc>, window_params = [{transform_indices = @transform_0, window_bounds = array<i64: 1000, 128>}, {pipeline_mode = #tpu.pipeline_mode<synchronous>, transform_indices = @transform_1, window_bounds = array<i64: 128, 128>}, {pipeline_mode = #tpu.pipeline_mode<synchronous>, transform_indices = @transform_2, window_bounds = array<i64: 128, 128>}, {pipeline_mode = #tpu.pipeline_mode<synchronous>, transform_indices = @transform_3, window_bounds = array<i64: 1, 128>}, {pipeline_mode = #tpu.pipeline_mode<synchronous>, transform_indices = @transform_4, window_bounds = array<i64: 128, 2>}, {transform_indices = @transform_5, window_bounds = array<i64: 1000, 128>}, {transform_indices = @transform_6, window_bounds = array<i64: 1000, 128>}, {transform_indices = @transform_7, window_bounds = array<i64: 1000, 2>}]} {
    %get3A = arith.constant 0 : index
    %get3A_0 = arith.constant 0 : index
    %get3A_1 = vector.load %arg1[%get3A, %get3A_0] : memref<1000x128xf32, #tpu.memory_space<vmem>>, vector<1000x128xf32>
    %get3A_2 = arith.constant 0 : index
    %get3A_3 = arith.constant 0 : index
    %get3A_4 = vector.load %arg2[%get3A_2, %get3A_3] : memref<128x128xf32, #tpu.memory_space<vmem>>, vector<128x128xf32>
    %dot_general3A = arith.constant dense<0.000000e+00> : vector<1000x128xf32>
    %dot_general3A_5 = tpu.matmul %get3A_1, %get3A_4, %dot_general3A {dimension_numbers = #tpu.dot_dimension_numbers<[1], [0], [0], [1], [0, 0, 1, 1], [], []>, transpose_lhs_hint = false} : vector<1000x128xf32>, vector<128x128xf32>, vector<1000x128xf32> -> vector<1000x128xf32>
    %swap3A = arith.constant 0 : index
    %swap3A_6 = arith.constant 0 : index
    %swap3A_7 = vector.load %arg6[%swap3A, %swap3A_6] : memref<1000x128xf32, #tpu.memory_space<vmem>>, vector<1000x128xf32>
    tpu.vector_store %arg6[%swap3A, %swap3A_6], %dot_general3A_5 {strides = array<i32>} : memref<1000x128xf32, #tpu.memory_space<vmem>>, vector<1000x128xf32>,
    %get3A_8 = arith.constant 0 : index
    %get3A_9 = arith.constant 0 : index
    %get3A_10 = vector.load %arg3[%get3A_8, %get3A_9] : memref<128x128xf32, #tpu.memory_space<vmem>>, vector<128x128xf32>
    %dot_general3A_11 = arith.constant dense<0.000000e+00> : vector<1000x128xf32>
    %dot_general3A_12 = tpu.matmul %get3A_1, %get3A_10, %dot_general3A_11 {dimension_numbers = #tpu.dot_dimension_numbers<[1], [0], [0], [1], [0, 0, 1, 1], [], []>, transpose_lhs_hint = false} : vector<1000x128xf32>, vector<128x128xf32>, vector<1000x128xf32> -> vector<1000x128xf32>
    %get3A_13 = arith.constant 0 : index
    %get3A_14 = arith.constant 0 : index
    %get3A_15 = vector.load %arg4[%get3A_13, %get3A_14] : memref<1x128xf32, #tpu.memory_space<vmem>>, vector<1x128xf32>
    %add3A = vector.broadcast %get3A_15 : vector<1x128xf32> to vector<1000x128xf32>
    %add3A_16 = arith.addf %dot_general3A_12, %add3A : vector<1000x128xf32>
    %swap3A_17 = arith.constant 0 : index
    %swap3A_18 = arith.constant 0 : index
    %swap3A_19 = vector.load %arg7[%swap3A_17, %swap3A_18] : memref<1000x128xf32, #tpu.memory_space<vmem>>, vector<1000x128xf32>
    tpu.vector_store %arg7[%swap3A_17, %swap3A_18], %add3A_16 {strides = array<i32>} : memref<1000x128xf32, #tpu.memory_space<vmem>>, vector<1000x128xf32>,
    %get3A_20 = arith.constant 0 : index
    %get3A_21 = arith.constant 0 : index
    %get3A_22 = vector.load %arg5[%get3A_20, %get3A_21] : memref<128x2xf32, #tpu.memory_space<vmem>>, vector<128x2xf32>
    %dot_general3A_23 = arith.constant dense<0.000000e+00> : vector<1000x2xf32>
    %dot_general3A_24 = tpu.matmul %get3A_1, %get3A_22, %dot_general3A_23 {dimension_numbers = #tpu.dot_dimension_numbers<[1], [0], [0], [1], [0, 0, 1, 1], [], []>, transpose_lhs_hint = false} : vector<1000x128xf32>, vector<128x2xf32>, vector<1000x2xf32> -> vector<1000x2xf32>
    %swap3A_25 = arith.constant 0 : index
    %swap3A_26 = arith.constant 0 : index
    %swap3A_27 = vector.load %arg8[%swap3A_25, %swap3A_26] : memref<1000x2xf32, #tpu.memory_space<vmem>>, vector<1000x2xf32>
    tpu.vector_store %arg8[%swap3A_25, %swap3A_26], %dot_general3A_24 {strides = array<i32>} : memref<1000x2xf32, #tpu.memory_space<vmem>>, vector<1000x2xf32>,
    return
  }
  func.func @transform_0(%arg0: i32) -> (i32, i32) {
    %c0_i32 = arith.constant 0 : i32
    %c0_i32_0 = arith.constant 0 : i32
    return %arg0, %c0_i32 : i32, i32
  }
  func.func @transform_1(%arg0: i32) -> (i32, i32) {
    %c0_i32 = arith.constant 0 : i32
    %c0_i32_0 = arith.constant 0 : i32
    %c0_i32_1 = arith.constant 0 : i32
    return %c0_i32, %c0_i32_0 : i32, i32
  }
  func.func @transform_2(%arg0: i32) -> (i32, i32) {
    %c0_i32 = arith.constant 0 : i32
    %c0_i32_0 = arith.constant 0 : i32
    %c0_i32_1 = arith.constant 0 : i32
    return %c0_i32, %c0_i32_0 : i32, i32
  }
  func.func @transform_3(%arg0: i32) -> (i32, i32) {
    %c0_i32 = arith.constant 0 : i32
    %c0_i32_0 = arith.constant 0 : i32
    %c0_i32_1 = arith.constant 0 : i32
    return %c0_i32, %c0_i32_0 : i32, i32
  }
  func.func @transform_4(%arg0: i32) -> (i32, i32) {
    %c0_i32 = arith.constant 0 : i32
    %c0_i32_0 = arith.constant 0 : i32
    %c0_i32_1 = arith.constant 0 : i32
    return %c0_i32, %c0_i32_0 : i32, i32
  }
  func.func @transform_5(%arg0: i32) -> (i32, i32) {
    %c0_i32 = arith.constant 0 : i32
    %c0_i32_0 = arith.constant 0 : i32
    return %arg0, %c0_i32 : i32, i32
  }
  func.func @transform_6(%arg0: i32) -> (i32, i32) {
    %c0_i32 = arith.constant 0 : i32
    %c0_i32_0 = arith.constant 0 : i32
    return %arg0, %c0_i32 : i32, i32
  }
  func.func @transform_7(%arg0: i32) -> (i32, i32) {
    %c0_i32 = arith.constant 0 : i32
    %c0_i32_0 = arith.constant 0 : i32
    return %arg0, %c0_i32 : i32, i32
  }
}

module attributes {stable_mosaic.version = 14 : i64} {
  func.func @body(%arg0: i32, %arg1: memref<1x1000x128xf32, #tpu.memory_space<vmem>>, %arg2: memref<1x1000x128xf32, #tpu.memory_space<vmem>>, %arg3: memref<1000x128xf32, #tpu.memory_space<vmem>>, %arg4: memref<1000x128xf32, #tpu.memory_space<vmem>>) attributes {dimension_semantics = [#tpu.dimension_semantics<arbitrary>], iteration_bounds = array<i64: 10>, scalar_prefetch = 0 : i64, scratch_operands = 0 : i64, tpu.core_type = #tpu.core_type<tc>, window_params = [{transform_indices = @transform_0, window_bounds = array<i64: 1, 1000, 128>}, {transform_indices = @transform_1, window_bounds = array<i64: 1, 1000, 128>}, {transform_indices = @transform_2, window_bounds = array<i64: 1000, 128>}, {transform_indices = @transform_3, window_bounds = array<i64: 1000, 128>}]} {
    %get3A = arith.constant 0 : index
    %get3A_0 = arith.constant 0 : index
    %get3A_1 = arith.constant 0 : index
    %get3A_2 = vector.load %arg1[%get3A, %get3A_0, %get3A_1] : memref<1x1000x128xf32, #tpu.memory_space<vmem>>, vector<1x1000x128xf32>
    %get3A_3 = vector.shape_cast %get3A_2 : vector<1x1000x128xf32> to vector<1000x128xf32>
    %get3A_4 = arith.constant 0 : index
    %get3A_5 = arith.constant 0 : index
    %get3A_6 = arith.constant 0 : index
    %get3A_7 = vector.load %arg2[%get3A_4, %get3A_5, %get3A_6] : memref<1x1000x128xf32, #tpu.memory_space<vmem>>, vector<1x1000x128xf32>
    %get3A_8 = vector.shape_cast %get3A_7 : vector<1x1000x128xf32> to vector<1000x128xf32>
    %add3A = arith.addf %get3A_3, %get3A_8 : vector<1000x128xf32>
    %get3A_9 = arith.constant 0 : index
    %get3A_10 = arith.constant 0 : index
    %get3A_11 = vector.load %arg3[%get3A_9, %get3A_10] : memref<1000x128xf32, #tpu.memory_space<vmem>>, vector<1000x128xf32>
    %add3A_12 = arith.addf %add3A, %get3A_11 : vector<1000x128xf32>
    %swap3A = arith.constant 0 : index
    %swap3A_13 = arith.constant 0 : index
    %swap3A_14 = vector.load %arg4[%swap3A, %swap3A_13] : memref<1000x128xf32, #tpu.memory_space<vmem>>, vector<1000x128xf32>
    tpu.vector_store %arg4[%swap3A, %swap3A_13], %add3A_12 {strides = array<i32>} : memref<1000x128xf32, #tpu.memory_space<vmem>>, vector<1000x128xf32>,
    return
  }
  func.func @transform_0(%arg0: i32) -> (i32, i32, i32) {
    %c0_i32 = arith.constant 0 : i32
    %c0_i32_0 = arith.constant 0 : i32
    %c0_i32_1 = arith.constant 0 : i32
    return %c0_i32, %arg0, %c0_i32_0 : i32, i32, i32
  }
  func.func @transform_1(%arg0: i32) -> (i32, i32, i32) {
    %c1_i32 = arith.constant 1 : i32
    %c0_i32 = arith.constant 0 : i32
    %c0_i32_0 = arith.constant 0 : i32
    return %c1_i32, %arg0, %c0_i32 : i32, i32, i32
  }
  func.func @transform_2(%arg0: i32) -> (i32, i32) {
    %c0_i32 = arith.constant 0 : i32
    %c0_i32_0 = arith.constant 0 : i32
    return %arg0, %c0_i32 : i32, i32
  }
  func.func @transform_3(%arg0: i32) -> (i32, i32) {
    %c0_i32 = arith.constant 0 : i32
    %c0_i32_0 = arith.constant 0 : i32
    return %arg0, %c0_i32 : i32, i32
  }
}

</mosaic_0001>

<sc_bundles>
// kernel: kernel.6.cloned.1.call-start
scs
__scs_entry_jumppad:
0x0: {  	(pc) =	sbr.rel $0x88, $3  }
0x1: {  	(tag) =	ssettag $0x0;
	lr =	simm.s32 $0x1  }
0x2: {  	[smem:$0x3F98] =	sst lr;
	_ =	strace $0xD0000000  }
0x3: {  	_ = 	snop  }
0x4: {  	_ = 	snop  }
0x5: {  	_ = 	snop  }
0x6: {  	_ = 	snop  }
0x7: {  	_ = 	snop  }
__scs_overlays_trampoline_lowered:
0x8: {  	[smem:$0x3FA7] =	sst s0  }
0x9: {  	[smem:$0x3FA8] =	sst s1  }
0xa: {  	[smem:$0x3FA9] =	sst s2  }
0xb: {  	[smem:$0x3FAA] =	sst s3  }
0xc: {  	[smem:$0x3FAB] =	sst s4  }
0xd: {  	[smem:$0x3FAC] =	sst s5  }
0xe: {  	[smem:$0x3FAD] =	sst s6  }
0xf: {  	[smem:$0x3FAE] =	sst s7  }
0x10: {  	[smem:$0x3FAF] =	sst s8  }
0x11: {  	[smem:$0x3FB0] =	sst s9;
	s0 =	simm.s32 @!p0 $0x0  }
0x12: {  	s1 =	sld [smem:$0x3F96];
	s0 =	simm.s32 @p0 $0x1  }
0x13: {  	[smem:$0x3FB1] =	sst s0;
	s0 =	simm.s32 @!p1 $0x0  }
0x14: {  	s2 =	sld [smem:$0x3F95];
	s0 =	simm.s32 @p1 $0x1  }
0x15: {  	[smem:$0x3FB2] =	sst s0;
	s0 =	simm.s32 @!p2 $0x0  }
0x16: {  	s3 =	sld [smem:$0x3FDB];
	s0 =	simm.s32 @p2 $0x1  }
0x17: {  	s4 =	simm.s32 $0x1BF5;
	[smem:$0x3FB4] =	sst s0  }
0x18: {  	s0 =	sld [smem:$0x3F97];
	_ =	swait.ge [sflag:s4], $0x0  }
0x19: {  	s7 =	sld [smem:$0x3F98]  }
0x1a: {  	s8 =	sadd.s32 $0xFFFFE003, lr  }
0x1b: {  	s9 =	sadd.s32 $0xFFFFFEF7, lr;
	s5 =	simm.s32 $0xFFFFFFFF;
	p2 =	slt.u32 s8, $0xFFFFF086  }
0x1c: {  	p1 =	slt.u32 s9, $0xF7A;
	s5 =	simm.s32 @!p2 $0x0  }
0x1d: {  	s5 =	simm.s32 @p1 $0x1;
	p0 =	seq.s32 s7, s2  }
0x1e: {  	s7 =	smul.u32 @!p0 $0xF7A, s2;
	p2 =	seq.s32 @!p0 s5, $0x0  }
0x1f: {  	s9 =	smul.u32 $0xF7A, s1;
	s8 =	simm.s32 @!p0 $0x1BF5;
	p2 =	por !p2, p0  }
0x20: {  	[sflag:s8] =	ssyncset.s32 @!p0 $0xFFFFF086;
	s6 =	sadd.s32 @!p0 s3, s7;
	s7 =	simm.s32 @!p0 $0x108  }
0x21: {  	s3 =	sadd.s32 s3, s9;
	s6 =	sadd.s32 @!p0 $0x88, s6;
	s7 =	simm.s32 @p2 $0x1082  }
0x22: {  	[simem:s7], [sflag:s8] =	dma.local @!p0 [hbm:s6], $0xF7A  }
0x23: {  	s9 =	sor.u32 $0xD0000000, s2;
	s6 =	simm.s32 $0x108;
	_ =	swait.ge @!p0 [sflag:s8], $0x0  }
0x24: {  	s3 =	sadd.s32 $0x88, s3;
	s6 =	simm.s32 @!p1 $0x1082;
	[sflag:s4] =	ssyncset.s32 $0xFFFFF086  }
0x25: {  	[simem:s6], [sflag:s4] =	dma.local [hbm:s3], $0xF7A  }
0x26: {  	[smem:$0x3F98] =	sst s1;
	(tag) =	ssettag s2;
	_ =	strace s9  }
0x27: {  	s1 =	sld [smem:$0x3FA8]  }
0x28: {  	s2 =	sld [smem:$0x3FA9]  }
0x29: {  	s4 =	sld [smem:$0x3FAB]  }
0x2a: {  	p0 =	seq.s32 s5, $0x0;
	s5 =	sld [smem:$0x3FAC]  }
0x2b: {  	s6 =	sld [smem:$0x3FAD]  }
0x2c: {  	s7 =	sld [smem:$0x3FAE]  }
0x2d: {  	s3 =	simm.s32 $0x108;
	s8 =	sld [smem:$0x3FAF]  }
0x2e: {  	s3 =	simm.s32 @!p0 $0x1082;
	s9 =	sld [smem:$0x3FB0]  }
0x2f: {  	lr =	sadd.s32 s0, s3;
	s0 =	sld [smem:$0x3FA7]  }
0x30: {  	s3 =	sld [smem:$0x3FAA]  }
0x31: {  	[smem:$0x3FB3] =	sst s10  }
0x32: {  	s10 =	sld [smem:$0x3FB1];
	_ =	sdelay $0x3  }
0x33: {  	p0 =	seq.s32 s10, $0x1;
	s10 =	sld [smem:$0x3FB3];
	_ =	sdelay $0x3  }
0x34: {  	[smem:$0x3FB3] =	sst s10  }
0x35: {  	s10 =	sld [smem:$0x3FB2];
	_ =	sdelay $0x3  }
0x36: {  	p1 =	seq.s32 s10, $0x1;
	s10 =	sld [smem:$0x3FB3];
	_ =	sdelay $0x3  }
0x37: {  	[smem:$0x3FB3] =	sst s10  }
0x38: {  	s10 =	sld [smem:$0x3FB4]  }
0x39: {  	_ = 	snop;
	(pc) =	sbr.ind lr, $3  }
0x3a: {  	_ = 	snop  }
0x3b: {  	_ = 	snop  }
0x3c: {  	p2 =	seq.s32 s10, $0x1;
	s10 =	sld [smem:$0x3FB3]  }
0x3d: {  	_ =	shalt  }
0x3e: {  	_ =	shalt  }
0x3f: {  	_ =	shalt  }
0x40: {  	_ =	shalt  }
0x41: {  	_ =	shalt  }
0x42: {  	_ =	shalt  }
0x43: {  	_ =	shalt  }
0x44: {  	_ =	shalt  }
0x45: {  	_ =	shalt  }
0x46: {  	_ =	shalt  }
0x47: {  	_ =	shalt  }
0x48: {  	_ =	shalt  }
0x49: {  	_ =	shalt  }
0x4a: {  	_ =	shalt  }
0x4b: {  	_ =	shalt  }
0x4c: {  	_ =	shalt  }
0x4d: {  	_ =	shalt  }
0x4e: {  	_ =	shalt  }
0x4f: {  	_ =	shalt  }
0x50: {  	_ =	shalt  }
0x51: {  	_ =	shalt  }
0x52: {  	_ =	shalt  }
0x53: {  	_ =	shalt  }
0x54: {  	_ =	shalt  }
0x55: {  	_ =	shalt  }
0x56: {  	_ =	shalt  }
0x57: {  	_ =	shalt  }
0x58: {  	_ =	shalt  }
0x59: {  	_ =	shalt  }
0x5a: {  	_ =	shalt  }
0x5b: {  	_ =	shalt  }
0x5c: {  	_ =	shalt  }
0x5d: {  	_ =	shalt  }
0x5e: {  	_ =	shalt  }
0x5f: {  	_ =	shalt  }
0x60: {  	_ =	shalt  }
0x61: {  	_ =	shalt  }
0x62: {  	_ =	shalt  }
0x63: {  	_ =	shalt  }
0x64: {  	_ =	shalt  }
0x65: {  	_ =	shalt  }
0x66: {  	_ =	shalt  }
0x67: {  	_ =	shalt  }
0x68: {  	_ =	shalt  }
0x69: {  	_ =	shalt  }
0x6a: {  	_ =	shalt  }
0x6b: {  	_ =	shalt  }
0x6c: {  	_ =	shalt  }
0x6d: {  	_ =	shalt  }
0x6e: {  	_ =	shalt  }
0x6f: {  	_ =	shalt  }
0x70: {  	_ =	shalt  }
0x71: {  	_ =	shalt  }
0x72: {  	_ =	shalt  }
0x73: {  	_ =	shalt  }
0x74: {  	_ =	shalt  }
0x75: {  	_ =	shalt  }
0x76: {  	_ =	shalt  }
0x77: {  	_ =	shalt  }
0x78: {  	_ =	shalt  }
0x79: {  	_ =	shalt  }
0x7a: {  	_ =	shalt  }
0x7b: {  	_ =	shalt  }
0x7c: {  	_ =	shalt  }
0x7d: {  	_ =	shalt  }
0x7e: {  	_ =	shalt  }
0x7f: {  	_ =	shalt  }
0x80: {  	_ =	shalt  }
0x81: {  	_ =	shalt  }
0x82: {  	_ =	shalt  }
0x83: {  	_ =	shalt  }
0x84: {  	_ =	shalt  }
0x85: {  	_ =	shalt  }
0x86: {  	_ =	shalt  }
0x87: {  	_ =	shalt  }
.Lfunc_end0:
.L_simem_size_0:
called_computation_lowered:
.L_overlay_start_0:
0x88: {  	s2 =	sld [smem:$0x3FD9]  }
0x89: {  	s3 =	sld [smem:$0x3FFE];
	_ =	sdelay $0x1  }
0x8a: {  	s1 =	srdreg.scid  }
0x8b: {  	s0 =	sand.u32 $0x1, s1  }
0x8c: {  	s17 =	sshll.u32 s0, $0xA;
	s2 =	sadd.s32 s3, s2  }
0x8d: {  	s2 =	sadd.s32 s2, s17  }
0x8e: {  	[smem:$0x3FBF] =	sst s2  }
0x8f: {  	_ = 	snop  }
0x90: {  	s2 =	sld [smem:$0x3FD0];
	(tm) =	ssettm $0x1  }
0x91: {  	s18 =	sld [smem:$0x3FFB];
	_ =	sdelay $0x3  }
0x92: {  	_ =	strace s18  }
0x93: {  	s3 =	sld [smem:$0x3FFC];
	_ =	sdelay $0x3  }
0x94: {  	_ =	strace s3  }
0x95: {  	s3 =	sld [smem:$0x3FFD];
	_ =	sdelay $0x3  }
0x96: {  	_ =	strace s3  }
0x97: {  	_ =	strace $0x8FFFFFFF  }
0x98: {  	s19 =	sld [smem:$0x3FDB];
	_ =	sdelay $0x1  }
0x99: {  	s4 =	simm.s32 $_scs_section_size  }
0x9a: {  	s5 =	simm.s32 $_size__tile_overlayer_lowered;
	s6 =	simm.s32 $_tile_overlayer_lowered  }
0x9b: {  	s22 =	simm.s32 $0x1BFF;
	s21 =	sshll.u32 s6, $0x1;
	s3 =	sadd.s32 s4, s19  }
0x9c: {  	s7 =	simm.s32 $0x0;
	s20 =	sshll.u32 s5, $0x1;
	s5 =	sadd.s32 s21, s3  }
0x9d: {  	[timem:s7], [sflag:s22] =	dma.local [hbm:s5], s20  }
0x9e: {  	_ =	swait.ge [sflag:s22], s20  }
0x9f: {  	s4 =	ssub.s32 $0x0, s20;
	[sflag:s22] =	ssyncset.done $0x0  }
0xa0: {  	[sflag:s22] =	ssyncadd.s32 s4;
	_ =	sdelay $0x1  }
0xa1: {  	s23 =	simm.s32 $0x1B8B  }
0xa2: {  	_ =	swait.ge [sflag:s23], $0x1  }
0xa3: {  	[sflag:s23] =	ssyncset.done $0x0  }
0xa4: {  	s25 =	simm.s32 $0x1B8E;
	s24 =	sld [smem:$0x3FFE];
	[sflag:s23] =	ssyncadd.s32 $0xFFFFFFFF  }
0xa5: {  	s26 =	simm.s32 $execute0_lowered;
	[smem:$0x3FD2] =	sst s25  }
0xa6: {  	s5 =	sshll.u32 s26, $0x1;
	_ =	strace $0x80000046;
	[dreg:$0x1] =	wrdreg $0xFFFFFFFF  }
0xa7: {  	s28 =	simm.s32 $_size_execute0_lowered;
	s3 =	sadd.s32 s3, s5;
	[dreg:$0x0] =	wrdreg $0x0  }
0xa8: {  	s5 =	sshll.u32 s28, $0x1;
	[dreg:$0x2] =	wrdreg s3  }
0xa9: {  	[dreg:$0x3] =	wrdreg s5  }
0xaa: {  	[dreg:$0x4] =	wrdreg $0xC0  }
0xab: {  	_ =	task [dreg:s7], $0x5FFFF  }
0xac: {  	[dreg:$0x1] =	wrdreg $0xFFFFFFFF  }
0xad: {  	[dreg:$0x0] =	wrdreg $0x60  }
0xae: {  	[dreg:$0x2] =	wrdreg s24  }
0xaf: {  	[dreg:$0x3] =	wrdreg s2  }
0xb0: {  	[dreg:$0x4] =	wrdreg $0xB8000  }
0xb1: {  	[dreg:$0x5] =	wrdreg $0x9  }
0xb2: {  	_ =	task.clear_ibuf [dreg:s7], $0x6FFFF;
	_ =	strace $0x90000046  }
0xb3: {  	s29 =	simm.s32 $0x9;
	_ =	strace $0x80000048  }
0xb4: {  	_ =	swait.ge [sflag:s29], $0x1  }
0xb5: {  	[sflag:s29] =	ssyncadd.s32 $0xFFFFFFFF  }
0xb6: {  	_ =	strace $0x90000048  }
0xb7: {  	_ =	sfence  }
0xb8: {  	s30 =	sld [smem:$0x0];
	_ =	sdelay $0x2  }
0xb9: {  	s31 =	sshll.u32 s1, $0xD;
	s1 =	sshrl.u32 s1, $0x2  }
0xba: {  	s3 =	sand.u32 $0x4000, s31;
	s1 =	sadd.s32 s1, s30  }
0xbb: {  	s0 =	sor.u32 s3, s0;
	s1 =	sshll.u32 s1, $0x11  }
0xbc: {  	s0 =	sor.u32 s1, s0  }
0xbd: {  	s0 =	sadd.s32 $0x8F2B, s0  }
0xbe: {  	[sflag:s0] =	ssyncadd.remote.s32 $0x1  }
0xbf: {  	_ =	sfence.sel $0xFFFF  }
0xc0: {  	[dreg:$0x0] =	wrdreg $0xFFFFFFFF;
	(pc) =	sbr.abs _section_cstart, $3  }
0xc1: {  	[dreg:$0x1] =	wrdreg $0xFFFFFFFF  }
0xc2: {  	_ =	task.clear_ibuf [dreg:s7], $0x2FFFF;
	_ =	strace $0x9FFFFFFF  }
0xc3: {  	(tm) =	ssettm $0x7FFFFFFF  }
tec
execute0_lowered:
.L_overlay_start_1:
0x0: {  	(tag) =	ssettag $0x1  }
0x1: {  	s0 =	rddreg [dreg:$0x0]  }
0x2: {  	s2 =	rddreg [dreg:$0x1]  }
0x3: {  	s1 =	srdreg.scid;
	s3 =	rddreg [dreg:$0x2]  }
0x4: {  	s7 =	stileid.u32;
	s6 =	simm.s32 $0x0;
	s13 =	simm.s32 $0x6980  }
0x5: {  	s14 =	simm.s32 $0x2;
	s15 =	simm.s32 $0x1980;
	s16 =	simm.s32 $0x800  }
0x6: {  	s17 =	simm.s32 $0x1000;
	s18 =	simm.s32 $0x50;
	s19 =	simm.s32 $0x4180  }
0x7: {  	s20 =	simm.s32 $0x1;
	s21 =	simm.s32 $0x1900;
	s22 =	simm.s32 $0x1800  }
0x8: {  	s23 =	simm.s32 $0x1880;
	s24 =	simm.s32 $0x0;
	s1 =	sand.u32 $0x1, s1  }
0x9: {  	s5 =	smul.u32 $0x2800, s7;
	[smem:$0x7FF] =	sst s6;
	s6 =	sadd.s32 $0x15800, s0  }
0xa: {  	s8 =	sadd.s32 $0x1F600, s0;
	s10 =	smul.u32 $0xA000, s7;
	s9 =	ssub.s32 $0x8C, s7  }
0xb: {  	s4 =	smul.u32 $0x138800, s1;
	_ =	strace $0x80000047;
	[dreg:$0x4] =	wrdreg s8  }
0xc: {  	s29 =	ssub.s32 $0x2, s1;
	s1 =	sshll.u32 s1, $0x4;
	s9 =	sshrl.u32 s9, $0x4  }
0xd: {  	s30 =	sshrl.u32 s29, $0x1;
	s1 =	sor.u32 s7, s1;
	s4 =	sadd.s32 s5, s4  }
0xe: {  	s31 =	sshrl.u32 s10, $0x2;
	s5 =	sadd.s32 $0x1E00, s0;
	s4 =	sshrl.u32 s4, $0x3  }
0xf: {  	s8 =	smul.u32 $0x2710, s1;
	s0 =	sadd.s32 s4, s0;
	s4 =	ssub.s32 s29, s30  }
0x10: {  	v0 =	vimm.f32 $0.0e+00;
	s11 =	sadd.s32 s31, s3;
	s10 =	smax.u32 s4, $0x1;
	s12 =	sadd.s32 $0x20000, s0  }
.LBB2_1:
0x11: {  	s0 =	simm.s32 $0x0;
	s1 =	rddreg [dreg:$0x4]  }
0x12: {  	[tilespmem:s13], [sflag:$0x2] =	stream.linear.gather [hbm4b:s1+s0], $0x4E80, $0x38;
	[tilespmem:$0x1F080] =	vst v63  }
0x13: {  	_ =	swait.ge [sflag:s14], $0x4E80  }
0x14: {  	[sflag:s14] =	ssyncset.done $0x0  }
0x15: {  	s0 =	simm.s32 $0x0;
	s1 =	simm.s32 $0x200;
	[sflag:s14] =	ssyncadd.s32 $0xFFFFB180  }
.LBB2_2:
0x16: {  	p0 =	sne.s32 s1, $0x9E00;
	[tilespmem:s0+$0x19F0] =	vst v0  }
0x17: {  	[tilespmem:s0+$0x1980] =	vst v0  }
0x18: {  	[tilespmem:s0+$0x1990] =	vst v0  }
.Ltmp0:
0x19: {  	[tilespmem:s0+$0x19A0] =	vst v0;
	(pc) =	sbr.rel @p0 .LBB2_2-.Ltmp0, $4  }
0x1a: {  	[tilespmem:s0+$0x19B0] =	vst v0  }
0x1b: {  	[tilespmem:s0+$0x19C0] =	vst v0  }
0x1c: {  	[tilespmem:s0+$0x19D0] =	vst v0  }
0x1d: {  	[tilespmem:s0+$0x19E0] =	vst v0;
	s0 =	sshra.s32 s1, $0x2;
	s1 =	sadd.s32 $0x200, s1  }
0x1e: {  	[tilespmem:s0+$0x19F0] =	vst v0  }
0x1f: {  	[tilespmem:s0+$0x1980] =	vst v0  }
0x20: {  	[tilespmem:s0+$0x1990] =	vst v0  }
0x21: {  	[tilespmem:s0+$0x19A0] =	vst v0  }
0x22: {  	[tilespmem:s0+$0x19B0] =	vst v0  }
0x23: {  	[tilespmem:s0+$0x19C0] =	vst v0;
	p0 =	sne.s32 s9, $0x1  }
.Ltmp1:
0x24: {  	[tilespmem:s0+$0x19D0] =	vst v0;
	(pc) =	sbr.rel @!p0 .LBB2_5-.Ltmp1, $4  }
0x25: {  	[tilespmem:s0+$0x19E0] =	vst v0  }
0x26: {  	[spmem:s11] =	stream.linear.scatter [tilespmem:s15], [sflag:$0x2], $0x2800, $0x38;
	[tilespmem:$0x1F080] =	vst v63  }
0x27: {  	_ =	swait.ge [sflag:s14], $0x2800  }
0x28: {  	s0 =	sadd.s32 $0xFFFFFFFF, s9;
	s1 =	smov.u32 s11;
	[sflag:s14] =	ssyncset.done $0x0  }
.LBB2_4:
0x29: {  	p1 =	sne.s32 s0, $0x1;
	[sflag:s14] =	ssyncadd.s32 $0xFFFFD800;
	s1 =	sadd.s32 $0x28000, s1  }
.Ltmp2:
0x2a: {  	s0 =	sadd.s32 $0xFFFFFFFF, s0;
	(pc) =	sbr.rel @p1 .LBB2_4-.Ltmp2, $4  }
0x2b: {  	_ = 	snop  }
0x2c: {  	[spmem:s1] =	stream.linear.scatter [tilespmem:s15], [sflag:$0x2], $0x2800, $0x38;
	[tilespmem:$0x1F080] =	vst v63  }
0x2d: {  	_ =	swait.ge [sflag:s14], $0x2800  }
0x2e: {  	[sflag:s14] =	ssyncset.done $0x0  }
.LBB2_5:
0x2f: {  	[sflag:s14] =	ssyncadd.s32 $0xFFFFD800  }
0x30: {  	s25 =	simm.s32 $0x0;
	s26 =	simm.s32 $0x0;
	[bflag:$0x0] =	sbarrier.arrive $0xFFFF  }
.LBB2_6:
0x31: {  	s0 =	smul.u32 $0x7D0, s26;
	_ =	sdelay $0x1  }
0x32: {  	s0 =	sadd.s32 s8, s0  }
0x33: {  	s0 =	sshrl.u32 s0, $0x3  }
0x34: {  	s1 =	sadd.s32 s5, s0  }
0x35: {  	[tilespmem:s25], [sflag:$0x2] =	stream.linear.gather [hbm4b:s1+s25], $0x7D0, $0x38;
	[tilespmem:$0x1F080] =	vst v63  }
0x36: {  	_ =	swait.ge [sflag:s14], $0x7D0  }
0x37: {  	[sflag:s14] =	ssyncset.done $0x0  }
0x38: {  	s1 =	sadd.s32 $0x9C40, s1;
	[sflag:s14] =	ssyncadd.s32 $0xFFFFF830  }
0x39: {  	[tilespmem:s16], [sflag:$0x2] =	stream.linear.gather [hbm4b:s1+s25], $0x7D0, $0x38;
	[tilespmem:$0x1F080] =	vst v63  }
0x3a: {  	_ =	swait.ge [sflag:s14], $0x7D0  }
0x3b: {  	[sflag:s14] =	ssyncset.done $0x0  }
0x3c: {  	s0 =	sadd.s32 s6, s0;
	[sflag:s14] =	ssyncadd.s32 $0xFFFFF830  }
0x3d: {  	[tilespmem:s17], [sflag:$0x2] =	stream.linear.gather [hbm4b:s0+s25], $0x7D0, $0x38;
	[tilespmem:$0x1F080] =	vst v63  }
0x3e: {  	_ =	swait.ge [sflag:s14], $0x7D0  }
0x3f: {  	[sflag:s14] =	ssyncset.done $0x0  }
0x40: {  	s28 =	simm.s32 $0x0;
	[sflag:s14] =	ssyncadd.s32 $0xFFFFF830  }
0x41: {  	[tilespmem:s15], [sflag:$0x1] =	stream.indirect.gather [hbm4b:s2+s18], $0x80, s25, s18, $0xb8;
	[tilespmem:$0x1F080] =	vst v63  }
.LBB2_7:
0x42: {  	s29 =	smul.u32 $0xA0, s28;
	_ =	sdelay $0x1  }
0x43: {  	s30 =	sadd.s32 $0x50, s29  }
0x44: {  	[tilespmem:s19], [sflag:$0x1] =	stream.indirect.gather [hbm4b:s2+s18], $0x80, s30, s18, $0xb8;
	[tilespmem:$0x1F080] =	vst v63  }
0x45: {  	v1 =	vld [tilespmem:s29+$0x800];
	_ =	sdelay $0x4  }
0x46: {  	[tilespmem:$0x1800] =	vst v1  }
0x47: {  	v2 =	vld [tilespmem:s29+$0x0];
	_ =	sdelay $0x2  }
0x48: {  	v1 =	vshll.u32 v1, $0x1  }
0x49: {  	v1 =	vor.u32 $0x1, v1  }
0x4a: {  	v2 =	vshll.u32 v2, $0x1;
	_ =	sdelay $0x3  }
0x4b: {  	v1 =	vld.idx.msk [tilespmem:v1+s13+$0x0], $0xffff  }
0x4c: {  	v2 =	vld.idx.msk [tilespmem:v2+s13+$0x0], $0xffff;
	_ =	sdelay $0x1  }
0x4d: {  	v3 =	vld [tilespmem:s29+$0x1000];
	_ =	sdelay $0x2  }
0x4e: {  	v1 =	vadd.f32 v1, v2;
	_ =	sdelay $0x1  }
0x4f: {  	v1 =	vadd.f32 v3, v1;
	_ =	sdelay $0x1  }
0x50: {  	v2 =	vmin.f32 v1, $0.0e+00  }
0x51: {  	v2 =	vmul.f32 $2.000000030e-01, v2  }
0x52: {  	v1 =	vmax.f32 v1, $0.0e+00  }
0x53: {  	v1 =	vadd.f32 v2, v1;
	_ =	sdelay $0x1  }
0x54: {  	[tilespmem:$0x1900] =	vst v1  }
0x55: {  	v1 =	vld [tilespmem:s29+$0x810];
	_ =	sdelay $0x4  }
0x56: {  	[tilespmem:$0x1810] =	vst v1  }
0x57: {  	v2 =	vld [tilespmem:s29+$0x10];
	_ =	sdelay $0x2  }
0x58: {  	v1 =	vshll.u32 v1, $0x1  }
0x59: {  	v1 =	vor.u32 $0x1, v1  }
0x5a: {  	v2 =	vshll.u32 v2, $0x1;
	_ =	sdelay $0x3  }
0x5b: {  	v1 =	vld.idx.msk [tilespmem:v1+s13+$0x0], $0xffff  }
0x5c: {  	v2 =	vld.idx.msk [tilespmem:v2+s13+$0x0], $0xffff;
	_ =	sdelay $0x1  }
0x5d: {  	v3 =	vld [tilespmem:s29+$0x1010];
	_ =	sdelay $0x2  }
0x5e: {  	v1 =	vadd.f32 v1, v2;
	_ =	sdelay $0x1  }
0x5f: {  	v1 =	vadd.f32 v3, v1;
	_ =	sdelay $0x1  }
0x60: {  	v2 =	vmin.f32 v1, $0.0e+00  }
0x61: {  	v2 =	vmul.f32 $2.000000030e-01, v2  }
0x62: {  	v1 =	vmax.f32 v1, $0.0e+00  }
0x63: {  	v1 =	vadd.f32 v2, v1;
	_ =	sdelay $0x1  }
0x64: {  	[tilespmem:$0x1910] =	vst v1  }
0x65: {  	v1 =	vld [tilespmem:s29+$0x820];
	_ =	sdelay $0x4  }
0x66: {  	[tilespmem:$0x1820] =	vst v1  }
0x67: {  	v2 =	vld [tilespmem:s29+$0x20];
	_ =	sdelay $0x2  }
0x68: {  	v1 =	vshll.u32 v1, $0x1  }
0x69: {  	v1 =	vor.u32 $0x1, v1  }
0x6a: {  	v2 =	vshll.u32 v2, $0x1;
	_ =	sdelay $0x3  }
0x6b: {  	v1 =	vld.idx.msk [tilespmem:v1+s13+$0x0], $0xffff  }
0x6c: {  	v2 =	vld.idx.msk [tilespmem:v2+s13+$0x0], $0xffff;
	_ =	sdelay $0x1  }
0x6d: {  	v3 =	vld [tilespmem:s29+$0x1020];
	_ =	sdelay $0x2  }
0x6e: {  	v1 =	vadd.f32 v1, v2;
	_ =	sdelay $0x1  }
0x6f: {  	v1 =	vadd.f32 v3, v1;
	_ =	sdelay $0x1  }
0x70: {  	v2 =	vmin.f32 v1, $0.0e+00  }
0x71: {  	v2 =	vmul.f32 $2.000000030e-01, v2  }
0x72: {  	v1 =	vmax.f32 v1, $0.0e+00  }
0x73: {  	v1 =	vadd.f32 v2, v1;
	_ =	sdelay $0x1  }
0x74: {  	[tilespmem:$0x1920] =	vst v1  }
0x75: {  	v1 =	vld [tilespmem:s29+$0x830];
	_ =	sdelay $0x4  }
0x76: {  	[tilespmem:$0x1830] =	vst v1  }
0x77: {  	v2 =	vld [tilespmem:s29+$0x30];
	_ =	sdelay $0x2  }
0x78: {  	v1 =	vshll.u32 v1, $0x1  }
0x79: {  	v1 =	vor.u32 $0x1, v1  }
0x7a: {  	v2 =	vshll.u32 v2, $0x1;
	_ =	sdelay $0x3  }
0x7b: {  	v1 =	vld.idx.msk [tilespmem:v1+s13+$0x0], $0xffff  }
0x7c: {  	v2 =	vld.idx.msk [tilespmem:v2+s13+$0x0], $0xffff;
	_ =	sdelay $0x1  }
0x7d: {  	v3 =	vld [tilespmem:s29+$0x1030];
	_ =	sdelay $0x2  }
0x7e: {  	v1 =	vadd.f32 v1, v2;
	_ =	sdelay $0x1  }
0x7f: {  	v1 =	vadd.f32 v3, v1;
	_ =	sdelay $0x1  }
0x80: {  	v2 =	vmin.f32 v1, $0.0e+00  }
0x81: {  	v2 =	vmul.f32 $2.000000030e-01, v2  }
0x82: {  	v1 =	vmax.f32 v1, $0.0e+00  }
0x83: {  	v1 =	vadd.f32 v2, v1;
	_ =	sdelay $0x1  }
0x84: {  	[tilespmem:$0x1930] =	vst v1  }
0x85: {  	v1 =	vld [tilespmem:s29+$0x840];
	_ =	sdelay $0x4  }
0x86: {  	[tilespmem:$0x1840] =	vst v1  }
0x87: {  	v2 =	vld [tilespmem:s29+$0x40];
	_ =	sdelay $0x2  }
0x88: {  	v1 =	vshll.u32 v1, $0x1  }
0x89: {  	v1 =	vor.u32 $0x1, v1  }
0x8a: {  	v2 =	vshll.u32 v2, $0x1;
	_ =	sdelay $0x3  }
0x8b: {  	v1 =	vld.idx.msk [tilespmem:v1+s13+$0x0], $0xffff  }
0x8c: {  	v2 =	vld.idx.msk [tilespmem:v2+s13+$0x0], $0xffff;
	_ =	sdelay $0x1  }
0x8d: {  	v3 =	vld [tilespmem:s29+$0x1040];
	_ =	sdelay $0x2  }
0x8e: {  	v1 =	vadd.f32 v1, v2;
	_ =	sdelay $0x1  }
0x8f: {  	v1 =	vadd.f32 v3, v1;
	_ =	sdelay $0x1  }
0x90: {  	v2 =	vmin.f32 v1, $0.0e+00  }
0x91: {  	v2 =	vmul.f32 $2.000000030e-01, v2  }
0x92: {  	s0 =	simm.s32 $0x0;
	v1 =	vmax.f32 v1, $0.0e+00  }
0x93: {  	v1 =	vadd.f32 v2, v1;
	v2 =	vmov s0  }
0x94: {  	v2 =	vand.u32 $0xFFFFFFFC, v2  }
0x95: {  	[tilespmem:$0x1940] =	vst v1;
	v1 =	vbroadcast v2, $0x0;
	_ =	sdelay $0x1  }
0x96: {  	_ =	swait.ge [sflag:s20], $0x2800  }
0x97: {  	[sflag:s20] =	ssyncset.done $0x0  }
0x98: {  	s31 =	simm.s32 $0x1A80;
	[sflag:s20] =	ssyncadd.s32 $0xFFFFD800  }
0x99: {  	v3 =	vld [tilespmem:s31+$0xFFFFFF70]  }
0x9a: {  	v1 =	vld.idx.msk [tilespmem:v1+s21+$0x0], $0xffff  }
0x9b: {  	v4 =	vld [tilespmem:s31+$0xFFFFFF00]  }
0x9c: {  	v5 =	vld [tilespmem:s31+$0xFFFFFF20]  }
0x9d: {  	v6 =	vld [tilespmem:s31+$0xFFFFFF30]  }
0x9e: {  	v2 =	vld [tilespmem:s31+$0xFFFFFF50]  }
0x9f: {  	v8 =	vld [tilespmem:s31+$0xFFFFFF10];
	v3 =	vmul.f32 v3, v1  }
0xa0: {  	s4 =	simm.s32 $0x1;
	v7 =	vld [tilespmem:s31+$0xFFFFFF60];
	v4 =	vmul.f32 v4, v1  }
0xa1: {  	v9 =	vld [tilespmem:s31+$0xFFFFFF40];
	v5 =	vmul.f32 v5, v1;
	[tilespmem:s31+$0xFFFFFF70] =	vst v3;
	v3 =	vmov s4  }
0xa2: {  	v6 =	vmul.f32 v6, v1;
	[tilespmem:s31+$0xFFFFFF00] =	vst v4;
	v3 =	vand.u32 $0xFFFFFFFD, v3  }
0xa3: {  	v2 =	vmul.f32 v2, v1;
	[tilespmem:s31+$0xFFFFFF20] =	vst v5;
	v3 =	vbroadcast v3, $0x0  }
0xa4: {  	v4 =	vmul.f32 v8, v1;
	[tilespmem:s31+$0xFFFFFF30] =	vst v6  }
0xa5: {  	v5 =	vmul.f32 v7, v1;
	[tilespmem:s31+$0xFFFFFF50] =	vst v2  }
0xa6: {  	v1 =	vmul.f32 v9, v1;
	[tilespmem:s31+$0xFFFFFF10] =	vst v4  }
0xa7: {  	[tilespmem:s31+$0xFFFFFF60] =	vst v5  }
0xa8: {  	[tilespmem:s31+$0xFFFFFF40] =	vst v1;
	v1 =	vld [tilespmem:s31+$0xFFFFFF80]  }
0xa9: {  	v3 =	vld.idx.msk [tilespmem:v3+s21+$0x0], $0xffff  }
0xaa: {  	v2 =	vld [tilespmem:s31+$0xFFFFFFA0]  }
0xab: {  	v4 =	vld [tilespmem:s31+$0xFFFFFF90]  }
0xac: {  	v5 =	vld [tilespmem:s31+$0xFFFFFFD0]  }
0xad: {  	v6 =	vld [tilespmem:s31+$0xFFFFFFE0]  }
0xae: {  	v7 =	vld [tilespmem:s31+$0xFFFFFFF0];
	v1 =	vmul.f32 v1, v3  }
0xaf: {  	s7 =	simm.s32 $0x2;
	v8 =	vld [tilespmem:s31+$0xFFFFFFB0];
	v2 =	vmul.f32 v2, v3  }
0xb0: {  	v63 =	vld [tilespmem:s31+$0xFFFFFFC0];
	v4 =	vmul.f32 v4, v3;
	[tilespmem:s31+$0xFFFFFF80] =	vst v1;
	v1 =	vmov s7  }
0xb1: {  	v5 =	vmul.f32 v5, v3;
	[tilespmem:s31+$0xFFFFFFA0] =	vst v2;
	v1 =	vand.u32 $0xFFFFFFFE, v1  }
0xb2: {  	v2 =	vmul.f32 v6, v3;
	[tilespmem:s31+$0xFFFFFF90] =	vst v4;
	v4 =	vbroadcast v1, $0x0  }
0xb3: {  	v6 =	vmul.f32 v7, v3;
	[tilespmem:s31+$0xFFFFFFD0] =	vst v5;
	v7 =	vld [tilespmem:s31+$0x30]  }
0xb4: {  	v5 =	vmul.f32 v8, v3;
	v1 =	vld [tilespmem:s31+$0x40];
	[tilespmem:s31+$0xFFFFFFE0] =	vst v2  }
0xb5: {  	v3 =	vmul.f32 v63, v3;
	v2 =	vld [tilespmem:s31+$0x70];
	[tilespmem:s31+$0xFFFFFFF0] =	vst v6  }
0xb6: {  	[tilespmem:s31+$0xFFFFFFB0] =	vst v5;
	v5 =	vld [tilespmem:s31+$0x20]  }
0xb7: {  	[tilespmem:s31+$0xFFFFFFC0] =	vst v3;
	v6 =	vld [tilespmem:s31+$0x0]  }
0xb8: {  	v3 =	vld.idx.msk [tilespmem:v4+s21+$0x0], $0xffff  }
0xb9: {  	s1 =	simm.s32 $0x1A80;
	s0 =	simm.s32 $0x3;
	s4 =	simm.s32 $0x7;
	v4 =	vld [tilespmem:s31+$0x10]  }
.LBB2_8:
0xba: {  	p1 =	sne.s32 s4, $0x4F  }
0xbb: {  	v8 =	vld [tilespmem:s31+$0x50];
	s1 =	sadd.s32 $0x200, s1;
	s7 =	smov.u32 s4;
	s4 =	sadd.s32 $0x4, s4  }
0xbc: {  	v9 =	vld [tilespmem:s31+$0x60];
	_ =	sdelay $0x1  }
0xbd: {  	v6 =	vmul.f32 v6, v3;
	v4 =	vmul.f32 v4, v3  }
0xbe: {  	v5 =	vmul.f32 v5, v3;
	v7 =	vmul.f32 v7, v3  }
0xbf: {  	v1 =	vmul.f32 v1, v3;
	v2 =	vmul.f32 v2, v3;
	[tilespmem:s31+$0x0] =	vst v6  }
0xc0: {  	[tilespmem:s31+$0x20] =	vst v5;
	v5 =	vmul.f32 v8, v3;
	v3 =	vmul.f32 v9, v3  }
0xc1: {  	[tilespmem:s31+$0x30] =	vst v7;
	v6 =	vld [tilespmem:s31+$0x80]  }
0xc2: {  	[tilespmem:s31+$0x60] =	vst v3;
	v3 =	vmov s0;
	v7 =	vld [tilespmem:s31+$0xD0];
	s0 =	smov.u32 s7  }
0xc3: {  	[tilespmem:s31+$0x50] =	vst v5;
	v5 =	vld [tilespmem:s31+$0xE0]  }
0xc4: {  	[tilespmem:s31+$0x40] =	vst v1;
	v8 =	vld [tilespmem:s31+$0xB0]  }
0xc5: {  	v1 =	vld [tilespmem:s1+$0x40];
	[tilespmem:s31+$0x70] =	vst v2  }
0xc6: {  	v2 =	vld [tilespmem:s1+$0x70];
	[tilespmem:s31+$0x10] =	vst v4  }
0xc7: {  	v3 =	vld.idx.msk [tilespmem:v3+s21+$0x0], $0xffff  }
0xc8: {  	v4 =	vld [tilespmem:s31+$0x90]  }
0xc9: {  	v9 =	vld [tilespmem:s31+$0xA0]  }
0xca: {  	v10 =	vld [tilespmem:s31+$0xC0]  }
0xcb: {  	v11 =	vld [tilespmem:s31+$0xF0];
	_ =	sdelay $0x1  }
0xcc: {  	v6 =	vmul.f32 v6, v3;
	v4 =	vmul.f32 v4, v3  }
0xcd: {  	s7 =	sadd.s32 $0xFFFFFFFD, s0;
	v8 =	vmul.f32 v8, v3;
	v9 =	vmul.f32 v9, v3  }
0xce: {  	v12 =	vmov s7;
	v7 =	vmul.f32 v7, v3;
	[tilespmem:s31+$0x80] =	vst v6;
	v6 =	vmul.f32 v10, v3  }
0xcf: {  	v10 =	vand.u32 $0xFFFFFFFC, v12;
	[tilespmem:s31+$0x90] =	vst v4;
	v4 =	vmul.f32 v5, v3;
	v3 =	vmul.f32 v11, v3  }
0xd0: {  	v5 =	vbroadcast v10, $0x0;
	[tilespmem:s31+$0xA0] =	vst v9  }
0xd1: {  	[tilespmem:s31+$0xD0] =	vst v7  }
0xd2: {  	v7 =	vld [tilespmem:s1+$0xFFFFFF50];
	[tilespmem:s31+$0xB0] =	vst v8  }
0xd3: {  	v8 =	vld [tilespmem:s1+$0xFFFFFF30];
	[tilespmem:s31+$0xC0] =	vst v6  }
0xd4: {  	v6 =	vld [tilespmem:s1+$0xFFFFFF60];
	[tilespmem:s31+$0xE0] =	vst v4  }
0xd5: {  	v4 =	vld [tilespmem:s1+$0xFFFFFF70];
	[tilespmem:s31+$0xF0] =	vst v3;
	s31 =	smov.u32 s1  }
0xd6: {  	v3 =	vld.idx.msk [tilespmem:v5+s21+$0x0], $0xffff  }
0xd7: {  	v5 =	vld [tilespmem:s1+$0xFFFFFF00]  }
0xd8: {  	v9 =	vld [tilespmem:s1+$0xFFFFFF20]  }
0xd9: {  	v10 =	vld [tilespmem:s1+$0xFFFFFF10]  }
0xda: {  	v11 =	vld [tilespmem:s1+$0xFFFFFF40];
	_ =	sdelay $0x1  }
0xdb: {  	v4 =	vmul.f32 v4, v3;
	v5 =	vmul.f32 v5, v3  }
0xdc: {  	s7 =	sadd.s32 $0xFFFFFFFE, s0;
	v6 =	vmul.f32 v6, v3;
	v9 =	vmul.f32 v9, v3  }
0xdd: {  	v8 =	vmul.f32 v8, v3;
	v10 =	vmul.f32 v10, v3;
	[tilespmem:s1+$0xFFFFFF70] =	vst v4;
	v4 =	vmov s7  }
0xde: {  	[tilespmem:s1+$0xFFFFFF00] =	vst v5;
	v5 =	vmul.f32 v11, v3;
	v3 =	vmul.f32 v7, v3;
	v4 =	vand.u32 $0xFFFFFFFD, v4  }
0xdf: {  	[tilespmem:s1+$0xFFFFFF20] =	vst v9;
	v4 =	vbroadcast v4, $0x0  }
0xe0: {  	[tilespmem:s1+$0xFFFFFF30] =	vst v8  }
0xe1: {  	[tilespmem:s1+$0xFFFFFF50] =	vst v3;
	v3 =	vld [tilespmem:s1+$0xFFFFFFF0]  }
0xe2: {  	[tilespmem:s1+$0xFFFFFF10] =	vst v10;
	v7 =	vld [tilespmem:s1+$0xFFFFFFD0]  }
0xe3: {  	[tilespmem:s1+$0xFFFFFF60] =	vst v6;
	v6 =	vld [tilespmem:s1+$0xFFFFFFB0]  }
0xe4: {  	[tilespmem:s1+$0xFFFFFF40] =	vst v5;
	v5 =	vld [tilespmem:s1+$0xFFFFFF90]  }
0xe5: {  	v4 =	vld.idx.msk [tilespmem:v4+s21+$0x0], $0xffff  }
0xe6: {  	v8 =	vld [tilespmem:s1+$0xFFFFFF80]  }
0xe7: {  	v9 =	vld [tilespmem:s1+$0xFFFFFFA0]  }
0xe8: {  	v10 =	vld [tilespmem:s1+$0xFFFFFFC0]  }
0xe9: {  	v11 =	vld [tilespmem:s1+$0xFFFFFFE0];
	_ =	sdelay $0x1  }
0xea: {  	v5 =	vmul.f32 v5, v4;
	v8 =	vmul.f32 v8, v4  }
0xeb: {  	s7 =	sadd.s32 $0xFFFFFFFF, s0;
	v6 =	vmul.f32 v6, v4;
	v9 =	vmul.f32 v9, v4  }
0xec: {  	v7 =	vmul.f32 v7, v4;
	[tilespmem:s1+$0xFFFFFF80] =	vst v8;
	v8 =	vmul.f32 v10, v4;
	v10 =	vmov s7  }
0xed: {  	v3 =	vmul.f32 v3, v4;
	[tilespmem:s1+$0xFFFFFFA0] =	vst v9;
	v9 =	vmul.f32 v11, v4;
	v4 =	vand.u32 $0xFFFFFFFE, v10  }
0xee: {  	[tilespmem:s1+$0xFFFFFF90] =	vst v5;
	v4 =	vbroadcast v4, $0x0  }
0xef: {  	[tilespmem:s1+$0xFFFFFFD0] =	vst v7  }
0xf0: {  	[tilespmem:s1+$0xFFFFFFE0] =	vst v9  }
0xf1: {  	[tilespmem:s1+$0xFFFFFFB0] =	vst v6  }
.Ltmp3:
0xf2: {  	[tilespmem:s1+$0xFFFFFFF0] =	vst v3;
	v5 =	vld [tilespmem:s1+$0x20];
	(pc) =	sbr.rel @p1 .LBB2_8-.Ltmp3, $4  }
0xf3: {  	[tilespmem:s1+$0xFFFFFFC0] =	vst v8;
	v6 =	vld [tilespmem:s1+$0x0]  }
0xf4: {  	v3 =	vld.idx.msk [tilespmem:v4+s21+$0x0], $0xffff  }
0xf5: {  	v4 =	vld [tilespmem:s1+$0x10]  }
0xf6: {  	v7 =	vld [tilespmem:s1+$0x30]  }
0xf7: {  	v8 =	vld [tilespmem:s31+$0x60];
	_ =	sdelay $0x1  }
0xf8: {  	v6 =	vmul.f32 v6, v3  }
0xf9: {  	v9 =	vld [tilespmem:s31+$0x50];
	v5 =	vmul.f32 v5, v3  }
0xfa: {  	v1 =	vmul.f32 v1, v3;
	[tilespmem:s31+$0x0] =	vst v6  }
0xfb: {  	[tilespmem:s31+$0x20] =	vst v5;
	v5 =	vmul.f32 v8, v3  }
0xfc: {  	v2 =	vmul.f32 v2, v3;
	[tilespmem:s31+$0x40] =	vst v1  }
0xfd: {  	v7 =	vmul.f32 v7, v3;
	[tilespmem:s31+$0x60] =	vst v5;
	v5 =	vmov s0  }
0xfe: {  	[tilespmem:s31+$0x70] =	vst v2;
	v6 =	vmul.f32 v9, v3  }
0xff: {  	v3 =	vmul.f32 v4, v3;
	[tilespmem:s31+$0x30] =	vst v7  }
0x100: {  	[tilespmem:s31+$0x50] =	vst v6  }
0x101: {  	v7 =	vld [tilespmem:s31+$0x80];
	[tilespmem:s31+$0x10] =	vst v3  }
0x102: {  	v1 =	vld.idx.msk [tilespmem:v5+s21+$0x0], $0xffff  }
0x103: {  	v2 =	vld [tilespmem:s31+$0x90]  }
0x104: {  	v3 =	vld [tilespmem:s31+$0xA0]  }
0x105: {  	v4 =	vld [tilespmem:s31+$0xD0]  }
0x106: {  	v5 =	vld [tilespmem:s31+$0xB0]  }
0x107: {  	v6 =	vld [tilespmem:s31+$0xC0];
	v7 =	vmul.f32 v7, v1  }
0x108: {  	v8 =	vld [tilespmem:s31+$0xE0];
	v2 =	vmul.f32 v2, v1  }
0x109: {  	v61 =	vld [tilespmem:s31+$0xF0];
	v3 =	vmul.f32 v3, v1;
	[tilespmem:s31+$0x80] =	vst v7  }
0x10a: {  	v4 =	vmul.f32 v4, v1;
	[tilespmem:s31+$0x90] =	vst v2  }
0x10b: {  	v2 =	vmul.f32 v5, v1;
	[tilespmem:s31+$0xA0] =	vst v3  }
0x10c: {  	v3 =	vmul.f32 v6, v1;
	[tilespmem:s31+$0xD0] =	vst v4  }
0x10d: {  	v4 =	vmul.f32 v8, v1;
	[tilespmem:s31+$0xB0] =	vst v2  }
0x10e: {  	v1 =	vmul.f32 v61, v1;
	[tilespmem:s31+$0xC0] =	vst v3  }
0x10f: {  	[tilespmem:s31+$0xE0] =	vst v4  }
0x110: {  	s1 =	smul.u32 $0x280, s28;
	[tilespmem:s31+$0xF0] =	vst v1  }
0x111: {  	[spmem:s3] =	stream.indirect.scatter.add.f32 [tilespmem:s15], [sflag:$0x2], $0x80, s22, s18, $0xb8;
	[tilespmem:$0x1F080] =	vst v63  }
0x112: {  	_ =	swait.ge [sflag:s14], $0x2800  }
0x113: {  	s0 =	sshra.s32 s1, $0x2;
	[sflag:s14] =	ssyncset.done $0x0  }
0x114: {  	s0 =	sadd.s32 $0xA0, s0;
	[sflag:s14] =	ssyncadd.s32 $0xFFFFD800  }
0x115: {  	[tilespmem:s15], [sflag:$0x1] =	stream.indirect.gather [hbm4b:s2+s18], $0x80, s0, s18, $0xb8;
	[tilespmem:$0x1F080] =	vst v63  }
0x116: {  	v1 =	vld [tilespmem:s30+$0x800];
	_ =	sdelay $0x4  }
0x117: {  	[tilespmem:$0x1880] =	vst v1  }
0x118: {  	v2 =	vld [tilespmem:s29+$0x50];
	_ =	sdelay $0x2  }
0x119: {  	v1 =	vshll.u32 v1, $0x1  }
0x11a: {  	v1 =	vor.u32 $0x1, v1  }
0x11b: {  	v2 =	vshll.u32 v2, $0x1;
	_ =	sdelay $0x3  }
0x11c: {  	v1 =	vld.idx.msk [tilespmem:v1+s13+$0x0], $0xffff  }
0x11d: {  	v2 =	vld.idx.msk [tilespmem:v2+s13+$0x0], $0xffff;
	_ =	sdelay $0x1  }
0x11e: {  	v3 =	vld [tilespmem:s30+$0x1000];
	_ =	sdelay $0x2  }
0x11f: {  	v1 =	vadd.f32 v1, v2;
	_ =	sdelay $0x1  }
0x120: {  	v1 =	vadd.f32 v3, v1;
	_ =	sdelay $0x1  }
0x121: {  	v2 =	vmin.f32 v1, $0.0e+00  }
0x122: {  	v2 =	vmul.f32 $2.000000030e-01, v2  }
0x123: {  	v1 =	vmax.f32 v1, $0.0e+00  }
0x124: {  	v1 =	vadd.f32 v2, v1;
	_ =	sdelay $0x1  }
0x125: {  	[tilespmem:$0x1900] =	vst v1  }
0x126: {  	v1 =	vld [tilespmem:s29+$0x860];
	_ =	sdelay $0x4  }
0x127: {  	[tilespmem:$0x1890] =	vst v1  }
0x128: {  	v2 =	vld [tilespmem:s29+$0x60];
	_ =	sdelay $0x2  }
0x129: {  	v1 =	vshll.u32 v1, $0x1  }
0x12a: {  	v1 =	vor.u32 $0x1, v1  }
0x12b: {  	v2 =	vshll.u32 v2, $0x1;
	_ =	sdelay $0x3  }
0x12c: {  	v1 =	vld.idx.msk [tilespmem:v1+s13+$0x0], $0xffff  }
0x12d: {  	v2 =	vld.idx.msk [tilespmem:v2+s13+$0x0], $0xffff;
	_ =	sdelay $0x1  }
0x12e: {  	v3 =	vld [tilespmem:s29+$0x1060];
	_ =	sdelay $0x2  }
0x12f: {  	v1 =	vadd.f32 v1, v2;
	_ =	sdelay $0x1  }
0x130: {  	v1 =	vadd.f32 v3, v1;
	_ =	sdelay $0x1  }
0x131: {  	v2 =	vmin.f32 v1, $0.0e+00  }
0x132: {  	v2 =	vmul.f32 $2.000000030e-01, v2  }
0x133: {  	v1 =	vmax.f32 v1, $0.0e+00  }
0x134: {  	v1 =	vadd.f32 v2, v1;
	_ =	sdelay $0x1  }
0x135: {  	[tilespmem:$0x1910] =	vst v1  }
0x136: {  	v1 =	vld [tilespmem:s29+$0x870];
	_ =	sdelay $0x4  }
0x137: {  	[tilespmem:$0x18A0] =	vst v1  }
0x138: {  	v2 =	vld [tilespmem:s29+$0x70];
	_ =	sdelay $0x2  }
0x139: {  	v1 =	vshll.u32 v1, $0x1  }
0x13a: {  	v1 =	vor.u32 $0x1, v1  }
0x13b: {  	v2 =	vshll.u32 v2, $0x1;
	_ =	sdelay $0x3  }
0x13c: {  	v1 =	vld.idx.msk [tilespmem:v1+s13+$0x0], $0xffff  }
0x13d: {  	v2 =	vld.idx.msk [tilespmem:v2+s13+$0x0], $0xffff;
	_ =	sdelay $0x1  }
0x13e: {  	v3 =	vld [tilespmem:s29+$0x1070];
	_ =	sdelay $0x2  }
0x13f: {  	v1 =	vadd.f32 v1, v2;
	_ =	sdelay $0x1  }
0x140: {  	v1 =	vadd.f32 v3, v1;
	_ =	sdelay $0x1  }
0x141: {  	v2 =	vmin.f32 v1, $0.0e+00  }
0x142: {  	v2 =	vmul.f32 $2.000000030e-01, v2  }
0x143: {  	v1 =	vmax.f32 v1, $0.0e+00  }
0x144: {  	v1 =	vadd.f32 v2, v1;
	_ =	sdelay $0x1  }
0x145: {  	s4 =	sand.u32 $0xFE0, s29;
	[tilespmem:$0x1920] =	vst v1  }
0x146: {  	v1 =	vld [tilespmem:s4+$0x880];
	_ =	sdelay $0x4  }
0x147: {  	[tilespmem:$0x18B0] =	vst v1  }
0x148: {  	v2 =	vld [tilespmem:s4+$0x80];
	_ =	sdelay $0x2  }
0x149: {  	v1 =	vshll.u32 v1, $0x1  }
0x14a: {  	v1 =	vor.u32 $0x1, v1  }
0x14b: {  	v2 =	vshll.u32 v2, $0x1;
	_ =	sdelay $0x3  }
0x14c: {  	v1 =	vld.idx.msk [tilespmem:v1+s13+$0x0], $0xffff  }
0x14d: {  	v2 =	vld.idx.msk [tilespmem:v2+s13+$0x0], $0xffff;
	_ =	sdelay $0x1  }
0x14e: {  	v3 =	vld [tilespmem:s4+$0x1080];
	_ =	sdelay $0x2  }
0x14f: {  	v1 =	vadd.f32 v1, v2;
	_ =	sdelay $0x1  }
0x150: {  	v1 =	vadd.f32 v3, v1;
	_ =	sdelay $0x1  }
0x151: {  	v2 =	vmin.f32 v1, $0.0e+00  }
0x152: {  	v2 =	vmul.f32 $2.000000030e-01, v2  }
0x153: {  	v1 =	vmax.f32 v1, $0.0e+00  }
0x154: {  	v1 =	vadd.f32 v2, v1;
	_ =	sdelay $0x1  }
0x155: {  	[tilespmem:$0x1930] =	vst v1  }
0x156: {  	v1 =	vld [tilespmem:s29+$0x890];
	_ =	sdelay $0x4  }
0x157: {  	[tilespmem:$0x18C0] =	vst v1  }
0x158: {  	v2 =	vld [tilespmem:s29+$0x90];
	_ =	sdelay $0x2  }
0x159: {  	v1 =	vshll.u32 v1, $0x1  }
0x15a: {  	v1 =	vor.u32 $0x1, v1  }
0x15b: {  	v2 =	vshll.u32 v2, $0x1;
	_ =	sdelay $0x3  }
0x15c: {  	v1 =	vld.idx.msk [tilespmem:v1+s13+$0x0], $0xffff  }
0x15d: {  	v2 =	vld.idx.msk [tilespmem:v2+s13+$0x0], $0xffff;
	_ =	sdelay $0x1  }
0x15e: {  	v3 =	vld [tilespmem:s29+$0x1090];
	_ =	sdelay $0x2  }
0x15f: {  	v1 =	vadd.f32 v1, v2;
	_ =	sdelay $0x1  }
0x160: {  	v1 =	vadd.f32 v3, v1;
	_ =	sdelay $0x1  }
0x161: {  	v2 =	vmin.f32 v1, $0.0e+00  }
0x162: {  	v2 =	vmul.f32 $2.000000030e-01, v2  }
0x163: {  	s7 =	simm.s32 $0x0;
	v1 =	vmax.f32 v1, $0.0e+00  }
0x164: {  	v1 =	vadd.f32 v2, v1;
	v2 =	vmov s7  }
0x165: {  	v2 =	vand.u32 $0xFFFFFFFC, v2  }
0x166: {  	[tilespmem:$0x1940] =	vst v1;
	v1 =	vbroadcast v2, $0x0;
	_ =	sdelay $0x1  }
0x167: {  	_ =	swait.ge [sflag:s20], $0x2800  }
0x168: {  	[sflag:s20] =	ssyncset.done $0x0  }
0x169: {  	s29 =	simm.s32 $0x4280;
	[sflag:s20] =	ssyncadd.s32 $0xFFFFD800  }
0x16a: {  	v3 =	vld [tilespmem:s29+$0xFFFFFF70]  }
0x16b: {  	v1 =	vld.idx.msk [tilespmem:v1+s21+$0x0], $0xffff  }
0x16c: {  	v4 =	vld [tilespmem:s29+$0xFFFFFF00]  }
0x16d: {  	v5 =	vld [tilespmem:s29+$0xFFFFFF20]  }
0x16e: {  	v6 =	vld [tilespmem:s29+$0xFFFFFF30]  }
0x16f: {  	v2 =	vld [tilespmem:s29+$0xFFFFFF50]  }
0x170: {  	v8 =	vld [tilespmem:s29+$0xFFFFFF10];
	v3 =	vmul.f32 v3, v1  }
0x171: {  	s30 =	simm.s32 $0x1;
	v7 =	vld [tilespmem:s29+$0xFFFFFF60];
	v4 =	vmul.f32 v4, v1  }
0x172: {  	v62 =	vld [tilespmem:s29+$0xFFFFFF40];
	v5 =	vmul.f32 v5, v1;
	[tilespmem:s29+$0xFFFFFF70] =	vst v3;
	v3 =	vmov s30  }
0x173: {  	v6 =	vmul.f32 v6, v1;
	[tilespmem:s29+$0xFFFFFF00] =	vst v4;
	v3 =	vand.u32 $0xFFFFFFFD, v3  }
0x174: {  	v2 =	vmul.f32 v2, v1;
	[tilespmem:s29+$0xFFFFFF20] =	vst v5;
	v3 =	vbroadcast v3, $0x0  }
0x175: {  	v4 =	vmul.f32 v8, v1;
	[tilespmem:s29+$0xFFFFFF30] =	vst v6  }
0x176: {  	v5 =	vmul.f32 v7, v1;
	[tilespmem:s29+$0xFFFFFF50] =	vst v2  }
0x177: {  	v1 =	vmul.f32 v62, v1;
	[tilespmem:s29+$0xFFFFFF10] =	vst v4  }
0x178: {  	[tilespmem:s29+$0xFFFFFF60] =	vst v5  }
0x179: {  	[tilespmem:s29+$0xFFFFFF40] =	vst v1;
	v1 =	vld [tilespmem:s29+$0xFFFFFF80]  }
0x17a: {  	v3 =	vld.idx.msk [tilespmem:v3+s21+$0x0], $0xffff  }
0x17b: {  	v2 =	vld [tilespmem:s29+$0xFFFFFFA0]  }
0x17c: {  	v4 =	vld [tilespmem:s29+$0xFFFFFF90]  }
0x17d: {  	v5 =	vld [tilespmem:s29+$0xFFFFFFD0]  }
0x17e: {  	v6 =	vld [tilespmem:s29+$0xFFFFFFE0]  }
0x17f: {  	v7 =	vld [tilespmem:s29+$0xFFFFFFF0];
	v1 =	vmul.f32 v1, v3  }
0x180: {  	s31 =	simm.s32 $0x2;
	v8 =	vld [tilespmem:s29+$0xFFFFFFB0];
	v2 =	vmul.f32 v2, v3  }
0x181: {  	v63 =	vld [tilespmem:s29+$0xFFFFFFC0];
	v4 =	vmul.f32 v4, v3;
	[tilespmem:s29+$0xFFFFFF80] =	vst v1;
	v1 =	vmov s31  }
0x182: {  	v5 =	vmul.f32 v5, v3;
	[tilespmem:s29+$0xFFFFFFA0] =	vst v2;
	v1 =	vand.u32 $0xFFFFFFFE, v1  }
0x183: {  	v2 =	vmul.f32 v6, v3;
	[tilespmem:s29+$0xFFFFFF90] =	vst v4;
	v4 =	vbroadcast v1, $0x0  }
0x184: {  	v6 =	vmul.f32 v7, v3;
	[tilespmem:s29+$0xFFFFFFD0] =	vst v5;
	v7 =	vld [tilespmem:s29+$0x30]  }
0x185: {  	v5 =	vmul.f32 v8, v3;
	v1 =	vld [tilespmem:s29+$0x40];
	[tilespmem:s29+$0xFFFFFFE0] =	vst v2  }
0x186: {  	v3 =	vmul.f32 v63, v3;
	v2 =	vld [tilespmem:s29+$0x70];
	[tilespmem:s29+$0xFFFFFFF0] =	vst v6  }
0x187: {  	[tilespmem:s29+$0xFFFFFFB0] =	vst v5;
	v5 =	vld [tilespmem:s29+$0x20]  }
0x188: {  	[tilespmem:s29+$0xFFFFFFC0] =	vst v3;
	v6 =	vld [tilespmem:s29+$0x0]  }
0x189: {  	v3 =	vld.idx.msk [tilespmem:v4+s21+$0x0], $0xffff  }
0x18a: {  	s1 =	simm.s32 $0x4280;
	s0 =	simm.s32 $0x3;
	s4 =	simm.s32 $0x7;
	v4 =	vld [tilespmem:s29+$0x10]  }
.LBB2_10:
0x18b: {  	p1 =	sne.s32 s4, $0x4F  }
0x18c: {  	v8 =	vld [tilespmem:s29+$0x50];
	s1 =	sadd.s32 $0x200, s1;
	s7 =	smov.u32 s4;
	s4 =	sadd.s32 $0x4, s4  }
0x18d: {  	v9 =	vld [tilespmem:s29+$0x60];
	_ =	sdelay $0x1  }
0x18e: {  	v6 =	vmul.f32 v6, v3;
	v4 =	vmul.f32 v4, v3  }
0x18f: {  	v5 =	vmul.f32 v5, v3;
	v7 =	vmul.f32 v7, v3  }
0x190: {  	v1 =	vmul.f32 v1, v3;
	v2 =	vmul.f32 v2, v3;
	[tilespmem:s29+$0x0] =	vst v6  }
0x191: {  	[tilespmem:s29+$0x20] =	vst v5;
	v5 =	vmul.f32 v8, v3;
	v3 =	vmul.f32 v9, v3  }
0x192: {  	[tilespmem:s29+$0x30] =	vst v7;
	v6 =	vld [tilespmem:s29+$0x80]  }
0x193: {  	[tilespmem:s29+$0x60] =	vst v3;
	v3 =	vmov s0;
	v7 =	vld [tilespmem:s29+$0xD0];
	s0 =	smov.u32 s7  }
0x194: {  	[tilespmem:s29+$0x50] =	vst v5;
	v5 =	vld [tilespmem:s29+$0xE0]  }
0x195: {  	[tilespmem:s29+$0x40] =	vst v1;
	v8 =	vld [tilespmem:s29+$0xB0]  }
0x196: {  	v1 =	vld [tilespmem:s1+$0x40];
	[tilespmem:s29+$0x70] =	vst v2  }
0x197: {  	v2 =	vld [tilespmem:s1+$0x70];
	[tilespmem:s29+$0x10] =	vst v4  }
0x198: {  	v3 =	vld.idx.msk [tilespmem:v3+s21+$0x0], $0xffff  }
0x199: {  	v4 =	vld [tilespmem:s29+$0x90]  }
0x19a: {  	v9 =	vld [tilespmem:s29+$0xA0]  }
0x19b: {  	v10 =	vld [tilespmem:s29+$0xC0]  }
0x19c: {  	v11 =	vld [tilespmem:s29+$0xF0];
	_ =	sdelay $0x1  }
0x19d: {  	v6 =	vmul.f32 v6, v3;
	v4 =	vmul.f32 v4, v3  }
0x19e: {  	s7 =	sadd.s32 $0xFFFFFFFD, s0;
	v8 =	vmul.f32 v8, v3;
	v9 =	vmul.f32 v9, v3  }
0x19f: {  	v12 =	vmov s7;
	v7 =	vmul.f32 v7, v3;
	[tilespmem:s29+$0x80] =	vst v6;
	v6 =	vmul.f32 v10, v3  }
0x1a0: {  	v10 =	vand.u32 $0xFFFFFFFC, v12;
	[tilespmem:s29+$0x90] =	vst v4;
	v4 =	vmul.f32 v5, v3;
	v3 =	vmul.f32 v11, v3  }
0x1a1: {  	v5 =	vbroadcast v10, $0x0;
	[tilespmem:s29+$0xA0] =	vst v9  }
0x1a2: {  	[tilespmem:s29+$0xD0] =	vst v7  }
0x1a3: {  	v7 =	vld [tilespmem:s1+$0xFFFFFF50];
	[tilespmem:s29+$0xB0] =	vst v8  }
0x1a4: {  	v8 =	vld [tilespmem:s1+$0xFFFFFF30];
	[tilespmem:s29+$0xC0] =	vst v6  }
0x1a5: {  	v6 =	vld [tilespmem:s1+$0xFFFFFF60];
	[tilespmem:s29+$0xE0] =	vst v4  }
0x1a6: {  	v4 =	vld [tilespmem:s1+$0xFFFFFF70];
	[tilespmem:s29+$0xF0] =	vst v3;
	s29 =	smov.u32 s1  }
0x1a7: {  	v3 =	vld.idx.msk [tilespmem:v5+s21+$0x0], $0xffff  }
0x1a8: {  	v5 =	vld [tilespmem:s1+$0xFFFFFF00]  }
0x1a9: {  	v9 =	vld [tilespmem:s1+$0xFFFFFF20]  }
0x1aa: {  	v10 =	vld [tilespmem:s1+$0xFFFFFF10]  }
0x1ab: {  	v11 =	vld [tilespmem:s1+$0xFFFFFF40];
	_ =	sdelay $0x1  }
0x1ac: {  	v4 =	vmul.f32 v4, v3;
	v5 =	vmul.f32 v5, v3  }
0x1ad: {  	s7 =	sadd.s32 $0xFFFFFFFE, s0;
	v6 =	vmul.f32 v6, v3;
	v9 =	vmul.f32 v9, v3  }
0x1ae: {  	v8 =	vmul.f32 v8, v3;
	v10 =	vmul.f32 v10, v3;
	[tilespmem:s1+$0xFFFFFF70] =	vst v4;
	v4 =	vmov s7  }
0x1af: {  	[tilespmem:s1+$0xFFFFFF00] =	vst v5;
	v5 =	vmul.f32 v11, v3;
	v3 =	vmul.f32 v7, v3;
	v4 =	vand.u32 $0xFFFFFFFD, v4  }
0x1b0: {  	[tilespmem:s1+$0xFFFFFF20] =	vst v9;
	v4 =	vbroadcast v4, $0x0  }
0x1b1: {  	[tilespmem:s1+$0xFFFFFF30] =	vst v8  }
0x1b2: {  	[tilespmem:s1+$0xFFFFFF50] =	vst v3;
	v3 =	vld [tilespmem:s1+$0xFFFFFFF0]  }
0x1b3: {  	[tilespmem:s1+$0xFFFFFF10] =	vst v10;
	v7 =	vld [tilespmem:s1+$0xFFFFFFD0]  }
0x1b4: {  	[tilespmem:s1+$0xFFFFFF60] =	vst v6;
	v6 =	vld [tilespmem:s1+$0xFFFFFFB0]  }
0x1b5: {  	[tilespmem:s1+$0xFFFFFF40] =	vst v5;
	v5 =	vld [tilespmem:s1+$0xFFFFFF90]  }
0x1b6: {  	v4 =	vld.idx.msk [tilespmem:v4+s21+$0x0], $0xffff  }
0x1b7: {  	v8 =	vld [tilespmem:s1+$0xFFFFFF80]  }
0x1b8: {  	v9 =	vld [tilespmem:s1+$0xFFFFFFA0]  }
0x1b9: {  	v10 =	vld [tilespmem:s1+$0xFFFFFFC0]  }
0x1ba: {  	v11 =	vld [tilespmem:s1+$0xFFFFFFE0];
	_ =	sdelay $0x1  }
0x1bb: {  	v5 =	vmul.f32 v5, v4;
	v8 =	vmul.f32 v8, v4  }
0x1bc: {  	s7 =	sadd.s32 $0xFFFFFFFF, s0;
	v6 =	vmul.f32 v6, v4;
	v9 =	vmul.f32 v9, v4  }
0x1bd: {  	v7 =	vmul.f32 v7, v4;
	[tilespmem:s1+$0xFFFFFF80] =	vst v8;
	v8 =	vmul.f32 v10, v4;
	v10 =	vmov s7  }
0x1be: {  	v3 =	vmul.f32 v3, v4;
	[tilespmem:s1+$0xFFFFFFA0] =	vst v9;
	v9 =	vmul.f32 v11, v4;
	v4 =	vand.u32 $0xFFFFFFFE, v10  }
0x1bf: {  	[tilespmem:s1+$0xFFFFFF90] =	vst v5;
	v4 =	vbroadcast v4, $0x0  }
0x1c0: {  	[tilespmem:s1+$0xFFFFFFD0] =	vst v7  }
0x1c1: {  	[tilespmem:s1+$0xFFFFFFE0] =	vst v9  }
0x1c2: {  	[tilespmem:s1+$0xFFFFFFB0] =	vst v6  }
.Ltmp4:
0x1c3: {  	[tilespmem:s1+$0xFFFFFFF0] =	vst v3;
	v5 =	vld [tilespmem:s1+$0x20];
	(pc) =	sbr.rel @p1 .LBB2_10-.Ltmp4, $4  }
0x1c4: {  	[tilespmem:s1+$0xFFFFFFC0] =	vst v8;
	v6 =	vld [tilespmem:s1+$0x0]  }
0x1c5: {  	v3 =	vld.idx.msk [tilespmem:v4+s21+$0x0], $0xffff  }
0x1c6: {  	v4 =	vld [tilespmem:s1+$0x10]  }
0x1c7: {  	v7 =	vld [tilespmem:s1+$0x30]  }
0x1c8: {  	_ =	sdelay $0x1  }
0x1c9: {  	v8 =	vld [tilespmem:s29+$0x60];
	v6 =	vmul.f32 v6, v3  }
0x1ca: {  	v9 =	vld [tilespmem:s29+$0x50];
	v5 =	vmul.f32 v5, v3  }
0x1cb: {  	v1 =	vmul.f32 v1, v3;
	[tilespmem:s29+$0x0] =	vst v6  }
0x1cc: {  	v2 =	vmul.f32 v2, v3;
	[tilespmem:s29+$0x20] =	vst v5  }
0x1cd: {  	v7 =	vmul.f32 v7, v3;
	[tilespmem:s29+$0x40] =	vst v1  }
0x1ce: {  	v57 =	vmov s0;
	[tilespmem:s29+$0x70] =	vst v2;
	v54 =	vmul.f32 v8, v3  }
0x1cf: {  	v55 =	vmul.f32 v9, v3;
	[tilespmem:s29+$0x30] =	vst v7  }
0x1d0: {  	v3 =	vmul.f32 v4, v3;
	[tilespmem:s29+$0x60] =	vst v54  }
0x1d1: {  	[tilespmem:s29+$0x50] =	vst v55  }
0x1d2: {  	v56 =	vld [tilespmem:s29+$0x80];
	[tilespmem:s29+$0x10] =	vst v3  }
0x1d3: {  	v1 =	vld.idx.msk [tilespmem:v57+s21+$0x0], $0xffff  }
0x1d4: {  	v2 =	vld [tilespmem:s29+$0x90]  }
0x1d5: {  	v3 =	vld [tilespmem:s29+$0xA0]  }
0x1d6: {  	v58 =	vld [tilespmem:s29+$0xD0]  }
0x1d7: {  	v61 =	vld [tilespmem:s29+$0xE0]  }
0x1d8: {  	v59 =	vld [tilespmem:s29+$0xB0];
	v7 =	vmul.f32 v56, v1  }
0x1d9: {  	v60 =	vld [tilespmem:s29+$0xC0];
	v2 =	vmul.f32 v2, v1  }
0x1da: {  	v62 =	vld [tilespmem:s29+$0xF0];
	v3 =	vmul.f32 v3, v1;
	[tilespmem:s29+$0x80] =	vst v7  }
0x1db: {  	v4 =	vmul.f32 v58, v1;
	[tilespmem:s29+$0x90] =	vst v2  }
0x1dc: {  	v63 =	vmul.f32 v61, v1;
	[tilespmem:s29+$0xA0] =	vst v3  }
0x1dd: {  	v2 =	vmul.f32 v59, v1;
	[tilespmem:s29+$0xD0] =	vst v4  }
0x1de: {  	v3 =	vmul.f32 v60, v1;
	[tilespmem:s29+$0xE0] =	vst v63  }
0x1df: {  	s28 =	sadd.s32 $0x1, s28;
	v1 =	vmul.f32 v62, v1;
	[tilespmem:s29+$0xB0] =	vst v2  }
0x1e0: {  	p1 =	sne.s32 s28, $0xC;
	[tilespmem:s29+$0xC0] =	vst v3  }
.Ltmp5:
0x1e1: {  	[tilespmem:s29+$0xF0] =	vst v1;
	(pc) =	sbr.rel @p1 .LBB2_7-.Ltmp5, $4  }
0x1e2: {  	[spmem:s3] =	stream.indirect.scatter.add.f32 [tilespmem:s19], [sflag:$0x2], $0x80, s23, s18, $0xb8;
	[tilespmem:$0x1F080] =	vst v63  }
0x1e3: {  	_ =	swait.ge [sflag:s14], $0x2800  }
0x1e4: {  	[sflag:s14] =	ssyncset.done $0x0  }
0x1e5: {  	[sflag:s14] =	ssyncadd.s32 $0xFFFFD800  }
0x1e6: {  	v1 =	vld [tilespmem:$0xF80]  }
0x1e7: {  	v2 =	vld [tilespmem:$0x780];
	_ =	sdelay $0x4  }
0x1e8: {  	v2 =	vshll.u32 v2, $0x1;
	v3 =	vshll.u32 v1, $0x1  }
0x1e9: {  	v3 =	vor.u32 $0x1, v3;
	_ =	sdelay $0x2  }
0x1ea: {  	[tilespmem:$0x1800] =	vst v1  }
0x1eb: {  	v1 =	vld.idx.msk [tilespmem:v2+s13+$0x0], $0xffff  }
0x1ec: {  	v2 =	vld.idx.msk [tilespmem:v3+s13+$0x0], $0xffff;
	_ =	sdelay $0x1  }
0x1ed: {  	v3 =	vld [tilespmem:$0x1780];
	_ =	sdelay $0x2  }
0x1ee: {  	v4 =	vld [tilespmem:$0x790];
	v1 =	vadd.f32 v2, v1  }
0x1ef: {  	v2 =	vld [tilespmem:$0xF90]  }
0x1f0: {  	v1 =	vadd.f32 v3, v1;
	_ =	sdelay $0x1  }
0x1f1: {  	v3 =	vmin.f32 v1, $0.0e+00  }
0x1f2: {  	v3 =	vmul.f32 $2.000000030e-01, v3  }
0x1f3: {  	v4 =	vshll.u32 v4, $0x1;
	v1 =	vmax.f32 v1, $0.0e+00;
	v5 =	vshll.u32 v2, $0x1  }
0x1f4: {  	v1 =	vadd.f32 v3, v1;
	v3 =	vor.u32 $0x1, v5;
	_ =	sdelay $0x1  }
0x1f5: {  	[tilespmem:$0x1810] =	vst v2  }
0x1f6: {  	[tilespmem:$0x1900] =	vst v1  }
0x1f7: {  	v1 =	vld.idx.msk [tilespmem:v4+s13+$0x0], $0xffff  }
0x1f8: {  	v2 =	vld.idx.msk [tilespmem:v3+s13+$0x0], $0xffff;
	_ =	sdelay $0x1  }
0x1f9: {  	v3 =	vld [tilespmem:$0x1790];
	_ =	sdelay $0x2  }
0x1fa: {  	v4 =	vld [tilespmem:$0x7A0];
	v1 =	vadd.f32 v2, v1  }
0x1fb: {  	v2 =	vld [tilespmem:$0xFA0]  }
0x1fc: {  	v1 =	vadd.f32 v3, v1;
	_ =	sdelay $0x1  }
0x1fd: {  	v3 =	vmin.f32 v1, $0.0e+00  }
0x1fe: {  	v3 =	vmul.f32 $2.000000030e-01, v3  }
0x1ff: {  	v4 =	vshll.u32 v4, $0x1;
	v1 =	vmax.f32 v1, $0.0e+00;
	v5 =	vshll.u32 v2, $0x1  }
0x200: {  	v1 =	vadd.f32 v3, v1;
	v3 =	vor.u32 $0x1, v5;
	_ =	sdelay $0x1  }
0x201: {  	[tilespmem:$0x1820] =	vst v2  }
0x202: {  	[tilespmem:$0x1910] =	vst v1  }
0x203: {  	v1 =	vld.idx.msk [tilespmem:v4+s13+$0x0], $0xffff  }
0x204: {  	v2 =	vld.idx.msk [tilespmem:v3+s13+$0x0], $0xffff;
	_ =	sdelay $0x1  }
0x205: {  	v3 =	vld [tilespmem:$0x17A0];
	_ =	sdelay $0x2  }
0x206: {  	v4 =	vld [tilespmem:$0x7B0];
	v1 =	vadd.f32 v2, v1  }
0x207: {  	v2 =	vld [tilespmem:$0xFB0]  }
0x208: {  	v1 =	vadd.f32 v3, v1;
	_ =	sdelay $0x1  }
0x209: {  	v3 =	vmin.f32 v1, $0.0e+00  }
0x20a: {  	v3 =	vmul.f32 $2.000000030e-01, v3  }
0x20b: {  	v4 =	vshll.u32 v4, $0x1;
	v1 =	vmax.f32 v1, $0.0e+00;
	v5 =	vshll.u32 v2, $0x1  }
0x20c: {  	v1 =	vadd.f32 v3, v1;
	v3 =	vor.u32 $0x1, v5;
	_ =	sdelay $0x1  }
0x20d: {  	[tilespmem:$0x1830] =	vst v2  }
0x20e: {  	[tilespmem:$0x1920] =	vst v1  }
0x20f: {  	v1 =	vld.idx.msk [tilespmem:v4+s13+$0x0], $0xffff  }
0x210: {  	v2 =	vld.idx.msk [tilespmem:v3+s13+$0x0], $0xffff;
	_ =	sdelay $0x1  }
0x211: {  	v3 =	vld [tilespmem:$0x17B0];
	_ =	sdelay $0x2  }
0x212: {  	v4 =	vld [tilespmem:$0x7C0];
	v1 =	vadd.f32 v2, v1  }
0x213: {  	v2 =	vld [tilespmem:$0xFC0]  }
0x214: {  	v1 =	vadd.f32 v3, v1;
	_ =	sdelay $0x1  }
0x215: {  	v3 =	vmin.f32 v1, $0.0e+00  }
0x216: {  	v3 =	vmul.f32 $2.000000030e-01, v3  }
0x217: {  	v4 =	vshll.u32 v4, $0x1;
	v1 =	vmax.f32 v1, $0.0e+00;
	v5 =	vshll.u32 v2, $0x1  }
0x218: {  	v1 =	vadd.f32 v3, v1;
	v3 =	vor.u32 $0x1, v5;
	_ =	sdelay $0x1  }
0x219: {  	[tilespmem:$0x1840] =	vst v2  }
0x21a: {  	[tilespmem:$0x1930] =	vst v1  }
0x21b: {  	v1 =	vld.idx.msk [tilespmem:v4+s13+$0x0], $0xffff  }
0x21c: {  	v2 =	vld.idx.msk [tilespmem:v3+s13+$0x0], $0xffff;
	_ =	sdelay $0x1  }
0x21d: {  	v3 =	vld [tilespmem:$0x17C0];
	_ =	sdelay $0x2  }
0x21e: {  	v1 =	vadd.f32 v2, v1;
	_ =	sdelay $0x1  }
0x21f: {  	v1 =	vadd.f32 v3, v1;
	_ =	sdelay $0x1  }
0x220: {  	v2 =	vmin.f32 v1, $0.0e+00  }
0x221: {  	v2 =	vmul.f32 $2.000000030e-01, v2  }
0x222: {  	s0 =	simm.s32 $0x0;
	v1 =	vmax.f32 v1, $0.0e+00  }
0x223: {  	v1 =	vadd.f32 v2, v1;
	v2 =	vmov s0  }
0x224: {  	v2 =	vand.u32 $0xFFFFFFFC, v2  }
0x225: {  	[tilespmem:$0x1940] =	vst v1;
	v1 =	vbroadcast v2, $0x0;
	_ =	sdelay $0x1  }
0x226: {  	_ =	swait.ge [sflag:s20], $0x2800  }
0x227: {  	[sflag:s20] =	ssyncset.done $0x0  }
0x228: {  	s28 =	simm.s32 $0x1A80;
	[sflag:s20] =	ssyncadd.s32 $0xFFFFD800  }
0x229: {  	v3 =	vld [tilespmem:s28+$0xFFFFFF70]  }
0x22a: {  	v1 =	vld.idx.msk [tilespmem:v1+s21+$0x0], $0xffff  }
0x22b: {  	v4 =	vld [tilespmem:s28+$0xFFFFFF00]  }
0x22c: {  	v5 =	vld [tilespmem:s28+$0xFFFFFF20]  }
0x22d: {  	v6 =	vld [tilespmem:s28+$0xFFFFFF30]  }
0x22e: {  	v2 =	vld [tilespmem:s28+$0xFFFFFF50]  }
0x22f: {  	v8 =	vld [tilespmem:s28+$0xFFFFFF10];
	v3 =	vmul.f32 v3, v1  }
0x230: {  	s30 =	simm.s32 $0x1;
	v7 =	vld [tilespmem:s28+$0xFFFFFF60];
	v4 =	vmul.f32 v4, v1  }
0x231: {  	v9 =	vld [tilespmem:s28+$0xFFFFFF40];
	v5 =	vmul.f32 v5, v1;
	[tilespmem:s28+$0xFFFFFF70] =	vst v3;
	v3 =	vmov s30  }
0x232: {  	v6 =	vmul.f32 v6, v1;
	[tilespmem:s28+$0xFFFFFF00] =	vst v4;
	v3 =	vand.u32 $0xFFFFFFFD, v3  }
0x233: {  	v2 =	vmul.f32 v2, v1;
	[tilespmem:s28+$0xFFFFFF20] =	vst v5;
	v3 =	vbroadcast v3, $0x0  }
0x234: {  	v4 =	vmul.f32 v8, v1;
	[tilespmem:s28+$0xFFFFFF30] =	vst v6  }
0x235: {  	v5 =	vmul.f32 v7, v1;
	[tilespmem:s28+$0xFFFFFF50] =	vst v2  }
0x236: {  	v1 =	vmul.f32 v9, v1;
	[tilespmem:s28+$0xFFFFFF10] =	vst v4  }
0x237: {  	[tilespmem:s28+$0xFFFFFF60] =	vst v5  }
0x238: {  	[tilespmem:s28+$0xFFFFFF40] =	vst v1;
	v1 =	vld [tilespmem:s28+$0xFFFFFF80]  }
0x239: {  	v3 =	vld.idx.msk [tilespmem:v3+s21+$0x0], $0xffff  }
0x23a: {  	v2 =	vld [tilespmem:s28+$0xFFFFFFA0]  }
0x23b: {  	v4 =	vld [tilespmem:s28+$0xFFFFFF90]  }
0x23c: {  	v5 =	vld [tilespmem:s28+$0xFFFFFFD0]  }
0x23d: {  	v6 =	vld [tilespmem:s28+$0xFFFFFFE0]  }
0x23e: {  	v7 =	vld [tilespmem:s28+$0xFFFFFFF0];
	v1 =	vmul.f32 v1, v3  }
0x23f: {  	s31 =	simm.s32 $0x2;
	v8 =	vld [tilespmem:s28+$0xFFFFFFB0];
	v2 =	vmul.f32 v2, v3  }
0x240: {  	v63 =	vld [tilespmem:s28+$0xFFFFFFC0];
	v4 =	vmul.f32 v4, v3;
	[tilespmem:s28+$0xFFFFFF80] =	vst v1;
	v1 =	vmov s31  }
0x241: {  	v5 =	vmul.f32 v5, v3;
	[tilespmem:s28+$0xFFFFFFA0] =	vst v2;
	v1 =	vand.u32 $0xFFFFFFFE, v1  }
0x242: {  	v2 =	vmul.f32 v6, v3;
	[tilespmem:s28+$0xFFFFFF90] =	vst v4;
	v4 =	vbroadcast v1, $0x0  }
0x243: {  	v6 =	vmul.f32 v7, v3;
	[tilespmem:s28+$0xFFFFFFD0] =	vst v5;
	v7 =	vld [tilespmem:s28+$0x30]  }
0x244: {  	v5 =	vmul.f32 v8, v3;
	v1 =	vld [tilespmem:s28+$0x40];
	[tilespmem:s28+$0xFFFFFFE0] =	vst v2  }
0x245: {  	v3 =	vmul.f32 v63, v3;
	v2 =	vld [tilespmem:s28+$0x70];
	[tilespmem:s28+$0xFFFFFFF0] =	vst v6  }
0x246: {  	[tilespmem:s28+$0xFFFFFFB0] =	vst v5;
	v5 =	vld [tilespmem:s28+$0x20]  }
0x247: {  	[tilespmem:s28+$0xFFFFFFC0] =	vst v3;
	v6 =	vld [tilespmem:s28+$0x0]  }
0x248: {  	v3 =	vld.idx.msk [tilespmem:v4+s21+$0x0], $0xffff  }
0x249: {  	s4 =	simm.s32 $0x7;
	s1 =	simm.s32 $0x1A80;
	s0 =	simm.s32 $0x3;
	v4 =	vld [tilespmem:s28+$0x10]  }
.LBB2_13:
0x24a: {  	p1 =	sne.s32 s4, $0x4F  }
0x24b: {  	v8 =	vld [tilespmem:s28+$0x50];
	s1 =	sadd.s32 $0x200, s1;
	s7 =	smov.u32 s4;
	s4 =	sadd.s32 $0x4, s4  }
0x24c: {  	v9 =	vld [tilespmem:s28+$0x60];
	_ =	sdelay $0x1  }
0x24d: {  	v6 =	vmul.f32 v6, v3;
	v4 =	vmul.f32 v4, v3  }
0x24e: {  	v5 =	vmul.f32 v5, v3;
	v7 =	vmul.f32 v7, v3  }
0x24f: {  	v1 =	vmul.f32 v1, v3;
	v2 =	vmul.f32 v2, v3;
	[tilespmem:s28+$0x0] =	vst v6  }
0x250: {  	[tilespmem:s28+$0x20] =	vst v5;
	v5 =	vmul.f32 v8, v3;
	v3 =	vmul.f32 v9, v3  }
0x251: {  	[tilespmem:s28+$0x30] =	vst v7;
	v6 =	vld [tilespmem:s28+$0x80]  }
0x252: {  	[tilespmem:s28+$0x60] =	vst v3;
	v3 =	vmov s0;
	v7 =	vld [tilespmem:s28+$0xD0];
	s0 =	smov.u32 s7  }
0x253: {  	[tilespmem:s28+$0x50] =	vst v5;
	v5 =	vld [tilespmem:s28+$0xE0]  }
0x254: {  	[tilespmem:s28+$0x40] =	vst v1;
	v8 =	vld [tilespmem:s28+$0xB0]  }
0x255: {  	v1 =	vld [tilespmem:s1+$0x40];
	[tilespmem:s28+$0x70] =	vst v2  }
0x256: {  	v2 =	vld [tilespmem:s1+$0x70];
	[tilespmem:s28+$0x10] =	vst v4  }
0x257: {  	v3 =	vld.idx.msk [tilespmem:v3+s21+$0x0], $0xffff  }
0x258: {  	v4 =	vld [tilespmem:s28+$0x90]  }
0x259: {  	v9 =	vld [tilespmem:s28+$0xA0]  }
0x25a: {  	v10 =	vld [tilespmem:s28+$0xC0]  }
0x25b: {  	v11 =	vld [tilespmem:s28+$0xF0];
	_ =	sdelay $0x1  }
0x25c: {  	v6 =	vmul.f32 v6, v3;
	v4 =	vmul.f32 v4, v3  }
0x25d: {  	s7 =	sadd.s32 $0xFFFFFFFD, s0;
	v8 =	vmul.f32 v8, v3;
	v9 =	vmul.f32 v9, v3  }
0x25e: {  	v12 =	vmov s7;
	v7 =	vmul.f32 v7, v3;
	[tilespmem:s28+$0x80] =	vst v6;
	v6 =	vmul.f32 v10, v3  }
0x25f: {  	v10 =	vand.u32 $0xFFFFFFFC, v12;
	[tilespmem:s28+$0x90] =	vst v4;
	v4 =	vmul.f32 v5, v3;
	v3 =	vmul.f32 v11, v3  }
0x260: {  	v5 =	vbroadcast v10, $0x0;
	[tilespmem:s28+$0xA0] =	vst v9  }
0x261: {  	[tilespmem:s28+$0xD0] =	vst v7  }
0x262: {  	v7 =	vld [tilespmem:s1+$0xFFFFFF50];
	[tilespmem:s28+$0xB0] =	vst v8  }
0x263: {  	v8 =	vld [tilespmem:s1+$0xFFFFFF30];
	[tilespmem:s28+$0xC0] =	vst v6  }
0x264: {  	v6 =	vld [tilespmem:s1+$0xFFFFFF60];
	[tilespmem:s28+$0xE0] =	vst v4  }
0x265: {  	v4 =	vld [tilespmem:s1+$0xFFFFFF70];
	[tilespmem:s28+$0xF0] =	vst v3;
	s28 =	smov.u32 s1  }
0x266: {  	v3 =	vld.idx.msk [tilespmem:v5+s21+$0x0], $0xffff  }
0x267: {  	v5 =	vld [tilespmem:s1+$0xFFFFFF00]  }
0x268: {  	v9 =	vld [tilespmem:s1+$0xFFFFFF20]  }
0x269: {  	v10 =	vld [tilespmem:s1+$0xFFFFFF10]  }
0x26a: {  	v11 =	vld [tilespmem:s1+$0xFFFFFF40];
	_ =	sdelay $0x1  }
0x26b: {  	v4 =	vmul.f32 v4, v3;
	v5 =	vmul.f32 v5, v3  }
0x26c: {  	s7 =	sadd.s32 $0xFFFFFFFE, s0;
	v6 =	vmul.f32 v6, v3;
	v9 =	vmul.f32 v9, v3  }
0x26d: {  	v8 =	vmul.f32 v8, v3;
	v10 =	vmul.f32 v10, v3;
	[tilespmem:s1+$0xFFFFFF70] =	vst v4;
	v4 =	vmov s7  }
0x26e: {  	[tilespmem:s1+$0xFFFFFF00] =	vst v5;
	v5 =	vmul.f32 v11, v3;
	v3 =	vmul.f32 v7, v3;
	v4 =	vand.u32 $0xFFFFFFFD, v4  }
0x26f: {  	[tilespmem:s1+$0xFFFFFF20] =	vst v9;
	v4 =	vbroadcast v4, $0x0  }
0x270: {  	[tilespmem:s1+$0xFFFFFF30] =	vst v8  }
0x271: {  	[tilespmem:s1+$0xFFFFFF50] =	vst v3;
	v3 =	vld [tilespmem:s1+$0xFFFFFFF0]  }
0x272: {  	[tilespmem:s1+$0xFFFFFF10] =	vst v10;
	v7 =	vld [tilespmem:s1+$0xFFFFFFD0]  }
0x273: {  	[tilespmem:s1+$0xFFFFFF60] =	vst v6;
	v6 =	vld [tilespmem:s1+$0xFFFFFFB0]  }
0x274: {  	[tilespmem:s1+$0xFFFFFF40] =	vst v5;
	v5 =	vld [tilespmem:s1+$0xFFFFFF90]  }
0x275: {  	v4 =	vld.idx.msk [tilespmem:v4+s21+$0x0], $0xffff  }
0x276: {  	v8 =	vld [tilespmem:s1+$0xFFFFFF80]  }
0x277: {  	v9 =	vld [tilespmem:s1+$0xFFFFFFA0]  }
0x278: {  	v10 =	vld [tilespmem:s1+$0xFFFFFFC0]  }
0x279: {  	v11 =	vld [tilespmem:s1+$0xFFFFFFE0];
	_ =	sdelay $0x1  }
0x27a: {  	v5 =	vmul.f32 v5, v4;
	v8 =	vmul.f32 v8, v4  }
0x27b: {  	s7 =	sadd.s32 $0xFFFFFFFF, s0;
	v6 =	vmul.f32 v6, v4;
	v9 =	vmul.f32 v9, v4  }
0x27c: {  	v7 =	vmul.f32 v7, v4;
	[tilespmem:s1+$0xFFFFFF80] =	vst v8;
	v8 =	vmul.f32 v10, v4;
	v10 =	vmov s7  }
0x27d: {  	v3 =	vmul.f32 v3, v4;
	[tilespmem:s1+$0xFFFFFFA0] =	vst v9;
	v9 =	vmul.f32 v11, v4;
	v4 =	vand.u32 $0xFFFFFFFE, v10  }
0x27e: {  	[tilespmem:s1+$0xFFFFFF90] =	vst v5;
	v4 =	vbroadcast v4, $0x0  }
0x27f: {  	[tilespmem:s1+$0xFFFFFFD0] =	vst v7  }
0x280: {  	[tilespmem:s1+$0xFFFFFFE0] =	vst v9  }
0x281: {  	[tilespmem:s1+$0xFFFFFFB0] =	vst v6  }
.Ltmp6:
0x282: {  	[tilespmem:s1+$0xFFFFFFF0] =	vst v3;
	v5 =	vld [tilespmem:s1+$0x20];
	(pc) =	sbr.rel @p1 .LBB2_13-.Ltmp6, $4  }
0x283: {  	[tilespmem:s1+$0xFFFFFFC0] =	vst v8;
	v6 =	vld [tilespmem:s1+$0x0]  }
0x284: {  	v3 =	vld.idx.msk [tilespmem:v4+s21+$0x0], $0xffff  }
0x285: {  	v4 =	vld [tilespmem:s1+$0x10]  }
0x286: {  	v7 =	vld [tilespmem:s1+$0x30]  }
0x287: {  	_ =	sdelay $0x1  }
0x288: {  	v8 =	vld [tilespmem:s28+$0x60];
	v6 =	vmul.f32 v6, v3  }
0x289: {  	v9 =	vld [tilespmem:s28+$0x50];
	v5 =	vmul.f32 v5, v3  }
0x28a: {  	v1 =	vmul.f32 v1, v3;
	[tilespmem:s28+$0x0] =	vst v6  }
0x28b: {  	v2 =	vmul.f32 v2, v3;
	[tilespmem:s28+$0x20] =	vst v5  }
0x28c: {  	v7 =	vmul.f32 v7, v3;
	[tilespmem:s28+$0x40] =	vst v1  }
0x28d: {  	v57 =	vmov s0;
	[tilespmem:s28+$0x70] =	vst v2;
	v54 =	vmul.f32 v8, v3  }
0x28e: {  	v55 =	vmul.f32 v9, v3;
	[tilespmem:s28+$0x30] =	vst v7  }
0x28f: {  	v3 =	vmul.f32 v4, v3;
	[tilespmem:s28+$0x60] =	vst v54  }
0x290: {  	[tilespmem:s28+$0x50] =	vst v55  }
0x291: {  	v56 =	vld [tilespmem:s28+$0x80];
	[tilespmem:s28+$0x10] =	vst v3  }
0x292: {  	v1 =	vld.idx.msk [tilespmem:v57+s21+$0x0], $0xffff  }
0x293: {  	v2 =	vld [tilespmem:s28+$0x90]  }
0x294: {  	v3 =	vld [tilespmem:s28+$0xA0]  }
0x295: {  	v58 =	vld [tilespmem:s28+$0xD0]  }
0x296: {  	v61 =	vld [tilespmem:s28+$0xE0]  }
0x297: {  	v59 =	vld [tilespmem:s28+$0xB0];
	v7 =	vmul.f32 v56, v1  }
0x298: {  	v60 =	vld [tilespmem:s28+$0xC0];
	v2 =	vmul.f32 v2, v1  }
0x299: {  	v62 =	vld [tilespmem:s28+$0xF0];
	v3 =	vmul.f32 v3, v1;
	[tilespmem:s28+$0x80] =	vst v7  }
0x29a: {  	v4 =	vmul.f32 v58, v1;
	[tilespmem:s28+$0x90] =	vst v2  }
0x29b: {  	v63 =	vmul.f32 v61, v1;
	[tilespmem:s28+$0xA0] =	vst v3  }
0x29c: {  	v2 =	vmul.f32 v59, v1;
	[tilespmem:s28+$0xD0] =	vst v4  }
0x29d: {  	v3 =	vmul.f32 v60, v1;
	[tilespmem:s28+$0xE0] =	vst v63  }
0x29e: {  	s26 =	sadd.s32 $0x1, s26;
	v1 =	vmul.f32 v62, v1;
	[tilespmem:s28+$0xB0] =	vst v2  }
0x29f: {  	p1 =	sne.s32 s26, $0x5;
	[tilespmem:s28+$0xC0] =	vst v3  }
.Ltmp7:
0x2a0: {  	[tilespmem:s28+$0xF0] =	vst v1;
	(pc) =	sbr.rel @p1 .LBB2_6-.Ltmp7, $4  }
0x2a1: {  	[spmem:s3] =	stream.indirect.scatter.add.f32 [tilespmem:s15], [sflag:$0x2], $0x80, s22, s18, $0xb8;
	[tilespmem:$0x1F080] =	vst v63  }
0x2a2: {  	_ =	swait.ge [sflag:s14], $0x2800  }
0x2a3: {  	[sflag:s14] =	ssyncset.done $0x0  }
0x2a4: {  	[sflag:s14] =	ssyncadd.s32 $0xFFFFD800  }
.Ltmp8:
0x2a5: {  	s0 =	stileid.u32;
	(pc) =	sbr.rel @!p0 .LBB2_17-.Ltmp8, $4  }
0x2a6: {  	[bflag:$0x0] =	sbarrier.arrive $0xFFFF;
	s0 =	sshll.u32 s0, $0x6  }
0x2a7: {  	s1 =	sshrl.u32 s11, $0x3;
	s4 =	sadd.s32 $0x5000, s12;
	s0 =	sor.u32 $0x1C02, s0  }
0x2a8: {  	[hbm:s12], [sflag:s0] =	dma.local [spmem:s1], $0x500  }
0x2a9: {  	s25 =	smov.u32 s11;
	s1 =	sadd.s32 $0xFFFFFFFF, s9;
	_ =	swait.ge [sflag:s14], $0x500  }
.LBB2_16:
0x2aa: {  	[sflag:s14] =	ssyncset.done $0x0;
	s25 =	sadd.s32 $0x28000, s25;
	p0 =	sne.s32 s1, $0x1  }
.Ltmp9:
0x2ab: {  	s7 =	sshrl.u32 s25, $0x3;
	[sflag:s14] =	ssyncadd.s32 $0xFFFFFB00;
	(pc) =	sbr.rel @p0 .LBB2_16-.Ltmp9, $3  }
0x2ac: {  	[hbm:s4], [sflag:s0] =	dma.local [spmem:s7], $0x500  }
0x2ad: {  	s1 =	sadd.s32 $0xFFFFFFFF, s1;
	_ =	sdelay $0x1  }
0x2ae: {  	s4 =	sadd.s32 $0x5000, s4;
	_ =	swait.ge [sflag:s14], $0x500  }
.LBB2_17:
0x2af: {  	s24 =	sadd.s32 $0x1, s24  }
0x2b0: {  	p0 =	sne.s32 s24, s10  }
.Ltmp10:
0x2b1: {  	_ = 	snop;
	(pc) =	sbr.rel @p0 .LBB2_1-.Ltmp10, $3  }
0x2b2: {  	_ =	sdelay $0x1  }
0x2b3: {  	[sflag:s14] =	ssyncset.done $0x0  }
0x2b4: {  	[sflag:s14] =	ssyncadd.s32 $0xFFFFFB00  }
0x2b5: {  	_ =	sfence.sel $0x180000  }
0x2b6: {  	[bflag:$0x0] =	sbarrier.arrive $0xFFFF  }
0x2b7: {  	_ =	strace $0x90000047  }
0x2b8: {  	s0 =	stileid.u32;
	[bflag:$0x2] =	sbarrier.arrive $0xFFFF  }
0x2b9: {  	p0 =	sne.s32 s0, $0x0;
	s0 =	rddreg [dreg:$0x3]  }
0x2ba: {  	s0 =	sadd.s32 @!p0 $0x100000, s0  }
0x2bb: {  	[sflag:s0] =	ssyncadd.tile.s32 @!p0 $0x1;
	_ =	shalt  }
.Lfunc_end2:
_tile_overlayer_lowered:
.L_overlay_start_2:
0x2bc: {  	(tag) =	ssettag $0x2  }
0x2bd: {  	s0 =	rddreg [dreg:$0x0];
	s2 =	stileid.u32  }
0x2be: {  	s1 =	rddreg [dreg:$0x1];
	p0 =	sne.s32 s2, $0x0  }
0x2bf: {  	s3 =	rddreg [dreg:$0x2];
	[bflag:$0x3] =	sbarrier.arrive $0xFFFF;
	s2 =	simm.s32 @!p0 $0x1C02  }
0x2c0: {  	[timem:s3], [sflag:s2] =	dma.local @!p0 [hbm:s0], s1  }
0x2c1: {  	s0 =	simm.s32 @!p0 $0x2  }
0x2c2: {  	_ =	swait.ge @!p0 [sflag:s0], s1  }
0x2c3: {  	s1 =	ssub.s32 @!p0 $0x0, s1;
	[sflag:s0] =	ssyncset.done @!p0 $0x0  }
0x2c4: {  	[sflag:s0] =	ssyncadd.s32 @!p0 s1  }
0x2c5: {  	[bflag:$0x3] =	sbarrier.arrive $0xFFFF  }
0x2c6: {  	_ =	shalt  }

</sc_bundles>
